<compile_context>
chip_gen: v7x
topology: tpu7x:2x2x1
jax: 0.10.2.dev20260603
libtpu: 0.0.44.dev20260713+nightly
codegen_flags: <defaults>
</compile_context>

<pallas_src>
import functools

import jax
import jax.numpy as jnp
from jax import lax
from jax.experimental import pallas as pl
from jax.experimental.pallas import tpu as pltpu
from jax.experimental.pallas import tpu_sc as plsc

F32 = jnp.float32
ALPHA = 0.2
TUA = 0.2
EPS = 0.1

NC = 2
NS = 16
NW = NC * NS


def _sc_mesh():
    return plsc.VectorSubcoreMesh(
        core_axis_name="c", subcore_axis_name="s", num_cores=NC, num_subcores=NS
    )


def _make_deg_kernel(nrows, nch):
    @functools.partial(
        pl.kernel,
        out_type=jax.ShapeDtypeStruct((NC, nrows, 128), F32),
        mesh=_sc_mesh(),
        scratch_types=[
            pltpu.VMEM((nch, 128), jnp.int32),
            pltpu.VMEM((128, 128), F32),
            pltpu.VMEM_SHARED((nrows, 128), F32),
            pltpu.SemaphoreType.DMA,
        ],
    )
    def deg_k(dst_hbm, ones_hbm, zeros_hbm, out_hbm, idx_v, ones_v, acc_sh, sem):
        c = lax.axis_index("c")
        s = lax.axis_index("s")
        w = c * NS + s
        rpt = nrows // NS
        pltpu.sync_copy(zeros_hbm.at[pl.ds(s * rpt, rpt)], acc_sh.at[pl.ds(s * rpt, rpt)])
        pltpu.sync_copy(ones_hbm, ones_v)
        pltpu.sync_copy(dst_hbm.at[pl.ds(w * nch, nch)], idx_v)
        plsc.subcore_barrier()

        def body(j, carry):
            pltpu.sync_copy(ones_v, acc_sh.at[idx_v.at[j]], add=True)
            return carry

        lax.fori_loop(0, nch, body, 0)
        plsc.subcore_barrier()
        pltpu.sync_copy(acc_sh.at[pl.ds(s * rpt, rpt)], out_hbm.at[c, pl.ds(s * rpt, rpt)])

    return deg_k


def _make_conv_kernel(nrows, nch0, nch1, hchunks):
    nchm = max(nch0, nch1)

    @functools.partial(
        pl.kernel,
        out_type=jax.ShapeDtypeStruct((NC, nrows, 128 * hchunks), F32),
        mesh=_sc_mesh(),
        scratch_types=[
            pltpu.VMEM((nchm, 128), jnp.int32),
            pltpu.VMEM((nchm, 128), jnp.int32),
            pltpu.VMEM((128, 128), F32),
            pltpu.VMEM((128, 128), F32),
            pltpu.VMEM_SHARED((nrows, 128), F32),
            pltpu.SemaphoreType.DMA,
            pltpu.SemaphoreType.DMA,
        ],
    )
    def conv_k(src_hbm, dst_hbm, hs0, hs1, hs2, hs3, zeros_hbm, out_hbm,
               idx_s, idx_d, buf0, buf1, acc_sh, sem0, sem1):
        c = lax.axis_index("c")
        s = lax.axis_index("s")
        rpt = nrows // NS
        start = jnp.where(c == 0, s * nch0, NS * nch0 + s * nch1)
        cnt = jnp.where(c == 0, nch0, nch1)
        pltpu.sync_copy(src_hbm.at[pl.ds(start, nchm)], idx_s)
        pltpu.sync_copy(dst_hbm.at[pl.ds(start, nchm)], idx_d)
        hs_all = (hs0, hs1, hs2, hs3)
        last = cnt - 1
        for k in range(hchunks):
            hs_k = hs_all[k]
            pltpu.sync_copy(zeros_hbm.at[pl.ds(s * rpt, rpt)],
                            acc_sh.at[pl.ds(s * rpt, rpt)])
            plsc.subcore_barrier()
            pltpu.async_copy(hs_k.at[idx_s.at[0]], buf0, sem0)

            def body(jj, carry):
                j0 = 2 * jj
                j1 = j0 + 1
                pltpu.async_copy(hs_k.at[idx_s.at[j1]], buf1, sem1)
                pltpu.make_async_copy(hs_k.at[idx_s.at[j0]], buf0, sem0).wait()
                pltpu.sync_copy(buf0, acc_sh.at[idx_d.at[j0]], add=True)
                jn = jnp.minimum(j0 + 2, last)
                pltpu.async_copy(hs_k.at[idx_s.at[jn]], buf0, sem0)
                pltpu.make_async_copy(hs_k.at[idx_s.at[j1]], buf1, sem1).wait()
                pltpu.sync_copy(buf1, acc_sh.at[idx_d.at[j1]], add=True)
                return carry

            lax.fori_loop(0, cnt // 2, body, 0)
            pltpu.make_async_copy(hs_k.at[idx_s.at[last]], buf0, sem0).wait()
            plsc.subcore_barrier()
            pltpu.sync_copy(
                acc_sh.at[pl.ds(s * rpt, rpt)],
                out_hbm.at[c, pl.ds(s * rpt, rpt), pl.ds(k * 128, 128)],
            )
            plsc.subcore_barrier()

    return conv_k


def _make_gather_kernel(d, g0, g1, ngpad):
    gm = max(g0, g1)

    @functools.partial(
        pl.kernel,
        out_type=jax.ShapeDtypeStruct((ngpad, d), F32),
        mesh=_sc_mesh(),
        scratch_types=[
            pltpu.VMEM((8, 128), jnp.int32),
            pltpu.VMEM((128, d), F32),
            pltpu.SemaphoreType.DMA,
        ],
        name="session_gather",
    )
    def gather_k(ne_hbm, gidx_hbm, out_hbm, idx_v, rows_v, sem):
        c = lax.axis_index("c")
        s = lax.axis_index("s")
        w = c * NS + s
        cnt = jnp.where(c == 0, g0, g1)
        base = jnp.where(c == 0, s * g0, NS * g0 + s * g1)
        pltpu.sync_copy(gidx_hbm.at[pl.ds(w * 8, 8)], idx_v)
        for j in range(gm):
            @pl.when(j < cnt)
            def _():
                pltpu.async_copy(ne_hbm.at[idx_v.at[j]], rows_v, sem).wait()
                pltpu.sync_copy(rows_v, out_hbm.at[pl.ds((base + j) * 128, 128)])

    return gather_k


def _prep_body(x_ref, nz_ref, w_ref, deg_ref,
               hs0, hs1, hs2, hs3, xcl_ref, dis_ref):
    x = x_ref[...]
    nz = nz_ref[...]
    nn = jnp.sqrt(jnp.sum(nz * nz, axis=1, keepdims=True))
    xcl = x + nz / jnp.maximum(nn, 1e-12) * EPS
    degs = deg_ref[0] + deg_ref[1]
    dis = lax.rsqrt(degs[:, 0:1] + 1.0)
    w = w_ref[...]
    h1 = jnp.dot(x, w, preferred_element_type=F32) * dis
    h2 = jnp.dot(xcl, w, preferred_element_type=F32) * dis
    hs0[...] = h1[:, :128]
    hs1[...] = h1[:, 128:]
    hs2[...] = h2[:, :128]
    hs3[...] = h2[:, 128:]
    xcl_ref[...] = xcl
    dis_ref[...] = jnp.broadcast_to(dis, dis_ref.shape)


def _combine_body(acc_ref, hs0, hs1, hs2, hs3, x_ref, xcl_ref, dis_ref, b_ref,
                  ne_ref, v1_ref, v2_ref, pos_ref):
    d = x_ref.shape[1]
    a = acc_ref[0] + acc_ref[1]
    dis = dis_ref[:, 0:1]
    b = b_ref[...]
    h1 = jnp.concatenate([hs0[...], hs1[...]], axis=1)
    h2 = jnp.concatenate([hs2[...], hs3[...]], axis=1)
    conv1 = (a[:, :d] + h1) * dis + b
    conv2 = (a[:, d:] + h2) * dis + b
    ne = jnp.where(conv1 >= 0, conv1, ALPHA * conv1) + x_ref[...]
    necl = jnp.where(conv2 >= 0, conv2, ALPHA * conv2) + xcl_ref[...]
    n1 = jnp.sqrt(jnp.sum(ne * ne, axis=1, keepdims=True))
    v1 = ne / jnp.maximum(n1, 1e-12)
    n2 = jnp.sqrt(jnp.sum(necl * necl, axis=1, keepdims=True))
    v2 = necl / jnp.maximum(n2, 1e-12)
    ne_ref[...] = ne
    v1_ref[...] = v1
    v2_ref[...] = v2
    pos_ref[...] = jnp.broadcast_to(jnp.sum(v1 * v2, axis=1, keepdims=True),
                                    pos_ref.shape)


def _make_nce_body(n_total):
    def _nce_body(v1_ref, v2_ref, pos_ref, out_ref, srow, accs):
        i = pl.program_id(0)
        j = pl.program_id(1)
        ni = pl.num_programs(0)
        nj = pl.num_programs(1)
        sim = lax.dot_general(v1_ref[...], v2_ref[...],
                              (((1,), (1,)), ((), ())),
                              preferred_element_type=F32)
        e = jnp.exp(sim * (1.0 / TUA))
        rs = jnp.sum(e, axis=1, keepdims=True)

        @pl.when(j == 0)
        def _():
            srow[...] = jnp.broadcast_to(rs, srow.shape)

        @pl.when(j > 0)
        def _():
            srow[...] += jnp.broadcast_to(rs, srow.shape)

        @pl.when(j == nj - 1)
        def _():
            part = jnp.sum(jnp.log(srow[:, 0:1]) - pos_ref[:, 0:1] * (1.0 / TUA))

            @pl.when(i == 0)
            def _():
                accs[0, 0] = part

            @pl.when(i > 0)
            def _():
                accs[0, 0] += part

            @pl.when(i == ni - 1)
            def _():
                out_ref[...] = jnp.broadcast_to(accs[0, 0] * (1.0 / n_total), (1, 1))

    return _nce_body


def _make_sess_body(n_sess_blk, sess_len):
    def _sess_body(seq_ref, mask_ref, w2_ref, b2_ref, out_ref):
        d = seq_ref.shape[1]
        sq = seq_ref[...] * mask_ref[:, 0:1]
        m3 = sq.reshape(n_sess_blk, sess_len, d)
        mean = jnp.sum(m3, axis=1) * (1.0 / sess_len)
        sm = lax.dot_general(mean, w2_ref[...], (((1,), (1,)), ((), ())),
                             preferred_element_type=F32) + b2_ref[...]
        sm = jnp.maximum(sm, 0.0)
        smb = jnp.broadcast_to(sm[:, None, :], (n_sess_blk, sess_len, d))
        out_ref[...] = sq + smb.reshape(n_sess_blk * sess_len, d)

    return _sess_body


def kernel(x_embed, edge_index, batch, mask, alias_session, noise,
           W_gcn, b_gcn, W2, b2):
    n, d = x_embed.shape
    e = edge_index.shape[1]
    bs, ls = alias_session.shape

    nrows = ((n + 1 + 16 * 8 * 5 - 1) // (16 * 8 * 5)) * (16 * 8 * 5)
    epad = ((e + NW * 128 - 1) // (NW * 128)) * (NW * 128)
    nch = epad // (NW * 128)
    hchunks = (2 * d) // 128

    src = edge_index[0]
    dst = edge_index[1]
    pad_e = epad - e
    srcp = jnp.concatenate([src, jnp.zeros((pad_e,), jnp.int32)]).reshape(epad // 128, 128)
    dstp = jnp.concatenate([dst, jnp.full((pad_e,), n, jnp.int32)]).reshape(epad // 128, 128)
    z128 = jnp.zeros((nrows, 128), F32)
    ones128 = jnp.ones((128, 128), F32)

    deg2 = _make_deg_kernel(nrows, nch)(dstp, ones128, z128)

    rb = 1000
    gridn = n // rb
    hs_sh = jax.ShapeDtypeStruct((n, 128), F32)
    hs0, hs1, hs2, hs3, xcl, disb = pl.pallas_call(
        _prep_body,
        grid=(gridn,),
        in_specs=[
            pl.BlockSpec((rb, d), lambda i: (i, 0)),
            pl.BlockSpec((rb, d), lambda i: (i, 0)),
            pl.BlockSpec((d, d), lambda i: (0, 0)),
            pl.BlockSpec((NC, rb, 128), lambda i: (0, i, 0)),
        ],
        out_specs=[
            pl.BlockSpec((rb, 128), lambda i: (i, 0)),
            pl.BlockSpec((rb, 128), lambda i: (i, 0)),
            pl.BlockSpec((rb, 128), lambda i: (i, 0)),
            pl.BlockSpec((rb, 128), lambda i: (i, 0)),
            pl.BlockSpec((rb, d), lambda i: (i, 0)),
            pl.BlockSpec((rb, 128), lambda i: (i, 0)),
        ],
        out_shape=[hs_sh, hs_sh, hs_sh, hs_sh,
                   jax.ShapeDtypeStruct((n, d), F32),
                   jax.ShapeDtypeStruct((n, 128), F32)],
    )(x_embed, noise, W_gcn, deg2)

    rows_tot = epad // 128
    nch0 = max(8, ((rows_tot // 5) // (2 * NS)) * 2)
    nch1 = rows_tot // NS - nch0
    acc = _make_conv_kernel(nrows, nch0, nch1, hchunks)(srcp, dstp, hs0, hs1, hs2, hs3, z128)

    ne, v1, v2, posb = pl.pallas_call(
        _combine_body,
        grid=(gridn,),
        in_specs=[
            pl.BlockSpec((NC, rb, 2 * d), lambda i: (0, i, 0)),
            pl.BlockSpec((rb, 128), lambda i: (i, 0)),
            pl.BlockSpec((rb, 128), lambda i: (i, 0)),
            pl.BlockSpec((rb, 128), lambda i: (i, 0)),
            pl.BlockSpec((rb, 128), lambda i: (i, 0)),
            pl.BlockSpec((rb, d), lambda i: (i, 0)),
            pl.BlockSpec((rb, d), lambda i: (i, 0)),
            pl.BlockSpec((rb, 128), lambda i: (i, 0)),
            pl.BlockSpec((1, d), lambda i: (0, 0)),
        ],
        out_specs=[
            pl.BlockSpec((rb, d), lambda i: (i, 0)),
            pl.BlockSpec((rb, d), lambda i: (i, 0)),
            pl.BlockSpec((rb, d), lambda i: (i, 0)),
            pl.BlockSpec((rb, 128), lambda i: (i, 0)),
        ],
        out_shape=[jax.ShapeDtypeStruct((n, d), F32),
                   jax.ShapeDtypeStruct((n, d), F32),
                   jax.ShapeDtypeStruct((n, d), F32),
                   jax.ShapeDtypeStruct((n, 128), F32)],
    )(acc, hs0, hs1, hs2, hs3, x_embed, xcl, disb, b_gcn.reshape(1, d))

    offsets = jnp.searchsorted(batch, jnp.arange(bs, dtype=batch.dtype)).astype(jnp.int32)
    gidx = (alias_session.astype(jnp.int32) + offsets[:, None]).reshape(-1)
    ng = bs * ls
    g0, g1 = 1, 5
    ngpad = NS * (g0 + g1) * 128
    g3 = jnp.concatenate([gidx, jnp.zeros((ngpad - ng,), jnp.int32)]).reshape(NS * (g0 + g1), 128)
    slots = jnp.zeros((NW, 8, 128), jnp.int32)
    for w in range(NW):
        cbase = w * g0 if w < NS else NS * g0 + (w - NS) * g1
        ccnt = g0 if w < NS else g1
        slots = slots.at[w, :ccnt].set(g3[cbase:cbase + ccnt])
    gidxp = slots.reshape(NW * 8, 128)
    seq = _make_gather_kernel(d, g0, g1, ngpad)(ne, gidxp)

    loss = pl.pallas_call(
        _make_nce_body(n),
        grid=(gridn, gridn),
        in_specs=[
            pl.BlockSpec((rb, d), lambda i, j: (i, 0)),
            pl.BlockSpec((rb, d), lambda i, j: (j, 0)),
            pl.BlockSpec((rb, 128), lambda i, j: (i, 0)),
        ],
        out_specs=pl.BlockSpec((1, 1), lambda i, j: (0, 0)),
        out_shape=jax.ShapeDtypeStruct((1, 1), F32),
        scratch_shapes=[pltpu.VMEM((rb, 128), F32), pltpu.SMEM((1, 1), F32)],
    )(v1, v2, posb)

    sb = 20
    maskb = jnp.broadcast_to(mask.reshape(ng, 1), (ng, 128))
    spre = pl.pallas_call(
        _make_sess_body(sb, ls),
        grid=(bs // sb,),
        in_specs=[
            pl.BlockSpec((sb * ls, d), lambda i: (i, 0)),
            pl.BlockSpec((sb * ls, 128), lambda i: (i, 0)),
            pl.BlockSpec((d, d), lambda i: (0, 0)),
            pl.BlockSpec((1, d), lambda i: (0, 0)),
        ],
        out_specs=pl.BlockSpec((sb * ls, d), lambda i: (i, 0)),
        out_shape=jax.ShapeDtypeStruct((ng, d), F32),
    )(seq, maskb, W2, b2.reshape(1, d))

    return (spre.reshape(bs, ls, d), loss[0, 0])

# --- scband reference (transcript-rebuilt; emitter-appended) ---
"""Pipeline reference for scband-session-graph-cl-24704651886664 (READ-ONLY COPY).

The authoritative reference and input builder live on the scoring server;
editing this copy changes nothing except your own understanding.
"""

import jax, jax.numpy as jnp
import numpy as np

HIDDEN = 256
N_NODES = 10000
N_EDGES = 160000
B = 500
L = 20
NODES_PER_SESSION = N_NODES // B
ALPHA = 0.2
TUA = 0.2
EPS = 0.1


def setup_inputs(seed: int = 0) -> dict:
    key = jax.random.key(seed)
    ks = jax.random.split(key, 8)
    x_embed = jax.random.normal(ks[0], (N_NODES, HIDDEN), dtype=jnp.float32)
    edge_index = jax.random.randint(ks[1], (2, N_EDGES), 0, N_NODES, dtype=jnp.int32)
    # nodes are grouped contiguously by session (sorted batch vector), 20 nodes per session
    batch = jnp.repeat(jnp.arange(B, dtype=jnp.int32), NODES_PER_SESSION)
    mask = jnp.ones((B, L), dtype=jnp.float32)
    alias_session = jax.random.randint(ks[2], (B, L), 0, NODES_PER_SESSION, dtype=jnp.int32)
    noise = jax.random.normal(ks[3], (N_NODES, HIDDEN), dtype=jnp.float32)
    s = 1.0 / np.sqrt(HIDDEN)
    W_gcn = jax.random.uniform(ks[4], (HIDDEN, HIDDEN), dtype=jnp.float32, minval=-s, maxval=s)
    b_gcn = jnp.zeros((HIDDEN,), dtype=jnp.float32)
    W2 = jax.random.uniform(ks[5], (HIDDEN, HIDDEN), dtype=jnp.float32, minval=-s, maxval=s)
    b2 = jax.random.uniform(ks[6], (HIDDEN,), dtype=jnp.float32, minval=-s, maxval=s)
    return {"x_embed": x_embed, "edge_index": edge_index, "batch": batch, "mask": mask,
            "alias_session": alias_session, "noise": noise,
            "W_gcn": W_gcn, "b_gcn": b_gcn, "W2": W2, "b2": b2}


def _l2norm(v, axis):
    n = jnp.sqrt(jnp.sum(v * v, axis=axis, keepdims=True))
    return v / jnp.maximum(n, 1e-12)


def _leaky_relu(x):
    return jnp.where(x >= 0, x, ALPHA * x)


def _gcn_conv(x, src, dst, W, b, n):
    # PyG GCNConv: add self loops, symmetric normalization, linear, scatter-add at dst
    loop = jnp.arange(n, dtype=src.dtype)
    s = jnp.concatenate([src, loop])
    d = jnp.concatenate([dst, loop])
    deg = jnp.zeros((n,), x.dtype).at[d].add(1.0)
    dis = jax.lax.rsqrt(deg)  # deg >= 1 because of self-loops
    norm = dis[s] * dis[d]
    h = x @ W
    msg = h[s] * norm[:, None]
    out = jax.ops.segment_sum(msg, d, num_segments=n)
    return out + b


def _info_nce(view1, view2, temperature):
    v1 = _l2norm(view1, 1)
    v2 = _l2norm(view2, 1)
    pos_score = jnp.exp(jnp.sum(v1 * v2, axis=-1) / temperature)
    ttl_score = jnp.sum(jnp.exp((v1 @ v2.T) / temperature), axis=1)
    return jnp.mean(-jnp.log(pos_score / ttl_score))


def reference(x_embed, edge_index, batch, mask, alias_session, noise, W_gcn, b_gcn, W2, b2):
    n = x_embed.shape[0]
    Bs, Ls = alias_session.shape
    src, dst = edge_index[0], edge_index[1]
    # contrastive view: additive normalized noise
    x_embed_cl = x_embed + _l2norm(noise, -1) * EPS
    node_embed = _leaky_relu(_gcn_conv(x_embed, src, dst, W_gcn, b_gcn, n)) + x_embed
    node_embed_cl = _leaky_relu(_gcn_conv(x_embed_cl, src, dst, W_gcn, b_gcn, n)) + x_embed_cl
    gcl_loss = _info_nce(node_embed, node_embed_cl, TUA)
    # translate_to_seq: split node_embed by session counts, gather by alias index
    section = jnp.bincount(batch, length=Bs)
    offsets = jnp.concatenate([jnp.zeros((1,), section.dtype), jnp.cumsum(section)[:-1]])
    gidx = alias_session + offsets[:, None]
    seq_embed = node_embed[gidx] * mask[..., None]
    session_mean = jax.nn.relu(jnp.mean(seq_embed, axis=1) @ W2.T + b2)
    session_mean = jnp.broadcast_to(session_mean[:, None, :], seq_embed.shape)
    # dropout is identity in eval mode
    session_pre = seq_embed + session_mean
    return (session_pre, gcl_loss)

if __name__ == "__main__":
    import jax
    _d = setup_inputs()
    print(jax.jit(kernel)(*tuple(_d.values())))

</pallas_src>

<mosaic_0001>
#map = affine_map<(d0, d1) -> (0, 0)>
#map1 = affine_map<(d0, d1) -> (0, 0, 0)>
module attributes {stable_mosaic.version = 14 : i64} {
  func.func @conv_k(%arg0: i32, %arg1: i32, %arg2: memref<1280x128xi32, #tpu.memory_space<hbm>>, %arg3: memref<1280x128xi32, #tpu.memory_space<hbm>>, %arg4: memref<10000x128xf32, #tpu.memory_space<hbm>>, %arg5: memref<10000x128xf32, #tpu.memory_space<hbm>>, %arg6: memref<10000x128xf32, #tpu.memory_space<hbm>>, %arg7: memref<10000x128xf32, #tpu.memory_space<hbm>>, %arg8: memref<10240x128xf32, #tpu.memory_space<hbm>>, %arg9: memref<2x10240x512xf32, #tpu.memory_space<hbm>>, %arg10: memref<64x128xi32, #tpu.memory_space<vmem>>, %arg11: memref<64x128xi32, #tpu.memory_space<vmem>>, %arg12: memref<128x128xf32, #tpu.memory_space<vmem>>, %arg13: memref<128x128xf32, #tpu.memory_space<vmem>>, %arg14: memref<10240x128xf32, #tpu.memory_space<vmem_shared>>, %arg15: memref<!tpu.dma_semaphore, #tpu.memory_space<semaphore_mem>>, %arg16: memref<!tpu.dma_semaphore, #tpu.memory_space<semaphore_mem>>) attributes {dimension_semantics = [#tpu.dimension_semantics<core_parallel>, #tpu.dimension_semantics<subcore_parallel>], iteration_bounds = array<i64: 2, 16>, scalar_prefetch = 0 : i64, scratch_operands = 7 : i64, tpu.core_type = #tpu.core_type<sc_vector_subcore>, window_params = [{transform_indices = #map}, {transform_indices = #map}, {transform_indices = #map}, {transform_indices = #map}, {transform_indices = #map}, {transform_indices = #map}, {transform_indices = #map}, {transform_indices = #map1}]} {
    %eq3A = arith.constant 0 : i32
    %eq3A_0 = arith.cmpi eq, %arg0, %eq3A : i32
    %mul3A = arith.constant 16 : i32
    %mul3A_1 = arith.muli %arg1, %mul3A : i32
    %mul3A_2 = arith.constant 64 : i32
    %mul3A_3 = arith.muli %arg1, %mul3A_2 : i32
    %add3A = arith.constant 256 : i32
    %add3A_4 = arith.addi %add3A, %mul3A_3 : i32
    %select_n3A = arith.select %eq3A_0, %mul3A_1, %add3A_4 : i32
    %eq3A_5 = arith.constant 0 : i32
    %eq3A_6 = arith.cmpi eq, %arg0, %eq3A_5 : i32
    %jit3A = arith.constant 16 : i32
    %jit3A_7 = arith.constant 64 : i32
    %select_n3A_8 = arith.select %eq3A_6, %jit3A, %jit3A_7 : i32
    "tpu.region"() ({
      %run_scoped3A = tpu.sem_alloc : memref<!tpu.dma_semaphore, #tpu.memory_space<semaphore_mem>>
      %dma_start3A_233 = arith.constant 0 : i32
      %dma_start3A_234 = tpu.memref_slice %arg2[%select_n3A, %dma_start3A_233] : memref<1280x128xi32, #tpu.memory_space<hbm>> -> memref<64x128xi32, #tpu.memory_space<hbm>>
      %dma_start3A_235 = arith.constant 0 : i32
      %dma_start3A_236 = tpu.memref_slice %arg2[%select_n3A, %dma_start3A_235] : memref<1280x128xi32, #tpu.memory_space<hbm>> -> memref<64x128xi32, #tpu.memory_space<hbm>>
      tpu.enqueue_dma source(%dma_start3A_236 : memref<64x128xi32, #tpu.memory_space<hbm>>) target(%arg10 : memref<64x128xi32, #tpu.memory_space<vmem>>) target_semaphore(%run_scoped3A : memref<!tpu.dma_semaphore, #tpu.memory_space<semaphore_mem>>)
      %dma_wait3A_237 = arith.constant 0 : i32
      %dma_wait3A_238 = tpu.memref_slice %arg2[%select_n3A, %dma_wait3A_237] : memref<1280x128xi32, #tpu.memory_space<hbm>> -> memref<64x128xi32, #tpu.memory_space<hbm>>
      %dma_wait3A_239 = arith.constant 0 : i32
      %dma_wait3A_240 = tpu.memref_slice %arg2[%select_n3A, %dma_wait3A_239] : memref<1280x128xi32, #tpu.memory_space<hbm>> -> memref<64x128xi32, #tpu.memory_space<hbm>>
      tpu.wait_dma2 semaphore(%run_scoped3A : memref<!tpu.dma_semaphore, #tpu.memory_space<semaphore_mem>>) src(%dma_wait3A_240 : memref<64x128xi32, #tpu.memory_space<hbm>>) dst(%arg10 : memref<64x128xi32, #tpu.memory_space<vmem>>)
      tpu.yield
    }) : () -> ()
    "tpu.region"() ({
      %run_scoped3A = tpu.sem_alloc : memref<!tpu.dma_semaphore, #tpu.memory_space<semaphore_mem>>
      %dma_start3A_233 = arith.constant 0 : i32
      %dma_start3A_234 = tpu.memref_slice %arg3[%select_n3A, %dma_start3A_233] : memref<1280x128xi32, #tpu.memory_space<hbm>> -> memref<64x128xi32, #tpu.memory_space<hbm>>
      %dma_start3A_235 = arith.constant 0 : i32
      %dma_start3A_236 = tpu.memref_slice %arg3[%select_n3A, %dma_start3A_235] : memref<1280x128xi32, #tpu.memory_space<hbm>> -> memref<64x128xi32, #tpu.memory_space<hbm>>
      tpu.enqueue_dma source(%dma_start3A_236 : memref<64x128xi32, #tpu.memory_space<hbm>>) target(%arg11 : memref<64x128xi32, #tpu.memory_space<vmem>>) target_semaphore(%run_scoped3A : memref<!tpu.dma_semaphore, #tpu.memory_space<semaphore_mem>>)
      %dma_wait3A_237 = arith.constant 0 : i32
      %dma_wait3A_238 = tpu.memref_slice %arg3[%select_n3A, %dma_wait3A_237] : memref<1280x128xi32, #tpu.memory_space<hbm>> -> memref<64x128xi32, #tpu.memory_space<hbm>>
      %dma_wait3A_239 = arith.constant 0 : i32
      %dma_wait3A_240 = tpu.memref_slice %arg3[%select_n3A, %dma_wait3A_239] : memref<1280x128xi32, #tpu.memory_space<hbm>> -> memref<64x128xi32, #tpu.memory_space<hbm>>
      tpu.wait_dma2 semaphore(%run_scoped3A : memref<!tpu.dma_semaphore, #tpu.memory_space<semaphore_mem>>) src(%dma_wait3A_240 : memref<64x128xi32, #tpu.memory_space<hbm>>) dst(%arg11 : memref<64x128xi32, #tpu.memory_space<vmem>>)
      tpu.yield
    }) : () -> ()
    %sub3A = arith.constant 1 : i32
    %sub3A_9 = arith.subi %select_n3A_8, %sub3A : i32
    %mul3A_10 = arith.constant 640 : i32
    %mul3A_11 = arith.muli %arg1, %mul3A_10 : i32
    %mul3A_12 = arith.constant 640 : i32
    %mul3A_13 = arith.muli %arg1, %mul3A_12 : i32
    "tpu.region"() ({
      %run_scoped3A = tpu.sem_alloc : memref<!tpu.dma_semaphore, #tpu.memory_space<semaphore_mem>>
      %dma_start3A_233 = arith.constant 0 : i32
      %dma_start3A_234 = tpu.memref_slice %arg14[%mul3A_13, %dma_start3A_233] : memref<10240x128xf32, #tpu.memory_space<vmem_shared>> -> memref<640x128xf32, #tpu.memory_space<vmem_shared>>
      %dma_start3A_235 = arith.constant 0 : i32
      %dma_start3A_236 = tpu.memref_slice %arg8[%mul3A_11, %dma_start3A_235] : memref<10240x128xf32, #tpu.memory_space<hbm>> -> memref<640x128xf32, #tpu.memory_space<hbm>>
      tpu.enqueue_dma source(%dma_start3A_236 : memref<640x128xf32, #tpu.memory_space<hbm>>) target(%dma_start3A_234 : memref<640x128xf32, #tpu.memory_space<vmem_shared>>) target_semaphore(%run_scoped3A : memref<!tpu.dma_semaphore, #tpu.memory_space<semaphore_mem>>)
      %dma_wait3A_237 = arith.constant 0 : i32
      %dma_wait3A_238 = tpu.memref_slice %arg14[%mul3A_13, %dma_wait3A_237] : memref<10240x128xf32, #tpu.memory_space<vmem_shared>> -> memref<640x128xf32, #tpu.memory_space<vmem_shared>>
      %dma_wait3A_239 = arith.constant 0 : i32
      %dma_wait3A_240 = tpu.memref_slice %arg8[%mul3A_11, %dma_wait3A_239] : memref<10240x128xf32, #tpu.memory_space<hbm>> -> memref<640x128xf32, #tpu.memory_space<hbm>>
      tpu.wait_dma2 semaphore(%run_scoped3A : memref<!tpu.dma_semaphore, #tpu.memory_space<semaphore_mem>>) src(%dma_wait3A_240 : memref<640x128xf32, #tpu.memory_space<hbm>>) dst(%dma_wait3A_238 : memref<640x128xf32, #tpu.memory_space<vmem_shared>>)
      tpu.yield
    }) : () -> ()
    %barrier3A = arith.constant 0 : index
    tpu.barrier barrier_id(%barrier3A)
    %dma_start3A = arith.constant 0 : i32
    %dma_start3A_14 = arith.constant 0 : i32
    %dma_start3A_15 = tpu.memref_slice %arg10[%dma_start3A, %dma_start3A_14] : memref<64x128xi32, #tpu.memory_space<vmem>> -> memref<1x128xi32, #tpu.memory_space<vmem>>
    %dma_start3A_16 = tpu.memref_squeeze %dma_start3A_15 : memref<1x128xi32, #tpu.memory_space<vmem>> -> memref<128xi32, #tpu.memory_space<vmem>>
    %dma_start3A_17 = arith.constant 0 : i32
    %dma_start3A_18 = arith.constant 0 : i32
    %dma_start3A_19 = tpu.memref_slice %arg4[%dma_start3A_17, %dma_start3A_18] : memref<10000x128xf32, #tpu.memory_space<hbm>> -> memref<10000x128xf32, #tpu.memory_space<hbm>>
    tpu.enqueue_indirect_dma source(%dma_start3A_19 : memref<10000x128xf32, #tpu.memory_space<hbm>>) target(%arg12 : memref<128x128xf32, #tpu.memory_space<vmem>>) offsets(%dma_start3A_16 : memref<128xi32, #tpu.memory_space<vmem>>) semaphore(%arg15 : memref<!tpu.dma_semaphore, #tpu.memory_space<semaphore_mem>>)
    %jit3A_20 = arith.constant 2 : i32
    %div3A = arith.divsi %select_n3A_8, %jit3A_20 : i32
    %sign3A = arith.constant 0 : i32
    %sign3A_21 = arith.cmpi sgt, %select_n3A_8, %sign3A : i32
    %sign3A_22 = arith.extui %sign3A_21 : i1 to i32
    %sign3A_23 = arith.constant 0 : i32
    %sign3A_24 = arith.cmpi slt, %select_n3A_8, %sign3A_23 : i32
    %sign3A_25 = arith.extui %sign3A_24 : i1 to i32
    %sign3A_26 = arith.subi %sign3A_22, %sign3A_25 : i32
    %sign3A_27 = arith.constant 0 : i32
    %sign3A_28 = arith.cmpi sgt, %jit3A_20, %sign3A_27 : i32
    %sign3A_29 = arith.extui %sign3A_28 : i1 to i32
    %sign3A_30 = arith.constant 0 : i32
    %sign3A_31 = arith.cmpi slt, %jit3A_20, %sign3A_30 : i32
    %sign3A_32 = arith.extui %sign3A_31 : i1 to i32
    %sign3A_33 = arith.subi %sign3A_29, %sign3A_32 : i32
    %ne3A = arith.cmpi ne, %sign3A_26, %sign3A_33 : i32
    %rem3A = arith.remsi %select_n3A_8, %jit3A_20 : i32
    %ne3A_34 = arith.constant 0 : i32
    %ne3A_35 = arith.cmpi ne, %rem3A, %ne3A_34 : i32
    %and3A = arith.andi %ne3A, %ne3A_35 : i1
    %sub3A_36 = arith.constant 1 : i32
    %sub3A_37 = arith.subi %div3A, %sub3A_36 : i32
    %select_n3A_38 = arith.select %and3A, %sub3A_37, %div3A : i32
    %while3A = arith.constant 0 : i32
    %while3A_39 = arith.constant 0 : i32
    %while3A_40 = arith.subi %select_n3A_38, %while3A_39 : i32
    %while3A_41 = arith.addi %while3A_39, %while3A_40 : i32
    %while3A_42 = arith.constant 1 : i32
    %while3A_43 = arith.divsi %while3A_40, %while3A_42 : i32
    %while3A_44 = arith.muli %while3A_43, %while3A_42 : i32
    %while3A_45 = arith.addi %while3A_39, %while3A_44 : i32
    %while3A_46 = arith.constant 1 : i32
    scf.for %while3A_233 = %while3A_39 to %while3A_45 step %while3A_46  : i32 {
      %mul3A_234 = arith.constant 2 : i32
      %mul3A_235 = arith.muli %mul3A_234, %while3A_233 : i32
      %add3A_236 = arith.constant 1 : i32
      %add3A_237 = arith.addi %mul3A_235, %add3A_236 : i32
      %dma_start3A_238 = arith.constant 0 : i32
      %dma_start3A_239 = tpu.memref_slice %arg10[%add3A_237, %dma_start3A_238] : memref<64x128xi32, #tpu.memory_space<vmem>> -> memref<1x128xi32, #tpu.memory_space<vmem>>
      %dma_start3A_240 = tpu.memref_squeeze %dma_start3A_239 : memref<1x128xi32, #tpu.memory_space<vmem>> -> memref<128xi32, #tpu.memory_space<vmem>>
      %dma_start3A_241 = arith.constant 0 : i32
      %dma_start3A_242 = arith.constant 0 : i32
      %dma_start3A_243 = tpu.memref_slice %arg4[%dma_start3A_241, %dma_start3A_242] : memref<10000x128xf32, #tpu.memory_space<hbm>> -> memref<10000x128xf32, #tpu.memory_space<hbm>>
      tpu.enqueue_indirect_dma source(%dma_start3A_243 : memref<10000x128xf32, #tpu.memory_space<hbm>>) target(%arg13 : memref<128x128xf32, #tpu.memory_space<vmem>>) offsets(%dma_start3A_240 : memref<128xi32, #tpu.memory_space<vmem>>) semaphore(%arg16 : memref<!tpu.dma_semaphore, #tpu.memory_space<semaphore_mem>>)
      %dma_wait3A_244 = arith.constant 0 : i32
      %dma_wait3A_245 = tpu.memref_slice %arg10[%mul3A_235, %dma_wait3A_244] : memref<64x128xi32, #tpu.memory_space<vmem>> -> memref<1x128xi32, #tpu.memory_space<vmem>>
      %dma_wait3A_246 = tpu.memref_squeeze %dma_wait3A_245 : memref<1x128xi32, #tpu.memory_space<vmem>> -> memref<128xi32, #tpu.memory_space<vmem>>
      %dma_wait3A_247 = arith.constant 0 : i32
      %dma_wait3A_248 = arith.constant 0 : i32
      %dma_wait3A_249 = tpu.memref_slice %arg4[%dma_wait3A_247, %dma_wait3A_248] : memref<10000x128xf32, #tpu.memory_space<hbm>> -> memref<10000x128xf32, #tpu.memory_space<hbm>>
      tpu.wait_indirect_dma semaphore(%arg15 : memref<!tpu.dma_semaphore, #tpu.memory_space<semaphore_mem>>) src(%dma_wait3A_249 : memref<10000x128xf32, #tpu.memory_space<hbm>>) dst(%arg12 : memref<128x128xf32, #tpu.memory_space<vmem>>)
      "tpu.region"() ({
        %run_scoped3A = tpu.sem_alloc : memref<!tpu.dma_semaphore, #tpu.memory_space<semaphore_mem>>
        %dma_start3A_264 = arith.constant 0 : i32
        %dma_start3A_265 = tpu.memref_slice %arg11[%mul3A_235, %dma_start3A_264] : memref<64x128xi32, #tpu.memory_space<vmem>> -> memref<1x128xi32, #tpu.memory_space<vmem>>
        %dma_start3A_266 = tpu.memref_squeeze %dma_start3A_265 : memref<1x128xi32, #tpu.memory_space<vmem>> -> memref<128xi32, #tpu.memory_space<vmem>>
        %dma_start3A_267 = arith.constant 0 : i32
        %dma_start3A_268 = arith.constant 0 : i32
        %dma_start3A_269 = tpu.memref_slice %arg14[%dma_start3A_267, %dma_start3A_268] : memref<10240x128xf32, #tpu.memory_space<vmem_shared>> -> memref<10240x128xf32, #tpu.memory_space<vmem_shared>>
        tpu.enqueue_indirect_dma source(%arg12 : memref<128x128xf32, #tpu.memory_space<vmem>>) target(%dma_start3A_269 : memref<10240x128xf32, #tpu.memory_space<vmem_shared>>) offsets(%dma_start3A_266 : memref<128xi32, #tpu.memory_space<vmem>>) semaphore(%run_scoped3A : memref<!tpu.dma_semaphore, #tpu.memory_space<semaphore_mem>>) {add = true}
        %dma_wait3A_270 = arith.constant 0 : i32
        %dma_wait3A_271 = tpu.memref_slice %arg11[%mul3A_235, %dma_wait3A_270] : memref<64x128xi32, #tpu.memory_space<vmem>> -> memref<1x128xi32, #tpu.memory_space<vmem>>
        %dma_wait3A_272 = tpu.memref_squeeze %dma_wait3A_271 : memref<1x128xi32, #tpu.memory_space<vmem>> -> memref<128xi32, #tpu.memory_space<vmem>>
        %dma_wait3A_273 = arith.constant 0 : i32
        %dma_wait3A_274 = arith.constant 0 : i32
        %dma_wait3A_275 = tpu.memref_slice %arg14[%dma_wait3A_273, %dma_wait3A_274] : memref<10240x128xf32, #tpu.memory_space<vmem_shared>> -> memref<10240x128xf32, #tpu.memory_space<vmem_shared>>
        tpu.wait_indirect_dma semaphore(%run_scoped3A : memref<!tpu.dma_semaphore, #tpu.memory_space<semaphore_mem>>) src(%arg12 : memref<128x128xf32, #tpu.memory_space<vmem>>) dst(%dma_wait3A_275 : memref<10240x128xf32, #tpu.memory_space<vmem_shared>>)
        tpu.yield
      }) : () -> ()
      %add3A_250 = arith.constant 2 : i32
      %add3A_251 = arith.addi %mul3A_235, %add3A_250 : i32
      %min3A = arith.minsi %add3A_251, %sub3A_9 : i32
      %dma_start3A_252 = arith.constant 0 : i32
      %dma_start3A_253 = tpu.memref_slice %arg10[%min3A, %dma_start3A_252] : memref<64x128xi32, #tpu.memory_space<vmem>> -> memref<1x128xi32, #tpu.memory_space<vmem>>
      %dma_start3A_254 = tpu.memref_squeeze %dma_start3A_253 : memref<1x128xi32, #tpu.memory_space<vmem>> -> memref<128xi32, #tpu.memory_space<vmem>>
      %dma_start3A_255 = arith.constant 0 : i32
      %dma_start3A_256 = arith.constant 0 : i32
      %dma_start3A_257 = tpu.memref_slice %arg4[%dma_start3A_255, %dma_start3A_256] : memref<10000x128xf32, #tpu.memory_space<hbm>> -> memref<10000x128xf32, #tpu.memory_space<hbm>>
      tpu.enqueue_indirect_dma source(%dma_start3A_257 : memref<10000x128xf32, #tpu.memory_space<hbm>>) target(%arg12 : memref<128x128xf32, #tpu.memory_space<vmem>>) offsets(%dma_start3A_254 : memref<128xi32, #tpu.memory_space<vmem>>) semaphore(%arg15 : memref<!tpu.dma_semaphore, #tpu.memory_space<semaphore_mem>>)
      %dma_wait3A_258 = arith.constant 0 : i32
      %dma_wait3A_259 = tpu.memref_slice %arg10[%add3A_237, %dma_wait3A_258] : memref<64x128xi32, #tpu.memory_space<vmem>> -> memref<1x128xi32, #tpu.memory_space<vmem>>
      %dma_wait3A_260 = tpu.memref_squeeze %dma_wait3A_259 : memref<1x128xi32, #tpu.memory_space<vmem>> -> memref<128xi32, #tpu.memory_space<vmem>>
      %dma_wait3A_261 = arith.constant 0 : i32
      %dma_wait3A_262 = arith.constant 0 : i32
      %dma_wait3A_263 = tpu.memref_slice %arg4[%dma_wait3A_261, %dma_wait3A_262] : memref<10000x128xf32, #tpu.memory_space<hbm>> -> memref<10000x128xf32, #tpu.memory_space<hbm>>
      tpu.wait_indirect_dma semaphore(%arg16 : memref<!tpu.dma_semaphore, #tpu.memory_space<semaphore_mem>>) src(%dma_wait3A_263 : memref<10000x128xf32, #tpu.memory_space<hbm>>) dst(%arg13 : memref<128x128xf32, #tpu.memory_space<vmem>>)
      "tpu.region"() ({
        %run_scoped3A = tpu.sem_alloc : memref<!tpu.dma_semaphore, #tpu.memory_space<semaphore_mem>>
        %dma_start3A_264 = arith.constant 0 : i32
        %dma_start3A_265 = tpu.memref_slice %arg11[%add3A_237, %dma_start3A_264] : memref<64x128xi32, #tpu.memory_space<vmem>> -> memref<1x128xi32, #tpu.memory_space<vmem>>
        %dma_start3A_266 = tpu.memref_squeeze %dma_start3A_265 : memref<1x128xi32, #tpu.memory_space<vmem>> -> memref<128xi32, #tpu.memory_space<vmem>>
        %dma_start3A_267 = arith.constant 0 : i32
        %dma_start3A_268 = arith.constant 0 : i32
        %dma_start3A_269 = tpu.memref_slice %arg14[%dma_start3A_267, %dma_start3A_268] : memref<10240x128xf32, #tpu.memory_space<vmem_shared>> -> memref<10240x128xf32, #tpu.memory_space<vmem_shared>>
        tpu.enqueue_indirect_dma source(%arg13 : memref<128x128xf32, #tpu.memory_space<vmem>>) target(%dma_start3A_269 : memref<10240x128xf32, #tpu.memory_space<vmem_shared>>) offsets(%dma_start3A_266 : memref<128xi32, #tpu.memory_space<vmem>>) semaphore(%run_scoped3A : memref<!tpu.dma_semaphore, #tpu.memory_space<semaphore_mem>>) {add = true}
        %dma_wait3A_270 = arith.constant 0 : i32
        %dma_wait3A_271 = tpu.memref_slice %arg11[%add3A_237, %dma_wait3A_270] : memref<64x128xi32, #tpu.memory_space<vmem>> -> memref<1x128xi32, #tpu.memory_space<vmem>>
        %dma_wait3A_272 = tpu.memref_squeeze %dma_wait3A_271 : memref<1x128xi32, #tpu.memory_space<vmem>> -> memref<128xi32, #tpu.memory_space<vmem>>
        %dma_wait3A_273 = arith.constant 0 : i32
        %dma_wait3A_274 = arith.constant 0 : i32
        %dma_wait3A_275 = tpu.memref_slice %arg14[%dma_wait3A_273, %dma_wait3A_274] : memref<10240x128xf32, #tpu.memory_space<vmem_shared>> -> memref<10240x128xf32, #tpu.memory_space<vmem_shared>>
        tpu.wait_indirect_dma semaphore(%run_scoped3A : memref<!tpu.dma_semaphore, #tpu.memory_space<semaphore_mem>>) src(%arg13 : memref<128x128xf32, #tpu.memory_space<vmem>>) dst(%dma_wait3A_275 : memref<10240x128xf32, #tpu.memory_space<vmem_shared>>)
        tpu.yield
      }) : () -> ()
    }
    %while3A_47 = arith.constant 1 : i32
    scf.for %while3A_233 = %while3A_45 to %while3A_41 step %while3A_47  : i32 {
      %mul3A_234 = arith.constant 2 : i32
      %mul3A_235 = arith.muli %mul3A_234, %while3A_233 : i32
      %add3A_236 = arith.constant 1 : i32
      %add3A_237 = arith.addi %mul3A_235, %add3A_236 : i32
      %dma_start3A_238 = arith.constant 0 : i32
      %dma_start3A_239 = tpu.memref_slice %arg10[%add3A_237, %dma_start3A_238] : memref<64x128xi32, #tpu.memory_space<vmem>> -> memref<1x128xi32, #tpu.memory_space<vmem>>
      %dma_start3A_240 = tpu.memref_squeeze %dma_start3A_239 : memref<1x128xi32, #tpu.memory_space<vmem>> -> memref<128xi32, #tpu.memory_space<vmem>>
      %dma_start3A_241 = arith.constant 0 : i32
      %dma_start3A_242 = arith.constant 0 : i32
      %dma_start3A_243 = tpu.memref_slice %arg4[%dma_start3A_241, %dma_start3A_242] : memref<10000x128xf32, #tpu.memory_space<hbm>> -> memref<10000x128xf32, #tpu.memory_space<hbm>>
      tpu.enqueue_indirect_dma source(%dma_start3A_243 : memref<10000x128xf32, #tpu.memory_space<hbm>>) target(%arg13 : memref<128x128xf32, #tpu.memory_space<vmem>>) offsets(%dma_start3A_240 : memref<128xi32, #tpu.memory_space<vmem>>) semaphore(%arg16 : memref<!tpu.dma_semaphore, #tpu.memory_space<semaphore_mem>>)
      %dma_wait3A_244 = arith.constant 0 : i32
      %dma_wait3A_245 = tpu.memref_slice %arg10[%mul3A_235, %dma_wait3A_244] : memref<64x128xi32, #tpu.memory_space<vmem>> -> memref<1x128xi32, #tpu.memory_space<vmem>>
      %dma_wait3A_246 = tpu.memref_squeeze %dma_wait3A_245 : memref<1x128xi32, #tpu.memory_space<vmem>> -> memref<128xi32, #tpu.memory_space<vmem>>
      %dma_wait3A_247 = arith.constant 0 : i32
      %dma_wait3A_248 = arith.constant 0 : i32
      %dma_wait3A_249 = tpu.memref_slice %arg4[%dma_wait3A_247, %dma_wait3A_248] : memref<10000x128xf32, #tpu.memory_space<hbm>> -> memref<10000x128xf32, #tpu.memory_space<hbm>>
      tpu.wait_indirect_dma semaphore(%arg15 : memref<!tpu.dma_semaphore, #tpu.memory_space<semaphore_mem>>) src(%dma_wait3A_249 : memref<10000x128xf32, #tpu.memory_space<hbm>>) dst(%arg12 : memref<128x128xf32, #tpu.memory_space<vmem>>)
      "tpu.region"() ({
        %run_scoped3A = tpu.sem_alloc : memref<!tpu.dma_semaphore, #tpu.memory_space<semaphore_mem>>
        %dma_start3A_264 = arith.constant 0 : i32
        %dma_start3A_265 = tpu.memref_slice %arg11[%mul3A_235, %dma_start3A_264] : memref<64x128xi32, #tpu.memory_space<vmem>> -> memref<1x128xi32, #tpu.memory_space<vmem>>
        %dma_start3A_266 = tpu.memref_squeeze %dma_start3A_265 : memref<1x128xi32, #tpu.memory_space<vmem>> -> memref<128xi32, #tpu.memory_space<vmem>>
        %dma_start3A_267 = arith.constant 0 : i32
        %dma_start3A_268 = arith.constant 0 : i32
        %dma_start3A_269 = tpu.memref_slice %arg14[%dma_start3A_267, %dma_start3A_268] : memref<10240x128xf32, #tpu.memory_space<vmem_shared>> -> memref<10240x128xf32, #tpu.memory_space<vmem_shared>>
        tpu.enqueue_indirect_dma source(%arg12 : memref<128x128xf32, #tpu.memory_space<vmem>>) target(%dma_start3A_269 : memref<10240x128xf32, #tpu.memory_space<vmem_shared>>) offsets(%dma_start3A_266 : memref<128xi32, #tpu.memory_space<vmem>>) semaphore(%run_scoped3A : memref<!tpu.dma_semaphore, #tpu.memory_space<semaphore_mem>>) {add = true}
        %dma_wait3A_270 = arith.constant 0 : i32
        %dma_wait3A_271 = tpu.memref_slice %arg11[%mul3A_235, %dma_wait3A_270] : memref<64x128xi32, #tpu.memory_space<vmem>> -> memref<1x128xi32, #tpu.memory_space<vmem>>
        %dma_wait3A_272 = tpu.memref_squeeze %dma_wait3A_271 : memref<1x128xi32, #tpu.memory_space<vmem>> -> memref<128xi32, #tpu.memory_space<vmem>>
        %dma_wait3A_273 = arith.constant 0 : i32
        %dma_wait3A_274 = arith.constant 0 : i32
        %dma_wait3A_275 = tpu.memref_slice %arg14[%dma_wait3A_273, %dma_wait3A_274] : memref<10240x128xf32, #tpu.memory_space<vmem_shared>> -> memref<10240x128xf32, #tpu.memory_space<vmem_shared>>
        tpu.wait_indirect_dma semaphore(%run_scoped3A : memref<!tpu.dma_semaphore, #tpu.memory_space<semaphore_mem>>) src(%arg12 : memref<128x128xf32, #tpu.memory_space<vmem>>) dst(%dma_wait3A_275 : memref<10240x128xf32, #tpu.memory_space<vmem_shared>>)
        tpu.yield
      }) : () -> ()
      %add3A_250 = arith.constant 2 : i32
      %add3A_251 = arith.addi %mul3A_235, %add3A_250 : i32
      %min3A = arith.minsi %add3A_251, %sub3A_9 : i32
      %dma_start3A_252 = arith.constant 0 : i32
      %dma_start3A_253 = tpu.memref_slice %arg10[%min3A, %dma_start3A_252] : memref<64x128xi32, #tpu.memory_space<vmem>> -> memref<1x128xi32, #tpu.memory_space<vmem>>
      %dma_start3A_254 = tpu.memref_squeeze %dma_start3A_253 : memref<1x128xi32, #tpu.memory_space<vmem>> -> memref<128xi32, #tpu.memory_space<vmem>>
      %dma_start3A_255 = arith.constant 0 : i32
      %dma_start3A_256 = arith.constant 0 : i32
      %dma_start3A_257 = tpu.memref_slice %arg4[%dma_start3A_255, %dma_start3A_256] : memref<10000x128xf32, #tpu.memory_space<hbm>> -> memref<10000x128xf32, #tpu.memory_space<hbm>>
      tpu.enqueue_indirect_dma source(%dma_start3A_257 : memref<10000x128xf32, #tpu.memory_space<hbm>>) target(%arg12 : memref<128x128xf32, #tpu.memory_space<vmem>>) offsets(%dma_start3A_254 : memref<128xi32, #tpu.memory_space<vmem>>) semaphore(%arg15 : memref<!tpu.dma_semaphore, #tpu.memory_space<semaphore_mem>>)
      %dma_wait3A_258 = arith.constant 0 : i32
      %dma_wait3A_259 = tpu.memref_slice %arg10[%add3A_237, %dma_wait3A_258] : memref<64x128xi32, #tpu.memory_space<vmem>> -> memref<1x128xi32, #tpu.memory_space<vmem>>
      %dma_wait3A_260 = tpu.memref_squeeze %dma_wait3A_259 : memref<1x128xi32, #tpu.memory_space<vmem>> -> memref<128xi32, #tpu.memory_space<vmem>>
      %dma_wait3A_261 = arith.constant 0 : i32
      %dma_wait3A_262 = arith.constant 0 : i32
      %dma_wait3A_263 = tpu.memref_slice %arg4[%dma_wait3A_261, %dma_wait3A_262] : memref<10000x128xf32, #tpu.memory_space<hbm>> -> memref<10000x128xf32, #tpu.memory_space<hbm>>
      tpu.wait_indirect_dma semaphore(%arg16 : memref<!tpu.dma_semaphore, #tpu.memory_space<semaphore_mem>>) src(%dma_wait3A_263 : memref<10000x128xf32, #tpu.memory_space<hbm>>) dst(%arg13 : memref<128x128xf32, #tpu.memory_space<vmem>>)
      "tpu.region"() ({
        %run_scoped3A = tpu.sem_alloc : memref<!tpu.dma_semaphore, #tpu.memory_space<semaphore_mem>>
        %dma_start3A_264 = arith.constant 0 : i32
        %dma_start3A_265 = tpu.memref_slice %arg11[%add3A_237, %dma_start3A_264] : memref<64x128xi32, #tpu.memory_space<vmem>> -> memref<1x128xi32, #tpu.memory_space<vmem>>
        %dma_start3A_266 = tpu.memref_squeeze %dma_start3A_265 : memref<1x128xi32, #tpu.memory_space<vmem>> -> memref<128xi32, #tpu.memory_space<vmem>>
        %dma_start3A_267 = arith.constant 0 : i32
        %dma_start3A_268 = arith.constant 0 : i32
        %dma_start3A_269 = tpu.memref_slice %arg14[%dma_start3A_267, %dma_start3A_268] : memref<10240x128xf32, #tpu.memory_space<vmem_shared>> -> memref<10240x128xf32, #tpu.memory_space<vmem_shared>>
        tpu.enqueue_indirect_dma source(%arg13 : memref<128x128xf32, #tpu.memory_space<vmem>>) target(%dma_start3A_269 : memref<10240x128xf32, #tpu.memory_space<vmem_shared>>) offsets(%dma_start3A_266 : memref<128xi32, #tpu.memory_space<vmem>>) semaphore(%run_scoped3A : memref<!tpu.dma_semaphore, #tpu.memory_space<semaphore_mem>>) {add = true}
        %dma_wait3A_270 = arith.constant 0 : i32
        %dma_wait3A_271 = tpu.memref_slice %arg11[%add3A_237, %dma_wait3A_270] : memref<64x128xi32, #tpu.memory_space<vmem>> -> memref<1x128xi32, #tpu.memory_space<vmem>>
        %dma_wait3A_272 = tpu.memref_squeeze %dma_wait3A_271 : memref<1x128xi32, #tpu.memory_space<vmem>> -> memref<128xi32, #tpu.memory_space<vmem>>
        %dma_wait3A_273 = arith.constant 0 : i32
        %dma_wait3A_274 = arith.constant 0 : i32
        %dma_wait3A_275 = tpu.memref_slice %arg14[%dma_wait3A_273, %dma_wait3A_274] : memref<10240x128xf32, #tpu.memory_space<vmem_shared>> -> memref<10240x128xf32, #tpu.memory_space<vmem_shared>>
        tpu.wait_indirect_dma semaphore(%run_scoped3A : memref<!tpu.dma_semaphore, #tpu.memory_space<semaphore_mem>>) src(%arg13 : memref<128x128xf32, #tpu.memory_space<vmem>>) dst(%dma_wait3A_275 : memref<10240x128xf32, #tpu.memory_space<vmem_shared>>)
        tpu.yield
      }) : () -> ()
    }
    %dma_wait3A = arith.constant 0 : i32
    %dma_wait3A_48 = tpu.memref_slice %arg10[%sub3A_9, %dma_wait3A] : memref<64x128xi32, #tpu.memory_space<vmem>> -> memref<1x128xi32, #tpu.memory_space<vmem>>
    %dma_wait3A_49 = tpu.memref_squeeze %dma_wait3A_48 : memref<1x128xi32, #tpu.memory_space<vmem>> -> memref<128xi32, #tpu.memory_space<vmem>>
    %dma_wait3A_50 = arith.constant 0 : i32
    %dma_wait3A_51 = arith.constant 0 : i32
    %dma_wait3A_52 = tpu.memref_slice %arg4[%dma_wait3A_50, %dma_wait3A_51] : memref<10000x128xf32, #tpu.memory_space<hbm>> -> memref<10000x128xf32, #tpu.memory_space<hbm>>
    tpu.wait_indirect_dma semaphore(%arg15 : memref<!tpu.dma_semaphore, #tpu.memory_space<semaphore_mem>>) src(%dma_wait3A_52 : memref<10000x128xf32, #tpu.memory_space<hbm>>) dst(%arg12 : memref<128x128xf32, #tpu.memory_space<vmem>>)
    %barrier3A_53 = arith.constant 0 : index
    tpu.barrier barrier_id(%barrier3A_53)
    %mul3A_54 = arith.constant 640 : i32
    %mul3A_55 = arith.muli %arg1, %mul3A_54 : i32
    %mul3A_56 = arith.constant 640 : i32
    %mul3A_57 = arith.muli %arg1, %mul3A_56 : i32
    "tpu.region"() ({
      %run_scoped3A = tpu.sem_alloc : memref<!tpu.dma_semaphore, #tpu.memory_space<semaphore_mem>>
      %dma_start3A_233 = arith.constant 0 : i32
      %dma_start3A_234 = tpu.memref_slice %arg9[%arg0, %mul3A_57, %dma_start3A_233] : memref<2x10240x512xf32, #tpu.memory_space<hbm>> -> memref<1x640x128xf32, #tpu.memory_space<hbm>>
      %dma_start3A_235 = tpu.memref_squeeze %dma_start3A_234 : memref<1x640x128xf32, #tpu.memory_space<hbm>> -> memref<640x128xf32, #tpu.memory_space<hbm>>
      %dma_start3A_236 = arith.constant 0 : i32
      %dma_start3A_237 = tpu.memref_slice %arg14[%mul3A_55, %dma_start3A_236] : memref<10240x128xf32, #tpu.memory_space<vmem_shared>> -> memref<640x128xf32, #tpu.memory_space<vmem_shared>>
      tpu.enqueue_dma source(%dma_start3A_237 : memref<640x128xf32, #tpu.memory_space<vmem_shared>>) target(%dma_start3A_235 : memref<640x128xf32, #tpu.memory_space<hbm>>) target_semaphore(%run_scoped3A : memref<!tpu.dma_semaphore, #tpu.memory_space<semaphore_mem>>)
      %dma_wait3A_238 = arith.constant 0 : i32
      %dma_wait3A_239 = tpu.memref_slice %arg9[%arg0, %mul3A_57, %dma_wait3A_238] : memref<2x10240x512xf32, #tpu.memory_space<hbm>> -> memref<1x640x128xf32, #tpu.memory_space<hbm>>
      %dma_wait3A_240 = tpu.memref_squeeze %dma_wait3A_239 : memref<1x640x128xf32, #tpu.memory_space<hbm>> -> memref<640x128xf32, #tpu.memory_space<hbm>>
      %dma_wait3A_241 = arith.constant 0 : i32
      %dma_wait3A_242 = tpu.memref_slice %arg14[%mul3A_55, %dma_wait3A_241] : memref<10240x128xf32, #tpu.memory_space<vmem_shared>> -> memref<640x128xf32, #tpu.memory_space<vmem_shared>>
      tpu.wait_dma2 semaphore(%run_scoped3A : memref<!tpu.dma_semaphore, #tpu.memory_space<semaphore_mem>>) src(%dma_wait3A_242 : memref<640x128xf32, #tpu.memory_space<vmem_shared>>) dst(%dma_wait3A_240 : memref<640x128xf32, #tpu.memory_space<hbm>>)
      tpu.yield
    }) : () -> ()
    %barrier3A_58 = arith.constant 0 : index
    tpu.barrier barrier_id(%barrier3A_58)
    %mul3A_59 = arith.constant 640 : i32
    %mul3A_60 = arith.muli %arg1, %mul3A_59 : i32
    %mul3A_61 = arith.constant 640 : i32
    %mul3A_62 = arith.muli %arg1, %mul3A_61 : i32
    "tpu.region"() ({
      %run_scoped3A = tpu.sem_alloc : memref<!tpu.dma_semaphore, #tpu.memory_space<semaphore_mem>>
      %dma_start3A_233 = arith.constant 0 : i32
      %dma_start3A_234 = tpu.memref_slice %arg14[%mul3A_62, %dma_start3A_233] : memref<10240x128xf32, #tpu.memory_space<vmem_shared>> -> memref<640x128xf32, #tpu.memory_space<vmem_shared>>
      %dma_start3A_235 = arith.constant 0 : i32
      %dma_start3A_236 = tpu.memref_slice %arg8[%mul3A_60, %dma_start3A_235] : memref<10240x128xf32, #tpu.memory_space<hbm>> -> memref<640x128xf32, #tpu.memory_space<hbm>>
      tpu.enqueue_dma source(%dma_start3A_236 : memref<640x128xf32, #tpu.memory_space<hbm>>) target(%dma_start3A_234 : memref<640x128xf32, #tpu.memory_space<vmem_shared>>) target_semaphore(%run_scoped3A : memref<!tpu.dma_semaphore, #tpu.memory_space<semaphore_mem>>)
      %dma_wait3A_237 = arith.constant 0 : i32
      %dma_wait3A_238 = tpu.memref_slice %arg14[%mul3A_62, %dma_wait3A_237] : memref<10240x128xf32, #tpu.memory_space<vmem_shared>> -> memref<640x128xf32, #tpu.memory_space<vmem_shared>>
      %dma_wait3A_239 = arith.constant 0 : i32
      %dma_wait3A_240 = tpu.memref_slice %arg8[%mul3A_60, %dma_wait3A_239] : memref<10240x128xf32, #tpu.memory_space<hbm>> -> memref<640x128xf32, #tpu.memory_space<hbm>>
      tpu.wait_dma2 semaphore(%run_scoped3A : memref<!tpu.dma_semaphore, #tpu.memory_space<semaphore_mem>>) src(%dma_wait3A_240 : memref<640x128xf32, #tpu.memory_space<hbm>>) dst(%dma_wait3A_238 : memref<640x128xf32, #tpu.memory_space<vmem_shared>>)
      tpu.yield
    }) : () -> ()
    %barrier3A_63 = arith.constant 0 : index
    tpu.barrier barrier_id(%barrier3A_63)
    %dma_start3A_64 = arith.constant 0 : i32
    %dma_start3A_65 = arith.constant 0 : i32
    %dma_start3A_66 = tpu.memref_slice %arg10[%dma_start3A_64, %dma_start3A_65] : memref<64x128xi32, #tpu.memory_space<vmem>> -> memref<1x128xi32, #tpu.memory_space<vmem>>
    %dma_start3A_67 = tpu.memref_squeeze %dma_start3A_66 : memref<1x128xi32, #tpu.memory_space<vmem>> -> memref<128xi32, #tpu.memory_space<vmem>>
    %dma_start3A_68 = arith.constant 0 : i32
    %dma_start3A_69 = arith.constant 0 : i32
    %dma_start3A_70 = tpu.memref_slice %arg5[%dma_start3A_68, %dma_start3A_69] : memref<10000x128xf32, #tpu.memory_space<hbm>> -> memref<10000x128xf32, #tpu.memory_space<hbm>>
    tpu.enqueue_indirect_dma source(%dma_start3A_70 : memref<10000x128xf32, #tpu.memory_space<hbm>>) target(%arg12 : memref<128x128xf32, #tpu.memory_space<vmem>>) offsets(%dma_start3A_67 : memref<128xi32, #tpu.memory_space<vmem>>) semaphore(%arg15 : memref<!tpu.dma_semaphore, #tpu.memory_space<semaphore_mem>>)
    %jit3A_71 = arith.constant 2 : i32
    %div3A_72 = arith.divsi %select_n3A_8, %jit3A_71 : i32
    %sign3A_73 = arith.constant 0 : i32
    %sign3A_74 = arith.cmpi sgt, %select_n3A_8, %sign3A_73 : i32
    %sign3A_75 = arith.extui %sign3A_74 : i1 to i32
    %sign3A_76 = arith.constant 0 : i32
    %sign3A_77 = arith.cmpi slt, %select_n3A_8, %sign3A_76 : i32
    %sign3A_78 = arith.extui %sign3A_77 : i1 to i32
    %sign3A_79 = arith.subi %sign3A_75, %sign3A_78 : i32
    %sign3A_80 = arith.constant 0 : i32
    %sign3A_81 = arith.cmpi sgt, %jit3A_71, %sign3A_80 : i32
    %sign3A_82 = arith.extui %sign3A_81 : i1 to i32
    %sign3A_83 = arith.constant 0 : i32
    %sign3A_84 = arith.cmpi slt, %jit3A_71, %sign3A_83 : i32
    %sign3A_85 = arith.extui %sign3A_84 : i1 to i32
    %sign3A_86 = arith.subi %sign3A_82, %sign3A_85 : i32
    %ne3A_87 = arith.cmpi ne, %sign3A_79, %sign3A_86 : i32
    %rem3A_88 = arith.remsi %select_n3A_8, %jit3A_71 : i32
    %ne3A_89 = arith.constant 0 : i32
    %ne3A_90 = arith.cmpi ne, %rem3A_88, %ne3A_89 : i32
    %and3A_91 = arith.andi %ne3A_87, %ne3A_90 : i1
    %sub3A_92 = arith.constant 1 : i32
    %sub3A_93 = arith.subi %div3A_72, %sub3A_92 : i32
    %select_n3A_94 = arith.select %and3A_91, %sub3A_93, %div3A_72 : i32
    %while3A_95 = arith.constant 0 : i32
    %while3A_96 = arith.constant 0 : i32
    %while3A_97 = arith.subi %select_n3A_94, %while3A_96 : i32
    %while3A_98 = arith.addi %while3A_96, %while3A_97 : i32
    %while3A_99 = arith.constant 1 : i32
    %while3A_100 = arith.divsi %while3A_97, %while3A_99 : i32
    %while3A_101 = arith.muli %while3A_100, %while3A_99 : i32
    %while3A_102 = arith.addi %while3A_96, %while3A_101 : i32
    %while3A_103 = arith.constant 1 : i32
    scf.for %while3A_233 = %while3A_96 to %while3A_102 step %while3A_103  : i32 {
      %mul3A_234 = arith.constant 2 : i32
      %mul3A_235 = arith.muli %mul3A_234, %while3A_233 : i32
      %add3A_236 = arith.constant 1 : i32
      %add3A_237 = arith.addi %mul3A_235, %add3A_236 : i32
      %dma_start3A_238 = arith.constant 0 : i32
      %dma_start3A_239 = tpu.memref_slice %arg10[%add3A_237, %dma_start3A_238] : memref<64x128xi32, #tpu.memory_space<vmem>> -> memref<1x128xi32, #tpu.memory_space<vmem>>
      %dma_start3A_240 = tpu.memref_squeeze %dma_start3A_239 : memref<1x128xi32, #tpu.memory_space<vmem>> -> memref<128xi32, #tpu.memory_space<vmem>>
      %dma_start3A_241 = arith.constant 0 : i32
      %dma_start3A_242 = arith.constant 0 : i32
      %dma_start3A_243 = tpu.memref_slice %arg5[%dma_start3A_241, %dma_start3A_242] : memref<10000x128xf32, #tpu.memory_space<hbm>> -> memref<10000x128xf32, #tpu.memory_space<hbm>>
      tpu.enqueue_indirect_dma source(%dma_start3A_243 : memref<10000x128xf32, #tpu.memory_space<hbm>>) target(%arg13 : memref<128x128xf32, #tpu.memory_space<vmem>>) offsets(%dma_start3A_240 : memref<128xi32, #tpu.memory_space<vmem>>) semaphore(%arg16 : memref<!tpu.dma_semaphore, #tpu.memory_space<semaphore_mem>>)
      %dma_wait3A_244 = arith.constant 0 : i32
      %dma_wait3A_245 = tpu.memref_slice %arg10[%mul3A_235, %dma_wait3A_244] : memref<64x128xi32, #tpu.memory_space<vmem>> -> memref<1x128xi32, #tpu.memory_space<vmem>>
      %dma_wait3A_246 = tpu.memref_squeeze %dma_wait3A_245 : memref<1x128xi32, #tpu.memory_space<vmem>> -> memref<128xi32, #tpu.memory_space<vmem>>
      %dma_wait3A_247 = arith.constant 0 : i32
      %dma_wait3A_248 = arith.constant 0 : i32
      %dma_wait3A_249 = tpu.memref_slice %arg5[%dma_wait3A_247, %dma_wait3A_248] : memref<10000x128xf32, #tpu.memory_space<hbm>> -> memref<10000x128xf32, #tpu.memory_space<hbm>>
      tpu.wait_indirect_dma semaphore(%arg15 : memref<!tpu.dma_semaphore, #tpu.memory_space<semaphore_mem>>) src(%dma_wait3A_249 : memref<10000x128xf32, #tpu.memory_space<hbm>>) dst(%arg12 : memref<128x128xf32, #tpu.memory_space<vmem>>)
      "tpu.region"() ({
        %run_scoped3A = tpu.sem_alloc : memref<!tpu.dma_semaphore, #tpu.memory_space<semaphore_mem>>
        %dma_start3A_264 = arith.constant 0 : i32
        %dma_start3A_265 = tpu.memref_slice %arg11[%mul3A_235, %dma_start3A_264] : memref<64x128xi32, #tpu.memory_space<vmem>> -> memref<1x128xi32, #tpu.memory_space<vmem>>
        %dma_start3A_266 = tpu.memref_squeeze %dma_start3A_265 : memref<1x128xi32, #tpu.memory_space<vmem>> -> memref<128xi32, #tpu.memory_space<vmem>>
        %dma_start3A_267 = arith.constant 0 : i32
        %dma_start3A_268 = arith.constant 0 : i32
        %dma_start3A_269 = tpu.memref_slice %arg14[%dma_start3A_267, %dma_start3A_268] : memref<10240x128xf32, #tpu.memory_space<vmem_shared>> -> memref<10240x128xf32, #tpu.memory_space<vmem_shared>>
        tpu.enqueue_indirect_dma source(%arg12 : memref<128x128xf32, #tpu.memory_space<vmem>>) target(%dma_start3A_269 : memref<10240x128xf32, #tpu.memory_space<vmem_shared>>) offsets(%dma_start3A_266 : memref<128xi32, #tpu.memory_space<vmem>>) semaphore(%run_scoped3A : memref<!tpu.dma_semaphore, #tpu.memory_space<semaphore_mem>>) {add = true}
        %dma_wait3A_270 = arith.constant 0 : i32
        %dma_wait3A_271 = tpu.memref_slice %arg11[%mul3A_235, %dma_wait3A_270] : memref<64x128xi32, #tpu.memory_space<vmem>> -> memref<1x128xi32, #tpu.memory_space<vmem>>
        %dma_wait3A_272 = tpu.memref_squeeze %dma_wait3A_271 : memref<1x128xi32, #tpu.memory_space<vmem>> -> memref<128xi32, #tpu.memory_space<vmem>>
        %dma_wait3A_273 = arith.constant 0 : i32
        %dma_wait3A_274 = arith.constant 0 : i32
        %dma_wait3A_275 = tpu.memref_slice %arg14[%dma_wait3A_273, %dma_wait3A_274] : memref<10240x128xf32, #tpu.memory_space<vmem_shared>> -> memref<10240x128xf32, #tpu.memory_space<vmem_shared>>
        tpu.wait_indirect_dma semaphore(%run_scoped3A : memref<!tpu.dma_semaphore, #tpu.memory_space<semaphore_mem>>) src(%arg12 : memref<128x128xf32, #tpu.memory_space<vmem>>) dst(%dma_wait3A_275 : memref<10240x128xf32, #tpu.memory_space<vmem_shared>>)
        tpu.yield
      }) : () -> ()
      %add3A_250 = arith.constant 2 : i32
      %add3A_251 = arith.addi %mul3A_235, %add3A_250 : i32
      %min3A = arith.minsi %add3A_251, %sub3A_9 : i32
      %dma_start3A_252 = arith.constant 0 : i32
      %dma_start3A_253 = tpu.memref_slice %arg10[%min3A, %dma_start3A_252] : memref<64x128xi32, #tpu.memory_space<vmem>> -> memref<1x128xi32, #tpu.memory_space<vmem>>
      %dma_start3A_254 = tpu.memref_squeeze %dma_start3A_253 : memref<1x128xi32, #tpu.memory_space<vmem>> -> memref<128xi32, #tpu.memory_space<vmem>>
      %dma_start3A_255 = arith.constant 0 : i32
      %dma_start3A_256 = arith.constant 0 : i32
      %dma_start3A_257 = tpu.memref_slice %arg5[%dma_start3A_255, %dma_start3A_256] : memref<10000x128xf32, #tpu.memory_space<hbm>> -> memref<10000x128xf32, #tpu.memory_space<hbm>>
      tpu.enqueue_indirect_dma source(%dma_start3A_257 : memref<10000x128xf32, #tpu.memory_space<hbm>>) target(%arg12 : memref<128x128xf32, #tpu.memory_space<vmem>>) offsets(%dma_start3A_254 : memref<128xi32, #tpu.memory_space<vmem>>) semaphore(%arg15 : memref<!tpu.dma_semaphore, #tpu.memory_space<semaphore_mem>>)
      %dma_wait3A_258 = arith.constant 0 : i32
      %dma_wait3A_259 = tpu.memref_slice %arg10[%add3A_237, %dma_wait3A_258] : memref<64x128xi32, #tpu.memory_space<vmem>> -> memref<1x128xi32, #tpu.memory_space<vmem>>
      %dma_wait3A_260 = tpu.memref_squeeze %dma_wait3A_259 : memref<1x128xi32, #tpu.memory_space<vmem>> -> memref<128xi32, #tpu.memory_space<vmem>>
      %dma_wait3A_261 = arith.constant 0 : i32
      %dma_wait3A_262 = arith.constant 0 : i32
      %dma_wait3A_263 = tpu.memref_slice %arg5[%dma_wait3A_261, %dma_wait3A_262] : memref<10000x128xf32, #tpu.memory_space<hbm>> -> memref<10000x128xf32, #tpu.memory_space<hbm>>
      tpu.wait_indirect_dma semaphore(%arg16 : memref<!tpu.dma_semaphore, #tpu.memory_space<semaphore_mem>>) src(%dma_wait3A_263 : memref<10000x128xf32, #tpu.memory_space<hbm>>) dst(%arg13 : memref<128x128xf32, #tpu.memory_space<vmem>>)
      "tpu.region"() ({
        %run_scoped3A = tpu.sem_alloc : memref<!tpu.dma_semaphore, #tpu.memory_space<semaphore_mem>>
        %dma_start3A_264 = arith.constant 0 : i32
        %dma_start3A_265 = tpu.memref_slice %arg11[%add3A_237, %dma_start3A_264] : memref<64x128xi32, #tpu.memory_space<vmem>> -> memref<1x128xi32, #tpu.memory_space<vmem>>
        %dma_start3A_266 = tpu.memref_squeeze %dma_start3A_265 : memref<1x128xi32, #tpu.memory_space<vmem>> -> memref<128xi32, #tpu.memory_space<vmem>>
        %dma_start3A_267 = arith.constant 0 : i32
        %dma_start3A_268 = arith.constant 0 : i32
        %dma_start3A_269 = tpu.memref_slice %arg14[%dma_start3A_267, %dma_start3A_268] : memref<10240x128xf32, #tpu.memory_space<vmem_shared>> -> memref<10240x128xf32, #tpu.memory_space<vmem_shared>>
        tpu.enqueue_indirect_dma source(%arg13 : memref<128x128xf32, #tpu.memory_space<vmem>>) target(%dma_start3A_269 : memref<10240x128xf32, #tpu.memory_space<vmem_shared>>) offsets(%dma_start3A_266 : memref<128xi32, #tpu.memory_space<vmem>>) semaphore(%run_scoped3A : memref<!tpu.dma_semaphore, #tpu.memory_space<semaphore_mem>>) {add = true}
        %dma_wait3A_270 = arith.constant 0 : i32
        %dma_wait3A_271 = tpu.memref_slice %arg11[%add3A_237, %dma_wait3A_270] : memref<64x128xi32, #tpu.memory_space<vmem>> -> memref<1x128xi32, #tpu.memory_space<vmem>>
        %dma_wait3A_272 = tpu.memref_squeeze %dma_wait3A_271 : memref<1x128xi32, #tpu.memory_space<vmem>> -> memref<128xi32, #tpu.memory_space<vmem>>
        %dma_wait3A_273 = arith.constant 0 : i32
        %dma_wait3A_274 = arith.constant 0 : i32
        %dma_wait3A_275 = tpu.memref_slice %arg14[%dma_wait3A_273, %dma_wait3A_274] : memref<10240x128xf32, #tpu.memory_space<vmem_shared>> -> memref<10240x128xf32, #tpu.memory_space<vmem_shared>>
        tpu.wait_indirect_dma semaphore(%run_scoped3A : memref<!tpu.dma_semaphore, #tpu.memory_space<semaphore_mem>>) src(%arg13 : memref<128x128xf32, #tpu.memory_space<vmem>>) dst(%dma_wait3A_275 : memref<10240x128xf32, #tpu.memory_space<vmem_shared>>)
        tpu.yield
      }) : () -> ()
    }
    %while3A_104 = arith.constant 1 : i32
    scf.for %while3A_233 = %while3A_102 to %while3A_98 step %while3A_104  : i32 {
      %mul3A_234 = arith.constant 2 : i32
      %mul3A_235 = arith.muli %mul3A_234, %while3A_233 : i32
      %add3A_236 = arith.constant 1 : i32
      %add3A_237 = arith.addi %mul3A_235, %add3A_236 : i32
      %dma_start3A_238 = arith.constant 0 : i32
      %dma_start3A_239 = tpu.memref_slice %arg10[%add3A_237, %dma_start3A_238] : memref<64x128xi32, #tpu.memory_space<vmem>> -> memref<1x128xi32, #tpu.memory_space<vmem>>
      %dma_start3A_240 = tpu.memref_squeeze %dma_start3A_239 : memref<1x128xi32, #tpu.memory_space<vmem>> -> memref<128xi32, #tpu.memory_space<vmem>>
      %dma_start3A_241 = arith.constant 0 : i32
      %dma_start3A_242 = arith.constant 0 : i32
      %dma_start3A_243 = tpu.memref_slice %arg5[%dma_start3A_241, %dma_start3A_242] : memref<10000x128xf32, #tpu.memory_space<hbm>> -> memref<10000x128xf32, #tpu.memory_space<hbm>>
      tpu.enqueue_indirect_dma source(%dma_start3A_243 : memref<10000x128xf32, #tpu.memory_space<hbm>>) target(%arg13 : memref<128x128xf32, #tpu.memory_space<vmem>>) offsets(%dma_start3A_240 : memref<128xi32, #tpu.memory_space<vmem>>) semaphore(%arg16 : memref<!tpu.dma_semaphore, #tpu.memory_space<semaphore_mem>>)
      %dma_wait3A_244 = arith.constant 0 : i32
      %dma_wait3A_245 = tpu.memref_slice %arg10[%mul3A_235, %dma_wait3A_244] : memref<64x128xi32, #tpu.memory_space<vmem>> -> memref<1x128xi32, #tpu.memory_space<vmem>>
      %dma_wait3A_246 = tpu.memref_squeeze %dma_wait3A_245 : memref<1x128xi32, #tpu.memory_space<vmem>> -> memref<128xi32, #tpu.memory_space<vmem>>
      %dma_wait3A_247 = arith.constant 0 : i32
      %dma_wait3A_248 = arith.constant 0 : i32
      %dma_wait3A_249 = tpu.memref_slice %arg5[%dma_wait3A_247, %dma_wait3A_248] : memref<10000x128xf32, #tpu.memory_space<hbm>> -> memref<10000x128xf32, #tpu.memory_space<hbm>>
      tpu.wait_indirect_dma semaphore(%arg15 : memref<!tpu.dma_semaphore, #tpu.memory_space<semaphore_mem>>) src(%dma_wait3A_249 : memref<10000x128xf32, #tpu.memory_space<hbm>>) dst(%arg12 : memref<128x128xf32, #tpu.memory_space<vmem>>)
      "tpu.region"() ({
        %run_scoped3A = tpu.sem_alloc : memref<!tpu.dma_semaphore, #tpu.memory_space<semaphore_mem>>
        %dma_start3A_264 = arith.constant 0 : i32
        %dma_start3A_265 = tpu.memref_slice %arg11[%mul3A_235, %dma_start3A_264] : memref<64x128xi32, #tpu.memory_space<vmem>> -> memref<1x128xi32, #tpu.memory_space<vmem>>
        %dma_start3A_266 = tpu.memref_squeeze %dma_start3A_265 : memref<1x128xi32, #tpu.memory_space<vmem>> -> memref<128xi32, #tpu.memory_space<vmem>>
        %dma_start3A_267 = arith.constant 0 : i32
        %dma_start3A_268 = arith.constant 0 : i32
        %dma_start3A_269 = tpu.memref_slice %arg14[%dma_start3A_267, %dma_start3A_268] : memref<10240x128xf32, #tpu.memory_space<vmem_shared>> -> memref<10240x128xf32, #tpu.memory_space<vmem_shared>>
        tpu.enqueue_indirect_dma source(%arg12 : memref<128x128xf32, #tpu.memory_space<vmem>>) target(%dma_start3A_269 : memref<10240x128xf32, #tpu.memory_space<vmem_shared>>) offsets(%dma_start3A_266 : memref<128xi32, #tpu.memory_space<vmem>>) semaphore(%run_scoped3A : memref<!tpu.dma_semaphore, #tpu.memory_space<semaphore_mem>>) {add = true}
        %dma_wait3A_270 = arith.constant 0 : i32
        %dma_wait3A_271 = tpu.memref_slice %arg11[%mul3A_235, %dma_wait3A_270] : memref<64x128xi32, #tpu.memory_space<vmem>> -> memref<1x128xi32, #tpu.memory_space<vmem>>
        %dma_wait3A_272 = tpu.memref_squeeze %dma_wait3A_271 : memref<1x128xi32, #tpu.memory_space<vmem>> -> memref<128xi32, #tpu.memory_space<vmem>>
        %dma_wait3A_273 = arith.constant 0 : i32
        %dma_wait3A_274 = arith.constant 0 : i32
        %dma_wait3A_275 = tpu.memref_slice %arg14[%dma_wait3A_273, %dma_wait3A_274] : memref<10240x128xf32, #tpu.memory_space<vmem_shared>> -> memref<10240x128xf32, #tpu.memory_space<vmem_shared>>
        tpu.wait_indirect_dma semaphore(%run_scoped3A : memref<!tpu.dma_semaphore, #tpu.memory_space<semaphore_mem>>) src(%arg12 : memref<128x128xf32, #tpu.memory_space<vmem>>) dst(%dma_wait3A_275 : memref<10240x128xf32, #tpu.memory_space<vmem_shared>>)
        tpu.yield
      }) : () -> ()
      %add3A_250 = arith.constant 2 : i32
      %add3A_251 = arith.addi %mul3A_235, %add3A_250 : i32
      %min3A = arith.minsi %add3A_251, %sub3A_9 : i32
      %dma_start3A_252 = arith.constant 0 : i32
      %dma_start3A_253 = tpu.memref_slice %arg10[%min3A, %dma_start3A_252] : memref<64x128xi32, #tpu.memory_space<vmem>> -> memref<1x128xi32, #tpu.memory_space<vmem>>
      %dma_start3A_254 = tpu.memref_squeeze %dma_start3A_253 : memref<1x128xi32, #tpu.memory_space<vmem>> -> memref<128xi32, #tpu.memory_space<vmem>>
      %dma_start3A_255 = arith.constant 0 : i32
      %dma_start3A_256 = arith.constant 0 : i32
      %dma_start3A_257 = tpu.memref_slice %arg5[%dma_start3A_255, %dma_start3A_256] : memref<10000x128xf32, #tpu.memory_space<hbm>> -> memref<10000x128xf32, #tpu.memory_space<hbm>>
      tpu.enqueue_indirect_dma source(%dma_start3A_257 : memref<10000x128xf32, #tpu.memory_space<hbm>>) target(%arg12 : memref<128x128xf32, #tpu.memory_space<vmem>>) offsets(%dma_start3A_254 : memref<128xi32, #tpu.memory_space<vmem>>) semaphore(%arg15 : memref<!tpu.dma_semaphore, #tpu.memory_space<semaphore_mem>>)
      %dma_wait3A_258 = arith.constant 0 : i32
      %dma_wait3A_259 = tpu.memref_slice %arg10[%add3A_237, %dma_wait3A_258] : memref<64x128xi32, #tpu.memory_space<vmem>> -> memref<1x128xi32, #tpu.memory_space<vmem>>
      %dma_wait3A_260 = tpu.memref_squeeze %dma_wait3A_259 : memref<1x128xi32, #tpu.memory_space<vmem>> -> memref<128xi32, #tpu.memory_space<vmem>>
      %dma_wait3A_261 = arith.constant 0 : i32
      %dma_wait3A_262 = arith.constant 0 : i32
      %dma_wait3A_263 = tpu.memref_slice %arg5[%dma_wait3A_261, %dma_wait3A_262] : memref<10000x128xf32, #tpu.memory_space<hbm>> -> memref<10000x128xf32, #tpu.memory_space<hbm>>
      tpu.wait_indirect_dma semaphore(%arg16 : memref<!tpu.dma_semaphore, #tpu.memory_space<semaphore_mem>>) src(%dma_wait3A_263 : memref<10000x128xf32, #tpu.memory_space<hbm>>) dst(%arg13 : memref<128x128xf32, #tpu.memory_space<vmem>>)
      "tpu.region"() ({
        %run_scoped3A = tpu.sem_alloc : memref<!tpu.dma_semaphore, #tpu.memory_space<semaphore_mem>>
        %dma_start3A_264 = arith.constant 0 : i32
        %dma_start3A_265 = tpu.memref_slice %arg11[%add3A_237, %dma_start3A_264] : memref<64x128xi32, #tpu.memory_space<vmem>> -> memref<1x128xi32, #tpu.memory_space<vmem>>
        %dma_start3A_266 = tpu.memref_squeeze %dma_start3A_265 : memref<1x128xi32, #tpu.memory_space<vmem>> -> memref<128xi32, #tpu.memory_space<vmem>>
        %dma_start3A_267 = arith.constant 0 : i32
        %dma_start3A_268 = arith.constant 0 : i32
        %dma_start3A_269 = tpu.memref_slice %arg14[%dma_start3A_267, %dma_start3A_268] : memref<10240x128xf32, #tpu.memory_space<vmem_shared>> -> memref<10240x128xf32, #tpu.memory_space<vmem_shared>>
        tpu.enqueue_indirect_dma source(%arg13 : memref<128x128xf32, #tpu.memory_space<vmem>>) target(%dma_start3A_269 : memref<10240x128xf32, #tpu.memory_space<vmem_shared>>) offsets(%dma_start3A_266 : memref<128xi32, #tpu.memory_space<vmem>>) semaphore(%run_scoped3A : memref<!tpu.dma_semaphore, #tpu.memory_space<semaphore_mem>>) {add = true}
        %dma_wait3A_270 = arith.constant 0 : i32
        %dma_wait3A_271 = tpu.memref_slice %arg11[%add3A_237, %dma_wait3A_270] : memref<64x128xi32, #tpu.memory_space<vmem>> -> memref<1x128xi32, #tpu.memory_space<vmem>>
        %dma_wait3A_272 = tpu.memref_squeeze %dma_wait3A_271 : memref<1x128xi32, #tpu.memory_space<vmem>> -> memref<128xi32, #tpu.memory_space<vmem>>
        %dma_wait3A_273 = arith.constant 0 : i32
        %dma_wait3A_274 = arith.constant 0 : i32
        %dma_wait3A_275 = tpu.memref_slice %arg14[%dma_wait3A_273, %dma_wait3A_274] : memref<10240x128xf32, #tpu.memory_space<vmem_shared>> -> memref<10240x128xf32, #tpu.memory_space<vmem_shared>>
        tpu.wait_indirect_dma semaphore(%run_scoped3A : memref<!tpu.dma_semaphore, #tpu.memory_space<semaphore_mem>>) src(%arg13 : memref<128x128xf32, #tpu.memory_space<vmem>>) dst(%dma_wait3A_275 : memref<10240x128xf32, #tpu.memory_space<vmem_shared>>)
        tpu.yield
      }) : () -> ()
    }
    %dma_wait3A_105 = arith.constant 0 : i32
    %dma_wait3A_106 = tpu.memref_slice %arg10[%sub3A_9, %dma_wait3A_105] : memref<64x128xi32, #tpu.memory_space<vmem>> -> memref<1x128xi32, #tpu.memory_space<vmem>>
    %dma_wait3A_107 = tpu.memref_squeeze %dma_wait3A_106 : memref<1x128xi32, #tpu.memory_space<vmem>> -> memref<128xi32, #tpu.memory_space<vmem>>
    %dma_wait3A_108 = arith.constant 0 : i32
    %dma_wait3A_109 = arith.constant 0 : i32
    %dma_wait3A_110 = tpu.memref_slice %arg5[%dma_wait3A_108, %dma_wait3A_109] : memref<10000x128xf32, #tpu.memory_space<hbm>> -> memref<10000x128xf32, #tpu.memory_space<hbm>>
    tpu.wait_indirect_dma semaphore(%arg15 : memref<!tpu.dma_semaphore, #tpu.memory_space<semaphore_mem>>) src(%dma_wait3A_110 : memref<10000x128xf32, #tpu.memory_space<hbm>>) dst(%arg12 : memref<128x128xf32, #tpu.memory_space<vmem>>)
    %barrier3A_111 = arith.constant 0 : index
    tpu.barrier barrier_id(%barrier3A_111)
    %mul3A_112 = arith.constant 640 : i32
    %mul3A_113 = arith.muli %arg1, %mul3A_112 : i32
    %mul3A_114 = arith.constant 640 : i32
    %mul3A_115 = arith.muli %arg1, %mul3A_114 : i32
    "tpu.region"() ({
      %run_scoped3A = tpu.sem_alloc : memref<!tpu.dma_semaphore, #tpu.memory_space<semaphore_mem>>
      %dma_start3A_233 = arith.constant 128 : i32
      %dma_start3A_234 = tpu.memref_slice %arg9[%arg0, %mul3A_115, %dma_start3A_233] : memref<2x10240x512xf32, #tpu.memory_space<hbm>> -> memref<1x640x128xf32, #tpu.memory_space<hbm>>
      %dma_start3A_235 = tpu.memref_squeeze %dma_start3A_234 : memref<1x640x128xf32, #tpu.memory_space<hbm>> -> memref<640x128xf32, #tpu.memory_space<hbm>>
      %dma_start3A_236 = arith.constant 0 : i32
      %dma_start3A_237 = tpu.memref_slice %arg14[%mul3A_113, %dma_start3A_236] : memref<10240x128xf32, #tpu.memory_space<vmem_shared>> -> memref<640x128xf32, #tpu.memory_space<vmem_shared>>
      tpu.enqueue_dma source(%dma_start3A_237 : memref<640x128xf32, #tpu.memory_space<vmem_shared>>) target(%dma_start3A_235 : memref<640x128xf32, #tpu.memory_space<hbm>>) target_semaphore(%run_scoped3A : memref<!tpu.dma_semaphore, #tpu.memory_space<semaphore_mem>>)
      %dma_wait3A_238 = arith.constant 128 : i32
      %dma_wait3A_239 = tpu.memref_slice %arg9[%arg0, %mul3A_115, %dma_wait3A_238] : memref<2x10240x512xf32, #tpu.memory_space<hbm>> -> memref<1x640x128xf32, #tpu.memory_space<hbm>>
      %dma_wait3A_240 = tpu.memref_squeeze %dma_wait3A_239 : memref<1x640x128xf32, #tpu.memory_space<hbm>> -> memref<640x128xf32, #tpu.memory_space<hbm>>
      %dma_wait3A_241 = arith.constant 0 : i32
      %dma_wait3A_242 = tpu.memref_slice %arg14[%mul3A_113, %dma_wait3A_241] : memref<10240x128xf32, #tpu.memory_space<vmem_shared>> -> memref<640x128xf32, #tpu.memory_space<vmem_shared>>
      tpu.wait_dma2 semaphore(%run_scoped3A : memref<!tpu.dma_semaphore, #tpu.memory_space<semaphore_mem>>) src(%dma_wait3A_242 : memref<640x128xf32, #tpu.memory_space<vmem_shared>>) dst(%dma_wait3A_240 : memref<640x128xf32, #tpu.memory_space<hbm>>)
      tpu.yield
    }) : () -> ()
    %barrier3A_116 = arith.constant 0 : index
    tpu.barrier barrier_id(%barrier3A_116)
    %mul3A_117 = arith.constant 640 : i32
    %mul3A_118 = arith.muli %arg1, %mul3A_117 : i32
    %mul3A_119 = arith.constant 640 : i32
    %mul3A_120 = arith.muli %arg1, %mul3A_119 : i32
    "tpu.region"() ({
      %run_scoped3A = tpu.sem_alloc : memref<!tpu.dma_semaphore, #tpu.memory_space<semaphore_mem>>
      %dma_start3A_233 = arith.constant 0 : i32
      %dma_start3A_234 = tpu.memref_slice %arg14[%mul3A_120, %dma_start3A_233] : memref<10240x128xf32, #tpu.memory_space<vmem_shared>> -> memref<640x128xf32, #tpu.memory_space<vmem_shared>>
      %dma_start3A_235 = arith.constant 0 : i32
      %dma_start3A_236 = tpu.memref_slice %arg8[%mul3A_118, %dma_start3A_235] : memref<10240x128xf32, #tpu.memory_space<hbm>> -> memref<640x128xf32, #tpu.memory_space<hbm>>
      tpu.enqueue_dma source(%dma_start3A_236 : memref<640x128xf32, #tpu.memory_space<hbm>>) target(%dma_start3A_234 : memref<640x128xf32, #tpu.memory_space<vmem_shared>>) target_semaphore(%run_scoped3A : memref<!tpu.dma_semaphore, #tpu.memory_space<semaphore_mem>>)
      %dma_wait3A_237 = arith.constant 0 : i32
      %dma_wait3A_238 = tpu.memref_slice %arg14[%mul3A_120, %dma_wait3A_237] : memref<10240x128xf32, #tpu.memory_space<vmem_shared>> -> memref<640x128xf32, #tpu.memory_space<vmem_shared>>
      %dma_wait3A_239 = arith.constant 0 : i32
      %dma_wait3A_240 = tpu.memref_slice %arg8[%mul3A_118, %dma_wait3A_239] : memref<10240x128xf32, #tpu.memory_space<hbm>> -> memref<640x128xf32, #tpu.memory_space<hbm>>
      tpu.wait_dma2 semaphore(%run_scoped3A : memref<!tpu.dma_semaphore, #tpu.memory_space<semaphore_mem>>) src(%dma_wait3A_240 : memref<640x128xf32, #tpu.memory_space<hbm>>) dst(%dma_wait3A_238 : memref<640x128xf32, #tpu.memory_space<vmem_shared>>)
      tpu.yield
    }) : () -> ()
    %barrier3A_121 = arith.constant 0 : index
    tpu.barrier barrier_id(%barrier3A_121)
    %dma_start3A_122 = arith.constant 0 : i32
    %dma_start3A_123 = arith.constant 0 : i32
    %dma_start3A_124 = tpu.memref_slice %arg10[%dma_start3A_122, %dma_start3A_123] : memref<64x128xi32, #tpu.memory_space<vmem>> -> memref<1x128xi32, #tpu.memory_space<vmem>>
    %dma_start3A_125 = tpu.memref_squeeze %dma_start3A_124 : memref<1x128xi32, #tpu.memory_space<vmem>> -> memref<128xi32, #tpu.memory_space<vmem>>
    %dma_start3A_126 = arith.constant 0 : i32
    %dma_start3A_127 = arith.constant 0 : i32
    %dma_start3A_128 = tpu.memref_slice %arg6[%dma_start3A_126, %dma_start3A_127] : memref<10000x128xf32, #tpu.memory_space<hbm>> -> memref<10000x128xf32, #tpu.memory_space<hbm>>
    tpu.enqueue_indirect_dma source(%dma_start3A_128 : memref<10000x128xf32, #tpu.memory_space<hbm>>) target(%arg12 : memref<128x128xf32, #tpu.memory_space<vmem>>) offsets(%dma_start3A_125 : memref<128xi32, #tpu.memory_space<vmem>>) semaphore(%arg15 : memref<!tpu.dma_semaphore, #tpu.memory_space<semaphore_mem>>)
    %jit3A_129 = arith.constant 2 : i32
    %div3A_130 = arith.divsi %select_n3A_8, %jit3A_129 : i32
    %sign3A_131 = arith.constant 0 : i32
    %sign3A_132 = arith.cmpi sgt, %select_n3A_8, %sign3A_131 : i32
    %sign3A_133 = arith.extui %sign3A_132 : i1 to i32
    %sign3A_134 = arith.constant 0 : i32
    %sign3A_135 = arith.cmpi slt, %select_n3A_8, %sign3A_134 : i32
    %sign3A_136 = arith.extui %sign3A_135 : i1 to i32
    %sign3A_137 = arith.subi %sign3A_133, %sign3A_136 : i32
    %sign3A_138 = arith.constant 0 : i32
    %sign3A_139 = arith.cmpi sgt, %jit3A_129, %sign3A_138 : i32
    %sign3A_140 = arith.extui %sign3A_139 : i1 to i32
    %sign3A_141 = arith.constant 0 : i32
    %sign3A_142 = arith.cmpi slt, %jit3A_129, %sign3A_141 : i32
    %sign3A_143 = arith.extui %sign3A_142 : i1 to i32
    %sign3A_144 = arith.subi %sign3A_140, %sign3A_143 : i32
    %ne3A_145 = arith.cmpi ne, %sign3A_137, %sign3A_144 : i32
    %rem3A_146 = arith.remsi %select_n3A_8, %jit3A_129 : i32
    %ne3A_147 = arith.constant 0 : i32
    %ne3A_148 = arith.cmpi ne, %rem3A_146, %ne3A_147 : i32
    %and3A_149 = arith.andi %ne3A_145, %ne3A_148 : i1
    %sub3A_150 = arith.constant 1 : i32
    %sub3A_151 = arith.subi %div3A_130, %sub3A_150 : i32
    %select_n3A_152 = arith.select %and3A_149, %sub3A_151, %div3A_130 : i32
    %while3A_153 = arith.constant 0 : i32
    %while3A_154 = arith.constant 0 : i32
    %while3A_155 = arith.subi %select_n3A_152, %while3A_154 : i32
    %while3A_156 = arith.addi %while3A_154, %while3A_155 : i32
    %while3A_157 = arith.constant 1 : i32
    %while3A_158 = arith.divsi %while3A_155, %while3A_157 : i32
    %while3A_159 = arith.muli %while3A_158, %while3A_157 : i32
    %while3A_160 = arith.addi %while3A_154, %while3A_159 : i32
    %while3A_161 = arith.constant 1 : i32
    scf.for %while3A_233 = %while3A_154 to %while3A_160 step %while3A_161  : i32 {
      %mul3A_234 = arith.constant 2 : i32
      %mul3A_235 = arith.muli %mul3A_234, %while3A_233 : i32
      %add3A_236 = arith.constant 1 : i32
      %add3A_237 = arith.addi %mul3A_235, %add3A_236 : i32
      %dma_start3A_238 = arith.constant 0 : i32
      %dma_start3A_239 = tpu.memref_slice %arg10[%add3A_237, %dma_start3A_238] : memref<64x128xi32, #tpu.memory_space<vmem>> -> memref<1x128xi32, #tpu.memory_space<vmem>>
      %dma_start3A_240 = tpu.memref_squeeze %dma_start3A_239 : memref<1x128xi32, #tpu.memory_space<vmem>> -> memref<128xi32, #tpu.memory_space<vmem>>
      %dma_start3A_241 = arith.constant 0 : i32
      %dma_start3A_242 = arith.constant 0 : i32
      %dma_start3A_243 = tpu.memref_slice %arg6[%dma_start3A_241, %dma_start3A_242] : memref<10000x128xf32, #tpu.memory_space<hbm>> -> memref<10000x128xf32, #tpu.memory_space<hbm>>
      tpu.enqueue_indirect_dma source(%dma_start3A_243 : memref<10000x128xf32, #tpu.memory_space<hbm>>) target(%arg13 : memref<128x128xf32, #tpu.memory_space<vmem>>) offsets(%dma_start3A_240 : memref<128xi32, #tpu.memory_space<vmem>>) semaphore(%arg16 : memref<!tpu.dma_semaphore, #tpu.memory_space<semaphore_mem>>)
      %dma_wait3A_244 = arith.constant 0 : i32
      %dma_wait3A_245 = tpu.memref_slice %arg10[%mul3A_235, %dma_wait3A_244] : memref<64x128xi32, #tpu.memory_space<vmem>> -> memref<1x128xi32, #tpu.memory_space<vmem>>
      %dma_wait3A_246 = tpu.memref_squeeze %dma_wait3A_245 : memref<1x128xi32, #tpu.memory_space<vmem>> -> memref<128xi32, #tpu.memory_space<vmem>>
      %dma_wait3A_247 = arith.constant 0 : i32
      %dma_wait3A_248 = arith.constant 0 : i32
      %dma_wait3A_249 = tpu.memref_slice %arg6[%dma_wait3A_247, %dma_wait3A_248] : memref<10000x128xf32, #tpu.memory_space<hbm>> -> memref<10000x128xf32, #tpu.memory_space<hbm>>
      tpu.wait_indirect_dma semaphore(%arg15 : memref<!tpu.dma_semaphore, #tpu.memory_space<semaphore_mem>>) src(%dma_wait3A_249 : memref<10000x128xf32, #tpu.memory_space<hbm>>) dst(%arg12 : memref<128x128xf32, #tpu.memory_space<vmem>>)
      "tpu.region"() ({
        %run_scoped3A = tpu.sem_alloc : memref<!tpu.dma_semaphore, #tpu.memory_space<semaphore_mem>>
        %dma_start3A_264 = arith.constant 0 : i32
        %dma_start3A_265 = tpu.memref_slice %arg11[%mul3A_235, %dma_start3A_264] : memref<64x128xi32, #tpu.memory_space<vmem>> -> memref<1x128xi32, #tpu.memory_space<vmem>>
        %dma_start3A_266 = tpu.memref_squeeze %dma_start3A_265 : memref<1x128xi32, #tpu.memory_space<vmem>> -> memref<128xi32, #tpu.memory_space<vmem>>
        %dma_start3A_267 = arith.constant 0 : i32
        %dma_start3A_268 = arith.constant 0 : i32
        %dma_start3A_269 = tpu.memref_slice %arg14[%dma_start3A_267, %dma_start3A_268] : memref<10240x128xf32, #tpu.memory_space<vmem_shared>> -> memref<10240x128xf32, #tpu.memory_space<vmem_shared>>
        tpu.enqueue_indirect_dma source(%arg12 : memref<128x128xf32, #tpu.memory_space<vmem>>) target(%dma_start3A_269 : memref<10240x128xf32, #tpu.memory_space<vmem_shared>>) offsets(%dma_start3A_266 : memref<128xi32, #tpu.memory_space<vmem>>) semaphore(%run_scoped3A : memref<!tpu.dma_semaphore, #tpu.memory_space<semaphore_mem>>) {add = true}
        %dma_wait3A_270 = arith.constant 0 : i32
        %dma_wait3A_271 = tpu.memref_slice %arg11[%mul3A_235, %dma_wait3A_270] : memref<64x128xi32, #tpu.memory_space<vmem>> -> memref<1x128xi32, #tpu.memory_space<vmem>>
        %dma_wait3A_272 = tpu.memref_squeeze %dma_wait3A_271 : memref<1x128xi32, #tpu.memory_space<vmem>> -> memref<128xi32, #tpu.memory_space<vmem>>
        %dma_wait3A_273 = arith.constant 0 : i32
        %dma_wait3A_274 = arith.constant 0 : i32
        %dma_wait3A_275 = tpu.memref_slice %arg14[%dma_wait3A_273, %dma_wait3A_274] : memref<10240x128xf32, #tpu.memory_space<vmem_shared>> -> memref<10240x128xf32, #tpu.memory_space<vmem_shared>>
        tpu.wait_indirect_dma semaphore(%run_scoped3A : memref<!tpu.dma_semaphore, #tpu.memory_space<semaphore_mem>>) src(%arg12 : memref<128x128xf32, #tpu.memory_space<vmem>>) dst(%dma_wait3A_275 : memref<10240x128xf32, #tpu.memory_space<vmem_shared>>)
        tpu.yield
      }) : () -> ()
      %add3A_250 = arith.constant 2 : i32
      %add3A_251 = arith.addi %mul3A_235, %add3A_250 : i32
      %min3A = arith.minsi %add3A_251, %sub3A_9 : i32
      %dma_start3A_252 = arith.constant 0 : i32
      %dma_start3A_253 = tpu.memref_slice %arg10[%min3A, %dma_start3A_252] : memref<64x128xi32, #tpu.memory_space<vmem>> -> memref<1x128xi32, #tpu.memory_space<vmem>>
      %dma_start3A_254 = tpu.memref_squeeze %dma_start3A_253 : memref<1x128xi32, #tpu.memory_space<vmem>> -> memref<128xi32, #tpu.memory_space<vmem>>
      %dma_start3A_255 = arith.constant 0 : i32
      %dma_start3A_256 = arith.constant 0 : i32
      %dma_start3A_257 = tpu.memref_slice %arg6[%dma_start3A_255, %dma_start3A_256] : memref<10000x128xf32, #tpu.memory_space<hbm>> -> memref<10000x128xf32, #tpu.memory_space<hbm>>
      tpu.enqueue_indirect_dma source(%dma_start3A_257 : memref<10000x128xf32, #tpu.memory_space<hbm>>) target(%arg12 : memref<128x128xf32, #tpu.memory_space<vmem>>) offsets(%dma_start3A_254 : memref<128xi32, #tpu.memory_space<vmem>>) semaphore(%arg15 : memref<!tpu.dma_semaphore, #tpu.memory_space<semaphore_mem>>)
      %dma_wait3A_258 = arith.constant 0 : i32
      %dma_wait3A_259 = tpu.memref_slice %arg10[%add3A_237, %dma_wait3A_258] : memref<64x128xi32, #tpu.memory_space<vmem>> -> memref<1x128xi32, #tpu.memory_space<vmem>>
      %dma_wait3A_260 = tpu.memref_squeeze %dma_wait3A_259 : memref<1x128xi32, #tpu.memory_space<vmem>> -> memref<128xi32, #tpu.memory_space<vmem>>
      %dma_wait3A_261 = arith.constant 0 : i32
      %dma_wait3A_262 = arith.constant 0 : i32
      %dma_wait3A_263 = tpu.memref_slice %arg6[%dma_wait3A_261, %dma_wait3A_262] : memref<10000x128xf32, #tpu.memory_space<hbm>> -> memref<10000x128xf32, #tpu.memory_space<hbm>>
      tpu.wait_indirect_dma semaphore(%arg16 : memref<!tpu.dma_semaphore, #tpu.memory_space<semaphore_mem>>) src(%dma_wait3A_263 : memref<10000x128xf32, #tpu.memory_space<hbm>>) dst(%arg13 : memref<128x128xf32, #tpu.memory_space<vmem>>)
      "tpu.region"() ({
        %run_scoped3A = tpu.sem_alloc : memref<!tpu.dma_semaphore, #tpu.memory_space<semaphore_mem>>
        %dma_start3A_264 = arith.constant 0 : i32
        %dma_start3A_265 = tpu.memref_slice %arg11[%add3A_237, %dma_start3A_264] : memref<64x128xi32, #tpu.memory_space<vmem>> -> memref<1x128xi32, #tpu.memory_space<vmem>>
        %dma_start3A_266 = tpu.memref_squeeze %dma_start3A_265 : memref<1x128xi32, #tpu.memory_space<vmem>> -> memref<128xi32, #tpu.memory_space<vmem>>
        %dma_start3A_267 = arith.constant 0 : i32
        %dma_start3A_268 = arith.constant 0 : i32
        %dma_start3A_269 = tpu.memref_slice %arg14[%dma_start3A_267, %dma_start3A_268] : memref<10240x128xf32, #tpu.memory_space<vmem_shared>> -> memref<10240x128xf32, #tpu.memory_space<vmem_shared>>
        tpu.enqueue_indirect_dma source(%arg13 : memref<128x128xf32, #tpu.memory_space<vmem>>) target(%dma_start3A_269 : memref<10240x128xf32, #tpu.memory_space<vmem_shared>>) offsets(%dma_start3A_266 : memref<128xi32, #tpu.memory_space<vmem>>) semaphore(%run_scoped3A : memref<!tpu.dma_semaphore, #tpu.memory_space<semaphore_mem>>) {add = true}
        %dma_wait3A_270 = arith.constant 0 : i32
        %dma_wait3A_271 = tpu.memref_slice %arg11[%add3A_237, %dma_wait3A_270] : memref<64x128xi32, #tpu.memory_space<vmem>> -> memref<1x128xi32, #tpu.memory_space<vmem>>
        %dma_wait3A_272 = tpu.memref_squeeze %dma_wait3A_271 : memref<1x128xi32, #tpu.memory_space<vmem>> -> memref<128xi32, #tpu.memory_space<vmem>>
        %dma_wait3A_273 = arith.constant 0 : i32
        %dma_wait3A_274 = arith.constant 0 : i32
        %dma_wait3A_275 = tpu.memref_slice %arg14[%dma_wait3A_273, %dma_wait3A_274] : memref<10240x128xf32, #tpu.memory_space<vmem_shared>> -> memref<10240x128xf32, #tpu.memory_space<vmem_shared>>
        tpu.wait_indirect_dma semaphore(%run_scoped3A : memref<!tpu.dma_semaphore, #tpu.memory_space<semaphore_mem>>) src(%arg13 : memref<128x128xf32, #tpu.memory_space<vmem>>) dst(%dma_wait3A_275 : memref<10240x128xf32, #tpu.memory_space<vmem_shared>>)
        tpu.yield
      }) : () -> ()
    }
    %while3A_162 = arith.constant 1 : i32
    scf.for %while3A_233 = %while3A_160 to %while3A_156 step %while3A_162  : i32 {
      %mul3A_234 = arith.constant 2 : i32
      %mul3A_235 = arith.muli %mul3A_234, %while3A_233 : i32
      %add3A_236 = arith.constant 1 : i32
      %add3A_237 = arith.addi %mul3A_235, %add3A_236 : i32
      %dma_start3A_238 = arith.constant 0 : i32
      %dma_start3A_239 = tpu.memref_slice %arg10[%add3A_237, %dma_start3A_238] : memref<64x128xi32, #tpu.memory_space<vmem>> -> memref<1x128xi32, #tpu.memory_space<vmem>>
      %dma_start3A_240 = tpu.memref_squeeze %dma_start3A_239 : memref<1x128xi32, #tpu.memory_space<vmem>> -> memref<128xi32, #tpu.memory_space<vmem>>
      %dma_start3A_241 = arith.constant 0 : i32
      %dma_start3A_242 = arith.constant 0 : i32
      %dma_start3A_243 = tpu.memref_slice %arg6[%dma_start3A_241, %dma_start3A_242] : memref<10000x128xf32, #tpu.memory_space<hbm>> -> memref<10000x128xf32, #tpu.memory_space<hbm>>
      tpu.enqueue_indirect_dma source(%dma_start3A_243 : memref<10000x128xf32, #tpu.memory_space<hbm>>) target(%arg13 : memref<128x128xf32, #tpu.memory_space<vmem>>) offsets(%dma_start3A_240 : memref<128xi32, #tpu.memory_space<vmem>>) semaphore(%arg16 : memref<!tpu.dma_semaphore, #tpu.memory_space<semaphore_mem>>)
      %dma_wait3A_244 = arith.constant 0 : i32
      %dma_wait3A_245 = tpu.memref_slice %arg10[%mul3A_235, %dma_wait3A_244] : memref<64x128xi32, #tpu.memory_space<vmem>> -> memref<1x128xi32, #tpu.memory_space<vmem>>
      %dma_wait3A_246 = tpu.memref_squeeze %dma_wait3A_245 : memref<1x128xi32, #tpu.memory_space<vmem>> -> memref<128xi32, #tpu.memory_space<vmem>>
      %dma_wait3A_247 = arith.constant 0 : i32
      %dma_wait3A_248 = arith.constant 0 : i32
      %dma_wait3A_249 = tpu.memref_slice %arg6[%dma_wait3A_247, %dma_wait3A_248] : memref<10000x128xf32, #tpu.memory_space<hbm>> -> memref<10000x128xf32, #tpu.memory_space<hbm>>
      tpu.wait_indirect_dma semaphore(%arg15 : memref<!tpu.dma_semaphore, #tpu.memory_space<semaphore_mem>>) src(%dma_wait3A_249 : memref<10000x128xf32, #tpu.memory_space<hbm>>) dst(%arg12 : memref<128x128xf32, #tpu.memory_space<vmem>>)
      "tpu.region"() ({
        %run_scoped3A = tpu.sem_alloc : memref<!tpu.dma_semaphore, #tpu.memory_space<semaphore_mem>>
        %dma_start3A_264 = arith.constant 0 : i32
        %dma_start3A_265 = tpu.memref_slice %arg11[%mul3A_235, %dma_start3A_264] : memref<64x128xi32, #tpu.memory_space<vmem>> -> memref<1x128xi32, #tpu.memory_space<vmem>>
        %dma_start3A_266 = tpu.memref_squeeze %dma_start3A_265 : memref<1x128xi32, #tpu.memory_space<vmem>> -> memref<128xi32, #tpu.memory_space<vmem>>
        %dma_start3A_267 = arith.constant 0 : i32
        %dma_start3A_268 = arith.constant 0 : i32
        %dma_start3A_269 = tpu.memref_slice %arg14[%dma_start3A_267, %dma_start3A_268] : memref<10240x128xf32, #tpu.memory_space<vmem_shared>> -> memref<10240x128xf32, #tpu.memory_space<vmem_shared>>
        tpu.enqueue_indirect_dma source(%arg12 : memref<128x128xf32, #tpu.memory_space<vmem>>) target(%dma_start3A_269 : memref<10240x128xf32, #tpu.memory_space<vmem_shared>>) offsets(%dma_start3A_266 : memref<128xi32, #tpu.memory_space<vmem>>) semaphore(%run_scoped3A : memref<!tpu.dma_semaphore, #tpu.memory_space<semaphore_mem>>) {add = true}
        %dma_wait3A_270 = arith.constant 0 : i32
        %dma_wait3A_271 = tpu.memref_slice %arg11[%mul3A_235, %dma_wait3A_270] : memref<64x128xi32, #tpu.memory_space<vmem>> -> memref<1x128xi32, #tpu.memory_space<vmem>>
        %dma_wait3A_272 = tpu.memref_squeeze %dma_wait3A_271 : memref<1x128xi32, #tpu.memory_space<vmem>> -> memref<128xi32, #tpu.memory_space<vmem>>
        %dma_wait3A_273 = arith.constant 0 : i32
        %dma_wait3A_274 = arith.constant 0 : i32
        %dma_wait3A_275 = tpu.memref_slice %arg14[%dma_wait3A_273, %dma_wait3A_274] : memref<10240x128xf32, #tpu.memory_space<vmem_shared>> -> memref<10240x128xf32, #tpu.memory_space<vmem_shared>>
        tpu.wait_indirect_dma semaphore(%run_scoped3A : memref<!tpu.dma_semaphore, #tpu.memory_space<semaphore_mem>>) src(%arg12 : memref<128x128xf32, #tpu.memory_space<vmem>>) dst(%dma_wait3A_275 : memref<10240x128xf32, #tpu.memory_space<vmem_shared>>)
        tpu.yield
      }) : () -> ()
      %add3A_250 = arith.constant 2 : i32
      %add3A_251 = arith.addi %mul3A_235, %add3A_250 : i32
      %min3A = arith.minsi %add3A_251, %sub3A_9 : i32
      %dma_start3A_252 = arith.constant 0 : i32
      %dma_start3A_253 = tpu.memref_slice %arg10[%min3A, %dma_start3A_252] : memref<64x128xi32, #tpu.memory_space<vmem>> -> memref<1x128xi32, #tpu.memory_space<vmem>>
      %dma_start3A_254 = tpu.memref_squeeze %dma_start3A_253 : memref<1x128xi32, #tpu.memory_space<vmem>> -> memref<128xi32, #tpu.memory_space<vmem>>
      %dma_start3A_255 = arith.constant 0 : i32
      %dma_start3A_256 = arith.constant 0 : i32
      %dma_start3A_257 = tpu.memref_slice %arg6[%dma_start3A_255, %dma_start3A_256] : memref<10000x128xf32, #tpu.memory_space<hbm>> -> memref<10000x128xf32, #tpu.memory_space<hbm>>
      tpu.enqueue_indirect_dma source(%dma_start3A_257 : memref<10000x128xf32, #tpu.memory_space<hbm>>) target(%arg12 : memref<128x128xf32, #tpu.memory_space<vmem>>) offsets(%dma_start3A_254 : memref<128xi32, #tpu.memory_space<vmem>>) semaphore(%arg15 : memref<!tpu.dma_semaphore, #tpu.memory_space<semaphore_mem>>)
      %dma_wait3A_258 = arith.constant 0 : i32
      %dma_wait3A_259 = tpu.memref_slice %arg10[%add3A_237, %dma_wait3A_258] : memref<64x128xi32, #tpu.memory_space<vmem>> -> memref<1x128xi32, #tpu.memory_space<vmem>>
      %dma_wait3A_260 = tpu.memref_squeeze %dma_wait3A_259 : memref<1x128xi32, #tpu.memory_space<vmem>> -> memref<128xi32, #tpu.memory_space<vmem>>
      %dma_wait3A_261 = arith.constant 0 : i32
      %dma_wait3A_262 = arith.constant 0 : i32
      %dma_wait3A_263 = tpu.memref_slice %arg6[%dma_wait3A_261, %dma_wait3A_262] : memref<10000x128xf32, #tpu.memory_space<hbm>> -> memref<10000x128xf32, #tpu.memory_space<hbm>>
      tpu.wait_indirect_dma semaphore(%arg16 : memref<!tpu.dma_semaphore, #tpu.memory_space<semaphore_mem>>) src(%dma_wait3A_263 : memref<10000x128xf32, #tpu.memory_space<hbm>>) dst(%arg13 : memref<128x128xf32, #tpu.memory_space<vmem>>)
      "tpu.region"() ({
        %run_scoped3A = tpu.sem_alloc : memref<!tpu.dma_semaphore, #tpu.memory_space<semaphore_mem>>
        %dma_start3A_264 = arith.constant 0 : i32
        %dma_start3A_265 = tpu.memref_slice %arg11[%add3A_237, %dma_start3A_264] : memref<64x128xi32, #tpu.memory_space<vmem>> -> memref<1x128xi32, #tpu.memory_space<vmem>>
        %dma_start3A_266 = tpu.memref_squeeze %dma_start3A_265 : memref<1x128xi32, #tpu.memory_space<vmem>> -> memref<128xi32, #tpu.memory_space<vmem>>
        %dma_start3A_267 = arith.constant 0 : i32
        %dma_start3A_268 = arith.constant 0 : i32
        %dma_start3A_269 = tpu.memref_slice %arg14[%dma_start3A_267, %dma_start3A_268] : memref<10240x128xf32, #tpu.memory_space<vmem_shared>> -> memref<10240x128xf32, #tpu.memory_space<vmem_shared>>
        tpu.enqueue_indirect_dma source(%arg13 : memref<128x128xf32, #tpu.memory_space<vmem>>) target(%dma_start3A_269 : memref<10240x128xf32, #tpu.memory_space<vmem_shared>>) offsets(%dma_start3A_266 : memref<128xi32, #tpu.memory_space<vmem>>) semaphore(%run_scoped3A : memref<!tpu.dma_semaphore, #tpu.memory_space<semaphore_mem>>) {add = true}
        %dma_wait3A_270 = arith.constant 0 : i32
        %dma_wait3A_271 = tpu.memref_slice %arg11[%add3A_237, %dma_wait3A_270] : memref<64x128xi32, #tpu.memory_space<vmem>> -> memref<1x128xi32, #tpu.memory_space<vmem>>
        %dma_wait3A_272 = tpu.memref_squeeze %dma_wait3A_271 : memref<1x128xi32, #tpu.memory_space<vmem>> -> memref<128xi32, #tpu.memory_space<vmem>>
        %dma_wait3A_273 = arith.constant 0 : i32
        %dma_wait3A_274 = arith.constant 0 : i32
        %dma_wait3A_275 = tpu.memref_slice %arg14[%dma_wait3A_273, %dma_wait3A_274] : memref<10240x128xf32, #tpu.memory_space<vmem_shared>> -> memref<10240x128xf32, #tpu.memory_space<vmem_shared>>
        tpu.wait_indirect_dma semaphore(%run_scoped3A : memref<!tpu.dma_semaphore, #tpu.memory_space<semaphore_mem>>) src(%arg13 : memref<128x128xf32, #tpu.memory_space<vmem>>) dst(%dma_wait3A_275 : memref<10240x128xf32, #tpu.memory_space<vmem_shared>>)
        tpu.yield
      }) : () -> ()
    }
    %dma_wait3A_163 = arith.constant 0 : i32
    %dma_wait3A_164 = tpu.memref_slice %arg10[%sub3A_9, %dma_wait3A_163] : memref<64x128xi32, #tpu.memory_space<vmem>> -> memref<1x128xi32, #tpu.memory_space<vmem>>
    %dma_wait3A_165 = tpu.memref_squeeze %dma_wait3A_164 : memref<1x128xi32, #tpu.memory_space<vmem>> -> memref<128xi32, #tpu.memory_space<vmem>>
    %dma_wait3A_166 = arith.constant 0 : i32
    %dma_wait3A_167 = arith.constant 0 : i32
    %dma_wait3A_168 = tpu.memref_slice %arg6[%dma_wait3A_166, %dma_wait3A_167] : memref<10000x128xf32, #tpu.memory_space<hbm>> -> memref<10000x128xf32, #tpu.memory_space<hbm>>
    tpu.wait_indirect_dma semaphore(%arg15 : memref<!tpu.dma_semaphore, #tpu.memory_space<semaphore_mem>>) src(%dma_wait3A_168 : memref<10000x128xf32, #tpu.memory_space<hbm>>) dst(%arg12 : memref<128x128xf32, #tpu.memory_space<vmem>>)
    %barrier3A_169 = arith.constant 0 : index
    tpu.barrier barrier_id(%barrier3A_169)
    %mul3A_170 = arith.constant 640 : i32
    %mul3A_171 = arith.muli %arg1, %mul3A_170 : i32
    %mul3A_172 = arith.constant 640 : i32
    %mul3A_173 = arith.muli %arg1, %mul3A_172 : i32
    "tpu.region"() ({
      %run_scoped3A = tpu.sem_alloc : memref<!tpu.dma_semaphore, #tpu.memory_space<semaphore_mem>>
      %dma_start3A_233 = arith.constant 256 : i32
      %dma_start3A_234 = tpu.memref_slice %arg9[%arg0, %mul3A_173, %dma_start3A_233] : memref<2x10240x512xf32, #tpu.memory_space<hbm>> -> memref<1x640x128xf32, #tpu.memory_space<hbm>>
      %dma_start3A_235 = tpu.memref_squeeze %dma_start3A_234 : memref<1x640x128xf32, #tpu.memory_space<hbm>> -> memref<640x128xf32, #tpu.memory_space<hbm>>
      %dma_start3A_236 = arith.constant 0 : i32
      %dma_start3A_237 = tpu.memref_slice %arg14[%mul3A_171, %dma_start3A_236] : memref<10240x128xf32, #tpu.memory_space<vmem_shared>> -> memref<640x128xf32, #tpu.memory_space<vmem_shared>>
      tpu.enqueue_dma source(%dma_start3A_237 : memref<640x128xf32, #tpu.memory_space<vmem_shared>>) target(%dma_start3A_235 : memref<640x128xf32, #tpu.memory_space<hbm>>) target_semaphore(%run_scoped3A : memref<!tpu.dma_semaphore, #tpu.memory_space<semaphore_mem>>)
      %dma_wait3A_238 = arith.constant 256 : i32
      %dma_wait3A_239 = tpu.memref_slice %arg9[%arg0, %mul3A_173, %dma_wait3A_238] : memref<2x10240x512xf32, #tpu.memory_space<hbm>> -> memref<1x640x128xf32, #tpu.memory_space<hbm>>
      %dma_wait3A_240 = tpu.memref_squeeze %dma_wait3A_239 : memref<1x640x128xf32, #tpu.memory_space<hbm>> -> memref<640x128xf32, #tpu.memory_space<hbm>>
      %dma_wait3A_241 = arith.constant 0 : i32
      %dma_wait3A_242 = tpu.memref_slice %arg14[%mul3A_171, %dma_wait3A_241] : memref<10240x128xf32, #tpu.memory_space<vmem_shared>> -> memref<640x128xf32, #tpu.memory_space<vmem_shared>>
      tpu.wait_dma2 semaphore(%run_scoped3A : memref<!tpu.dma_semaphore, #tpu.memory_space<semaphore_mem>>) src(%dma_wait3A_242 : memref<640x128xf32, #tpu.memory_space<vmem_shared>>) dst(%dma_wait3A_240 : memref<640x128xf32, #tpu.memory_space<hbm>>)
      tpu.yield
    }) : () -> ()
    %barrier3A_174 = arith.constant 0 : index
    tpu.barrier barrier_id(%barrier3A_174)
    %mul3A_175 = arith.constant 640 : i32
    %mul3A_176 = arith.muli %arg1, %mul3A_175 : i32
    %mul3A_177 = arith.constant 640 : i32
    %mul3A_178 = arith.muli %arg1, %mul3A_177 : i32
    "tpu.region"() ({
      %run_scoped3A = tpu.sem_alloc : memref<!tpu.dma_semaphore, #tpu.memory_space<semaphore_mem>>
      %dma_start3A_233 = arith.constant 0 : i32
      %dma_start3A_234 = tpu.memref_slice %arg14[%mul3A_178, %dma_start3A_233] : memref<10240x128xf32, #tpu.memory_space<vmem_shared>> -> memref<640x128xf32, #tpu.memory_space<vmem_shared>>
      %dma_start3A_235 = arith.constant 0 : i32
      %dma_start3A_236 = tpu.memref_slice %arg8[%mul3A_176, %dma_start3A_235] : memref<10240x128xf32, #tpu.memory_space<hbm>> -> memref<640x128xf32, #tpu.memory_space<hbm>>
      tpu.enqueue_dma source(%dma_start3A_236 : memref<640x128xf32, #tpu.memory_space<hbm>>) target(%dma_start3A_234 : memref<640x128xf32, #tpu.memory_space<vmem_shared>>) target_semaphore(%run_scoped3A : memref<!tpu.dma_semaphore, #tpu.memory_space<semaphore_mem>>)
      %dma_wait3A_237 = arith.constant 0 : i32
      %dma_wait3A_238 = tpu.memref_slice %arg14[%mul3A_178, %dma_wait3A_237] : memref<10240x128xf32, #tpu.memory_space<vmem_shared>> -> memref<640x128xf32, #tpu.memory_space<vmem_shared>>
      %dma_wait3A_239 = arith.constant 0 : i32
      %dma_wait3A_240 = tpu.memref_slice %arg8[%mul3A_176, %dma_wait3A_239] : memref<10240x128xf32, #tpu.memory_space<hbm>> -> memref<640x128xf32, #tpu.memory_space<hbm>>
      tpu.wait_dma2 semaphore(%run_scoped3A : memref<!tpu.dma_semaphore, #tpu.memory_space<semaphore_mem>>) src(%dma_wait3A_240 : memref<640x128xf32, #tpu.memory_space<hbm>>) dst(%dma_wait3A_238 : memref<640x128xf32, #tpu.memory_space<vmem_shared>>)
      tpu.yield
    }) : () -> ()
    %barrier3A_179 = arith.constant 0 : index
    tpu.barrier barrier_id(%barrier3A_179)
    %dma_start3A_180 = arith.constant 0 : i32
    %dma_start3A_181 = arith.constant 0 : i32
    %dma_start3A_182 = tpu.memref_slice %arg10[%dma_start3A_180, %dma_start3A_181] : memref<64x128xi32, #tpu.memory_space<vmem>> -> memref<1x128xi32, #tpu.memory_space<vmem>>
    %dma_start3A_183 = tpu.memref_squeeze %dma_start3A_182 : memref<1x128xi32, #tpu.memory_space<vmem>> -> memref<128xi32, #tpu.memory_space<vmem>>
    %dma_start3A_184 = arith.constant 0 : i32
    %dma_start3A_185 = arith.constant 0 : i32
    %dma_start3A_186 = tpu.memref_slice %arg7[%dma_start3A_184, %dma_start3A_185] : memref<10000x128xf32, #tpu.memory_space<hbm>> -> memref<10000x128xf32, #tpu.memory_space<hbm>>
    tpu.enqueue_indirect_dma source(%dma_start3A_186 : memref<10000x128xf32, #tpu.memory_space<hbm>>) target(%arg12 : memref<128x128xf32, #tpu.memory_space<vmem>>) offsets(%dma_start3A_183 : memref<128xi32, #tpu.memory_space<vmem>>) semaphore(%arg15 : memref<!tpu.dma_semaphore, #tpu.memory_space<semaphore_mem>>)
    %jit3A_187 = arith.constant 2 : i32
    %div3A_188 = arith.divsi %select_n3A_8, %jit3A_187 : i32
    %sign3A_189 = arith.constant 0 : i32
    %sign3A_190 = arith.cmpi sgt, %select_n3A_8, %sign3A_189 : i32
    %sign3A_191 = arith.extui %sign3A_190 : i1 to i32
    %sign3A_192 = arith.constant 0 : i32
    %sign3A_193 = arith.cmpi slt, %select_n3A_8, %sign3A_192 : i32
    %sign3A_194 = arith.extui %sign3A_193 : i1 to i32
    %sign3A_195 = arith.subi %sign3A_191, %sign3A_194 : i32
    %sign3A_196 = arith.constant 0 : i32
    %sign3A_197 = arith.cmpi sgt, %jit3A_187, %sign3A_196 : i32
    %sign3A_198 = arith.extui %sign3A_197 : i1 to i32
    %sign3A_199 = arith.constant 0 : i32
    %sign3A_200 = arith.cmpi slt, %jit3A_187, %sign3A_199 : i32
    %sign3A_201 = arith.extui %sign3A_200 : i1 to i32
    %sign3A_202 = arith.subi %sign3A_198, %sign3A_201 : i32
    %ne3A_203 = arith.cmpi ne, %sign3A_195, %sign3A_202 : i32
    %rem3A_204 = arith.remsi %select_n3A_8, %jit3A_187 : i32
    %ne3A_205 = arith.constant 0 : i32
    %ne3A_206 = arith.cmpi ne, %rem3A_204, %ne3A_205 : i32
    %and3A_207 = arith.andi %ne3A_203, %ne3A_206 : i1
    %sub3A_208 = arith.constant 1 : i32
    %sub3A_209 = arith.subi %div3A_188, %sub3A_208 : i32
    %select_n3A_210 = arith.select %and3A_207, %sub3A_209, %div3A_188 : i32
    %while3A_211 = arith.constant 0 : i32
    %while3A_212 = arith.constant 0 : i32
    %while3A_213 = arith.subi %select_n3A_210, %while3A_212 : i32
    %while3A_214 = arith.addi %while3A_212, %while3A_213 : i32
    %while3A_215 = arith.constant 1 : i32
    %while3A_216 = arith.divsi %while3A_213, %while3A_215 : i32
    %while3A_217 = arith.muli %while3A_216, %while3A_215 : i32
    %while3A_218 = arith.addi %while3A_212, %while3A_217 : i32
    %while3A_219 = arith.constant 1 : i32
    scf.for %while3A_233 = %while3A_212 to %while3A_218 step %while3A_219  : i32 {
      %mul3A_234 = arith.constant 2 : i32
      %mul3A_235 = arith.muli %mul3A_234, %while3A_233 : i32
      %add3A_236 = arith.constant 1 : i32
      %add3A_237 = arith.addi %mul3A_235, %add3A_236 : i32
      %dma_start3A_238 = arith.constant 0 : i32
      %dma_start3A_239 = tpu.memref_slice %arg10[%add3A_237, %dma_start3A_238] : memref<64x128xi32, #tpu.memory_space<vmem>> -> memref<1x128xi32, #tpu.memory_space<vmem>>
      %dma_start3A_240 = tpu.memref_squeeze %dma_start3A_239 : memref<1x128xi32, #tpu.memory_space<vmem>> -> memref<128xi32, #tpu.memory_space<vmem>>
      %dma_start3A_241 = arith.constant 0 : i32
      %dma_start3A_242 = arith.constant 0 : i32
      %dma_start3A_243 = tpu.memref_slice %arg7[%dma_start3A_241, %dma_start3A_242] : memref<10000x128xf32, #tpu.memory_space<hbm>> -> memref<10000x128xf32, #tpu.memory_space<hbm>>
      tpu.enqueue_indirect_dma source(%dma_start3A_243 : memref<10000x128xf32, #tpu.memory_space<hbm>>) target(%arg13 : memref<128x128xf32, #tpu.memory_space<vmem>>) offsets(%dma_start3A_240 : memref<128xi32, #tpu.memory_space<vmem>>) semaphore(%arg16 : memref<!tpu.dma_semaphore, #tpu.memory_space<semaphore_mem>>)
      %dma_wait3A_244 = arith.constant 0 : i32
      %dma_wait3A_245 = tpu.memref_slice %arg10[%mul3A_235, %dma_wait3A_244] : memref<64x128xi32, #tpu.memory_space<vmem>> -> memref<1x128xi32, #tpu.memory_space<vmem>>
      %dma_wait3A_246 = tpu.memref_squeeze %dma_wait3A_245 : memref<1x128xi32, #tpu.memory_space<vmem>> -> memref<128xi32, #tpu.memory_space<vmem>>
      %dma_wait3A_247 = arith.constant 0 : i32
      %dma_wait3A_248 = arith.constant 0 : i32
      %dma_wait3A_249 = tpu.memref_slice %arg7[%dma_wait3A_247, %dma_wait3A_248] : memref<10000x128xf32, #tpu.memory_space<hbm>> -> memref<10000x128xf32, #tpu.memory_space<hbm>>
      tpu.wait_indirect_dma semaphore(%arg15 : memref<!tpu.dma_semaphore, #tpu.memory_space<semaphore_mem>>) src(%dma_wait3A_249 : memref<10000x128xf32, #tpu.memory_space<hbm>>) dst(%arg12 : memref<128x128xf32, #tpu.memory_space<vmem>>)
      "tpu.region"() ({
        %run_scoped3A = tpu.sem_alloc : memref<!tpu.dma_semaphore, #tpu.memory_space<semaphore_mem>>
        %dma_start3A_264 = arith.constant 0 : i32
        %dma_start3A_265 = tpu.memref_slice %arg11[%mul3A_235, %dma_start3A_264] : memref<64x128xi32, #tpu.memory_space<vmem>> -> memref<1x128xi32, #tpu.memory_space<vmem>>
        %dma_start3A_266 = tpu.memref_squeeze %dma_start3A_265 : memref<1x128xi32, #tpu.memory_space<vmem>> -> memref<128xi32, #tpu.memory_space<vmem>>
        %dma_start3A_267 = arith.constant 0 : i32
        %dma_start3A_268 = arith.constant 0 : i32
        %dma_start3A_269 = tpu.memref_slice %arg14[%dma_start3A_267, %dma_start3A_268] : memref<10240x128xf32, #tpu.memory_space<vmem_shared>> -> memref<10240x128xf32, #tpu.memory_space<vmem_shared>>
        tpu.enqueue_indirect_dma source(%arg12 : memref<128x128xf32, #tpu.memory_space<vmem>>) target(%dma_start3A_269 : memref<10240x128xf32, #tpu.memory_space<vmem_shared>>) offsets(%dma_start3A_266 : memref<128xi32, #tpu.memory_space<vmem>>) semaphore(%run_scoped3A : memref<!tpu.dma_semaphore, #tpu.memory_space<semaphore_mem>>) {add = true}
        %dma_wait3A_270 = arith.constant 0 : i32
        %dma_wait3A_271 = tpu.memref_slice %arg11[%mul3A_235, %dma_wait3A_270] : memref<64x128xi32, #tpu.memory_space<vmem>> -> memref<1x128xi32, #tpu.memory_space<vmem>>
        %dma_wait3A_272 = tpu.memref_squeeze %dma_wait3A_271 : memref<1x128xi32, #tpu.memory_space<vmem>> -> memref<128xi32, #tpu.memory_space<vmem>>
        %dma_wait3A_273 = arith.constant 0 : i32
        %dma_wait3A_274 = arith.constant 0 : i32
        %dma_wait3A_275 = tpu.memref_slice %arg14[%dma_wait3A_273, %dma_wait3A_274] : memref<10240x128xf32, #tpu.memory_space<vmem_shared>> -> memref<10240x128xf32, #tpu.memory_space<vmem_shared>>
        tpu.wait_indirect_dma semaphore(%run_scoped3A : memref<!tpu.dma_semaphore, #tpu.memory_space<semaphore_mem>>) src(%arg12 : memref<128x128xf32, #tpu.memory_space<vmem>>) dst(%dma_wait3A_275 : memref<10240x128xf32, #tpu.memory_space<vmem_shared>>)
        tpu.yield
      }) : () -> ()
      %add3A_250 = arith.constant 2 : i32
      %add3A_251 = arith.addi %mul3A_235, %add3A_250 : i32
      %min3A = arith.minsi %add3A_251, %sub3A_9 : i32
      %dma_start3A_252 = arith.constant 0 : i32
      %dma_start3A_253 = tpu.memref_slice %arg10[%min3A, %dma_start3A_252] : memref<64x128xi32, #tpu.memory_space<vmem>> -> memref<1x128xi32, #tpu.memory_space<vmem>>
      %dma_start3A_254 = tpu.memref_squeeze %dma_start3A_253 : memref<1x128xi32, #tpu.memory_space<vmem>> -> memref<128xi32, #tpu.memory_space<vmem>>
      %dma_start3A_255 = arith.constant 0 : i32
      %dma_start3A_256 = arith.constant 0 : i32
      %dma_start3A_257 = tpu.memref_slice %arg7[%dma_start3A_255, %dma_start3A_256] : memref<10000x128xf32, #tpu.memory_space<hbm>> -> memref<10000x128xf32, #tpu.memory_space<hbm>>
      tpu.enqueue_indirect_dma source(%dma_start3A_257 : memref<10000x128xf32, #tpu.memory_space<hbm>>) target(%arg12 : memref<128x128xf32, #tpu.memory_space<vmem>>) offsets(%dma_start3A_254 : memref<128xi32, #tpu.memory_space<vmem>>) semaphore(%arg15 : memref<!tpu.dma_semaphore, #tpu.memory_space<semaphore_mem>>)
      %dma_wait3A_258 = arith.constant 0 : i32
      %dma_wait3A_259 = tpu.memref_slice %arg10[%add3A_237, %dma_wait3A_258] : memref<64x128xi32, #tpu.memory_space<vmem>> -> memref<1x128xi32, #tpu.memory_space<vmem>>
      %dma_wait3A_260 = tpu.memref_squeeze %dma_wait3A_259 : memref<1x128xi32, #tpu.memory_space<vmem>> -> memref<128xi32, #tpu.memory_space<vmem>>
      %dma_wait3A_261 = arith.constant 0 : i32
      %dma_wait3A_262 = arith.constant 0 : i32
      %dma_wait3A_263 = tpu.memref_slice %arg7[%dma_wait3A_261, %dma_wait3A_262] : memref<10000x128xf32, #tpu.memory_space<hbm>> -> memref<10000x128xf32, #tpu.memory_space<hbm>>
      tpu.wait_indirect_dma semaphore(%arg16 : memref<!tpu.dma_semaphore, #tpu.memory_space<semaphore_mem>>) src(%dma_wait3A_263 : memref<10000x128xf32, #tpu.memory_space<hbm>>) dst(%arg13 : memref<128x128xf32, #tpu.memory_space<vmem>>)
      "tpu.region"() ({
        %run_scoped3A = tpu.sem_alloc : memref<!tpu.dma_semaphore, #tpu.memory_space<semaphore_mem>>
        %dma_start3A_264 = arith.constant 0 : i32
        %dma_start3A_265 = tpu.memref_slice %arg11[%add3A_237, %dma_start3A_264] : memref<64x128xi32, #tpu.memory_space<vmem>> -> memref<1x128xi32, #tpu.memory_space<vmem>>
        %dma_start3A_266 = tpu.memref_squeeze %dma_start3A_265 : memref<1x128xi32, #tpu.memory_space<vmem>> -> memref<128xi32, #tpu.memory_space<vmem>>
        %dma_start3A_267 = arith.constant 0 : i32
        %dma_start3A_268 = arith.constant 0 : i32
        %dma_start3A_269 = tpu.memref_slice %arg14[%dma_start3A_267, %dma_start3A_268] : memref<10240x128xf32, #tpu.memory_space<vmem_shared>> -> memref<10240x128xf32, #tpu.memory_space<vmem_shared>>
        tpu.enqueue_indirect_dma source(%arg13 : memref<128x128xf32, #tpu.memory_space<vmem>>) target(%dma_start3A_269 : memref<10240x128xf32, #tpu.memory_space<vmem_shared>>) offsets(%dma_start3A_266 : memref<128xi32, #tpu.memory_space<vmem>>) semaphore(%run_scoped3A : memref<!tpu.dma_semaphore, #tpu.memory_space<semaphore_mem>>) {add = true}
        %dma_wait3A_270 = arith.constant 0 : i32
        %dma_wait3A_271 = tpu.memref_slice %arg11[%add3A_237, %dma_wait3A_270] : memref<64x128xi32, #tpu.memory_space<vmem>> -> memref<1x128xi32, #tpu.memory_space<vmem>>
        %dma_wait3A_272 = tpu.memref_squeeze %dma_wait3A_271 : memref<1x128xi32, #tpu.memory_space<vmem>> -> memref<128xi32, #tpu.memory_space<vmem>>
        %dma_wait3A_273 = arith.constant 0 : i32
        %dma_wait3A_274 = arith.constant 0 : i32
        %dma_wait3A_275 = tpu.memref_slice %arg14[%dma_wait3A_273, %dma_wait3A_274] : memref<10240x128xf32, #tpu.memory_space<vmem_shared>> -> memref<10240x128xf32, #tpu.memory_space<vmem_shared>>
        tpu.wait_indirect_dma semaphore(%run_scoped3A : memref<!tpu.dma_semaphore, #tpu.memory_space<semaphore_mem>>) src(%arg13 : memref<128x128xf32, #tpu.memory_space<vmem>>) dst(%dma_wait3A_275 : memref<10240x128xf32, #tpu.memory_space<vmem_shared>>)
        tpu.yield
      }) : () -> ()
    }
    %while3A_220 = arith.constant 1 : i32
    scf.for %while3A_233 = %while3A_218 to %while3A_214 step %while3A_220  : i32 {
      %mul3A_234 = arith.constant 2 : i32
      %mul3A_235 = arith.muli %mul3A_234, %while3A_233 : i32
      %add3A_236 = arith.constant 1 : i32
      %add3A_237 = arith.addi %mul3A_235, %add3A_236 : i32
      %dma_start3A_238 = arith.constant 0 : i32
      %dma_start3A_239 = tpu.memref_slice %arg10[%add3A_237, %dma_start3A_238] : memref<64x128xi32, #tpu.memory_space<vmem>> -> memref<1x128xi32, #tpu.memory_space<vmem>>
      %dma_start3A_240 = tpu.memref_squeeze %dma_start3A_239 : memref<1x128xi32, #tpu.memory_space<vmem>> -> memref<128xi32, #tpu.memory_space<vmem>>
      %dma_start3A_241 = arith.constant 0 : i32
      %dma_start3A_242 = arith.constant 0 : i32
      %dma_start3A_243 = tpu.memref_slice %arg7[%dma_start3A_241, %dma_start3A_242] : memref<10000x128xf32, #tpu.memory_space<hbm>> -> memref<10000x128xf32, #tpu.memory_space<hbm>>
      tpu.enqueue_indirect_dma source(%dma_start3A_243 : memref<10000x128xf32, #tpu.memory_space<hbm>>) target(%arg13 : memref<128x128xf32, #tpu.memory_space<vmem>>) offsets(%dma_start3A_240 : memref<128xi32, #tpu.memory_space<vmem>>) semaphore(%arg16 : memref<!tpu.dma_semaphore, #tpu.memory_space<semaphore_mem>>)
      %dma_wait3A_244 = arith.constant 0 : i32
      %dma_wait3A_245 = tpu.memref_slice %arg10[%mul3A_235, %dma_wait3A_244] : memref<64x128xi32, #tpu.memory_space<vmem>> -> memref<1x128xi32, #tpu.memory_space<vmem>>
      %dma_wait3A_246 = tpu.memref_squeeze %dma_wait3A_245 : memref<1x128xi32, #tpu.memory_space<vmem>> -> memref<128xi32, #tpu.memory_space<vmem>>
      %dma_wait3A_247 = arith.constant 0 : i32
      %dma_wait3A_248 = arith.constant 0 : i32
      %dma_wait3A_249 = tpu.memref_slice %arg7[%dma_wait3A_247, %dma_wait3A_248] : memref<10000x128xf32, #tpu.memory_space<hbm>> -> memref<10000x128xf32, #tpu.memory_space<hbm>>
      tpu.wait_indirect_dma semaphore(%arg15 : memref<!tpu.dma_semaphore, #tpu.memory_space<semaphore_mem>>) src(%dma_wait3A_249 : memref<10000x128xf32, #tpu.memory_space<hbm>>) dst(%arg12 : memref<128x128xf32, #tpu.memory_space<vmem>>)
      "tpu.region"() ({
        %run_scoped3A = tpu.sem_alloc : memref<!tpu.dma_semaphore, #tpu.memory_space<semaphore_mem>>
        %dma_start3A_264 = arith.constant 0 : i32
        %dma_start3A_265 = tpu.memref_slice %arg11[%mul3A_235, %dma_start3A_264] : memref<64x128xi32, #tpu.memory_space<vmem>> -> memref<1x128xi32, #tpu.memory_space<vmem>>
        %dma_start3A_266 = tpu.memref_squeeze %dma_start3A_265 : memref<1x128xi32, #tpu.memory_space<vmem>> -> memref<128xi32, #tpu.memory_space<vmem>>
        %dma_start3A_267 = arith.constant 0 : i32
        %dma_start3A_268 = arith.constant 0 : i32
        %dma_start3A_269 = tpu.memref_slice %arg14[%dma_start3A_267, %dma_start3A_268] : memref<10240x128xf32, #tpu.memory_space<vmem_shared>> -> memref<10240x128xf32, #tpu.memory_space<vmem_shared>>
        tpu.enqueue_indirect_dma source(%arg12 : memref<128x128xf32, #tpu.memory_space<vmem>>) target(%dma_start3A_269 : memref<10240x128xf32, #tpu.memory_space<vmem_shared>>) offsets(%dma_start3A_266 : memref<128xi32, #tpu.memory_space<vmem>>) semaphore(%run_scoped3A : memref<!tpu.dma_semaphore, #tpu.memory_space<semaphore_mem>>) {add = true}
        %dma_wait3A_270 = arith.constant 0 : i32
        %dma_wait3A_271 = tpu.memref_slice %arg11[%mul3A_235, %dma_wait3A_270] : memref<64x128xi32, #tpu.memory_space<vmem>> -> memref<1x128xi32, #tpu.memory_space<vmem>>
        %dma_wait3A_272 = tpu.memref_squeeze %dma_wait3A_271 : memref<1x128xi32, #tpu.memory_space<vmem>> -> memref<128xi32, #tpu.memory_space<vmem>>
        %dma_wait3A_273 = arith.constant 0 : i32
        %dma_wait3A_274 = arith.constant 0 : i32
        %dma_wait3A_275 = tpu.memref_slice %arg14[%dma_wait3A_273, %dma_wait3A_274] : memref<10240x128xf32, #tpu.memory_space<vmem_shared>> -> memref<10240x128xf32, #tpu.memory_space<vmem_shared>>
        tpu.wait_indirect_dma semaphore(%run_scoped3A : memref<!tpu.dma_semaphore, #tpu.memory_space<semaphore_mem>>) src(%arg12 : memref<128x128xf32, #tpu.memory_space<vmem>>) dst(%dma_wait3A_275 : memref<10240x128xf32, #tpu.memory_space<vmem_shared>>)
        tpu.yield
      }) : () -> ()
      %add3A_250 = arith.constant 2 : i32
      %add3A_251 = arith.addi %mul3A_235, %add3A_250 : i32
      %min3A = arith.minsi %add3A_251, %sub3A_9 : i32
      %dma_start3A_252 = arith.constant 0 : i32
      %dma_start3A_253 = tpu.memref_slice %arg10[%min3A, %dma_start3A_252] : memref<64x128xi32, #tpu.memory_space<vmem>> -> memref<1x128xi32, #tpu.memory_space<vmem>>
      %dma_start3A_254 = tpu.memref_squeeze %dma_start3A_253 : memref<1x128xi32, #tpu.memory_space<vmem>> -> memref<128xi32, #tpu.memory_space<vmem>>
      %dma_start3A_255 = arith.constant 0 : i32
      %dma_start3A_256 = arith.constant 0 : i32
      %dma_start3A_257 = tpu.memref_slice %arg7[%dma_start3A_255, %dma_start3A_256] : memref<10000x128xf32, #tpu.memory_space<hbm>> -> memref<10000x128xf32, #tpu.memory_space<hbm>>
      tpu.enqueue_indirect_dma source(%dma_start3A_257 : memref<10000x128xf32, #tpu.memory_space<hbm>>) target(%arg12 : memref<128x128xf32, #tpu.memory_space<vmem>>) offsets(%dma_start3A_254 : memref<128xi32, #tpu.memory_space<vmem>>) semaphore(%arg15 : memref<!tpu.dma_semaphore, #tpu.memory_space<semaphore_mem>>)
      %dma_wait3A_258 = arith.constant 0 : i32
      %dma_wait3A_259 = tpu.memref_slice %arg10[%add3A_237, %dma_wait3A_258] : memref<64x128xi32, #tpu.memory_space<vmem>> -> memref<1x128xi32, #tpu.memory_space<vmem>>
      %dma_wait3A_260 = tpu.memref_squeeze %dma_wait3A_259 : memref<1x128xi32, #tpu.memory_space<vmem>> -> memref<128xi32, #tpu.memory_space<vmem>>
      %dma_wait3A_261 = arith.constant 0 : i32
      %dma_wait3A_262 = arith.constant 0 : i32
      %dma_wait3A_263 = tpu.memref_slice %arg7[%dma_wait3A_261, %dma_wait3A_262] : memref<10000x128xf32, #tpu.memory_space<hbm>> -> memref<10000x128xf32, #tpu.memory_space<hbm>>
      tpu.wait_indirect_dma semaphore(%arg16 : memref<!tpu.dma_semaphore, #tpu.memory_space<semaphore_mem>>) src(%dma_wait3A_263 : memref<10000x128xf32, #tpu.memory_space<hbm>>) dst(%arg13 : memref<128x128xf32, #tpu.memory_space<vmem>>)
      "tpu.region"() ({
        %run_scoped3A = tpu.sem_alloc : memref<!tpu.dma_semaphore, #tpu.memory_space<semaphore_mem>>
        %dma_start3A_264 = arith.constant 0 : i32
        %dma_start3A_265 = tpu.memref_slice %arg11[%add3A_237, %dma_start3A_264] : memref<64x128xi32, #tpu.memory_space<vmem>> -> memref<1x128xi32, #tpu.memory_space<vmem>>
        %dma_start3A_266 = tpu.memref_squeeze %dma_start3A_265 : memref<1x128xi32, #tpu.memory_space<vmem>> -> memref<128xi32, #tpu.memory_space<vmem>>
        %dma_start3A_267 = arith.constant 0 : i32
        %dma_start3A_268 = arith.constant 0 : i32
        %dma_start3A_269 = tpu.memref_slice %arg14[%dma_start3A_267, %dma_start3A_268] : memref<10240x128xf32, #tpu.memory_space<vmem_shared>> -> memref<10240x128xf32, #tpu.memory_space<vmem_shared>>
        tpu.enqueue_indirect_dma source(%arg13 : memref<128x128xf32, #tpu.memory_space<vmem>>) target(%dma_start3A_269 : memref<10240x128xf32, #tpu.memory_space<vmem_shared>>) offsets(%dma_start3A_266 : memref<128xi32, #tpu.memory_space<vmem>>) semaphore(%run_scoped3A : memref<!tpu.dma_semaphore, #tpu.memory_space<semaphore_mem>>) {add = true}
        %dma_wait3A_270 = arith.constant 0 : i32
        %dma_wait3A_271 = tpu.memref_slice %arg11[%add3A_237, %dma_wait3A_270] : memref<64x128xi32, #tpu.memory_space<vmem>> -> memref<1x128xi32, #tpu.memory_space<vmem>>
        %dma_wait3A_272 = tpu.memref_squeeze %dma_wait3A_271 : memref<1x128xi32, #tpu.memory_space<vmem>> -> memref<128xi32, #tpu.memory_space<vmem>>
        %dma_wait3A_273 = arith.constant 0 : i32
        %dma_wait3A_274 = arith.constant 0 : i32
        %dma_wait3A_275 = tpu.memref_slice %arg14[%dma_wait3A_273, %dma_wait3A_274] : memref<10240x128xf32, #tpu.memory_space<vmem_shared>> -> memref<10240x128xf32, #tpu.memory_space<vmem_shared>>
        tpu.wait_indirect_dma semaphore(%run_scoped3A : memref<!tpu.dma_semaphore, #tpu.memory_space<semaphore_mem>>) src(%arg13 : memref<128x128xf32, #tpu.memory_space<vmem>>) dst(%dma_wait3A_275 : memref<10240x128xf32, #tpu.memory_space<vmem_shared>>)
        tpu.yield
      }) : () -> ()
    }
    %dma_wait3A_221 = arith.constant 0 : i32
    %dma_wait3A_222 = tpu.memref_slice %arg10[%sub3A_9, %dma_wait3A_221] : memref<64x128xi32, #tpu.memory_space<vmem>> -> memref<1x128xi32, #tpu.memory_space<vmem>>
    %dma_wait3A_223 = tpu.memref_squeeze %dma_wait3A_222 : memref<1x128xi32, #tpu.memory_space<vmem>> -> memref<128xi32, #tpu.memory_space<vmem>>
    %dma_wait3A_224 = arith.constant 0 : i32
    %dma_wait3A_225 = arith.constant 0 : i32
    %dma_wait3A_226 = tpu.memref_slice %arg7[%dma_wait3A_224, %dma_wait3A_225] : memref<10000x128xf32, #tpu.memory_space<hbm>> -> memref<10000x128xf32, #tpu.memory_space<hbm>>
    tpu.wait_indirect_dma semaphore(%arg15 : memref<!tpu.dma_semaphore, #tpu.memory_space<semaphore_mem>>) src(%dma_wait3A_226 : memref<10000x128xf32, #tpu.memory_space<hbm>>) dst(%arg12 : memref<128x128xf32, #tpu.memory_space<vmem>>)
    %barrier3A_227 = arith.constant 0 : index
    tpu.barrier barrier_id(%barrier3A_227)
    %mul3A_228 = arith.constant 640 : i32
    %mul3A_229 = arith.muli %arg1, %mul3A_228 : i32
    %mul3A_230 = arith.constant 640 : i32
    %mul3A_231 = arith.muli %arg1, %mul3A_230 : i32
    "tpu.region"() ({
      %run_scoped3A = tpu.sem_alloc : memref<!tpu.dma_semaphore, #tpu.memory_space<semaphore_mem>>
      %dma_start3A_233 = arith.constant 384 : i32
      %dma_start3A_234 = tpu.memref_slice %arg9[%arg0, %mul3A_231, %dma_start3A_233] : memref<2x10240x512xf32, #tpu.memory_space<hbm>> -> memref<1x640x128xf32, #tpu.memory_space<hbm>>
      %dma_start3A_235 = tpu.memref_squeeze %dma_start3A_234 : memref<1x640x128xf32, #tpu.memory_space<hbm>> -> memref<640x128xf32, #tpu.memory_space<hbm>>
      %dma_start3A_236 = arith.constant 0 : i32
      %dma_start3A_237 = tpu.memref_slice %arg14[%mul3A_229, %dma_start3A_236] : memref<10240x128xf32, #tpu.memory_space<vmem_shared>> -> memref<640x128xf32, #tpu.memory_space<vmem_shared>>
      tpu.enqueue_dma source(%dma_start3A_237 : memref<640x128xf32, #tpu.memory_space<vmem_shared>>) target(%dma_start3A_235 : memref<640x128xf32, #tpu.memory_space<hbm>>) target_semaphore(%run_scoped3A : memref<!tpu.dma_semaphore, #tpu.memory_space<semaphore_mem>>)
      %dma_wait3A_238 = arith.constant 384 : i32
      %dma_wait3A_239 = tpu.memref_slice %arg9[%arg0, %mul3A_231, %dma_wait3A_238] : memref<2x10240x512xf32, #tpu.memory_space<hbm>> -> memref<1x640x128xf32, #tpu.memory_space<hbm>>
      %dma_wait3A_240 = tpu.memref_squeeze %dma_wait3A_239 : memref<1x640x128xf32, #tpu.memory_space<hbm>> -> memref<640x128xf32, #tpu.memory_space<hbm>>
      %dma_wait3A_241 = arith.constant 0 : i32
      %dma_wait3A_242 = tpu.memref_slice %arg14[%mul3A_229, %dma_wait3A_241] : memref<10240x128xf32, #tpu.memory_space<vmem_shared>> -> memref<640x128xf32, #tpu.memory_space<vmem_shared>>
      tpu.wait_dma2 semaphore(%run_scoped3A : memref<!tpu.dma_semaphore, #tpu.memory_space<semaphore_mem>>) src(%dma_wait3A_242 : memref<640x128xf32, #tpu.memory_space<vmem_shared>>) dst(%dma_wait3A_240 : memref<640x128xf32, #tpu.memory_space<hbm>>)
      tpu.yield
    }) : () -> ()
    %barrier3A_232 = arith.constant 0 : index
    tpu.barrier barrier_id(%barrier3A_232)
    return
  }
}

#map = affine_map<(d0, d1) -> (0, 0)>
module attributes {stable_mosaic.version = 14 : i64} {
  func.func @session_gather(%arg0: i32, %arg1: i32, %arg2: memref<10000x256xf32, #tpu.memory_space<hbm>>, %arg3: memref<256x128xi32, #tpu.memory_space<hbm>>, %arg4: memref<12288x256xf32, #tpu.memory_space<hbm>>, %arg5: memref<8x128xi32, #tpu.memory_space<vmem>>, %arg6: memref<128x256xf32, #tpu.memory_space<vmem>>, %arg7: memref<!tpu.dma_semaphore, #tpu.memory_space<semaphore_mem>>) attributes {dimension_semantics = [#tpu.dimension_semantics<core_parallel>, #tpu.dimension_semantics<subcore_parallel>], iteration_bounds = array<i64: 2, 16>, scalar_prefetch = 0 : i64, scratch_operands = 3 : i64, tpu.core_type = #tpu.core_type<sc_vector_subcore>, window_params = [{transform_indices = #map}, {transform_indices = #map}, {transform_indices = #map}]} {
    %mul3A = arith.constant 16 : i32
    %mul3A_0 = arith.muli %arg0, %mul3A : i32
    %add3A = arith.addi %mul3A_0, %arg1 : i32
    %eq3A = arith.constant 0 : i32
    %eq3A_1 = arith.cmpi eq, %arg0, %eq3A : i32
    %jit3A = arith.constant 1 : i32
    %jit3A_2 = arith.constant 5 : i32
    %select_n3A = arith.select %eq3A_1, %jit3A, %jit3A_2 : i32
    %eq3A_3 = arith.constant 0 : i32
    %eq3A_4 = arith.cmpi eq, %arg0, %eq3A_3 : i32
    %mul3A_5 = arith.constant 1 : i32
    %mul3A_6 = arith.muli %arg1, %mul3A_5 : i32
    %mul3A_7 = arith.constant 5 : i32
    %mul3A_8 = arith.muli %arg1, %mul3A_7 : i32
    %add3A_9 = arith.constant 16 : i32
    %add3A_10 = arith.addi %add3A_9, %mul3A_8 : i32
    %select_n3A_11 = arith.select %eq3A_4, %mul3A_6, %add3A_10 : i32
    %mul3A_12 = arith.constant 8 : i32
    %mul3A_13 = arith.muli %add3A, %mul3A_12 : i32
    "tpu.region"() ({
      %run_scoped3A = tpu.sem_alloc : memref<!tpu.dma_semaphore, #tpu.memory_space<semaphore_mem>>
      %dma_start3A = arith.constant 0 : i32
      %dma_start3A_36 = tpu.memref_slice %arg3[%mul3A_13, %dma_start3A] : memref<256x128xi32, #tpu.memory_space<hbm>> -> memref<8x128xi32, #tpu.memory_space<hbm>>
      %dma_start3A_37 = arith.constant 0 : i32
      %dma_start3A_38 = tpu.memref_slice %arg3[%mul3A_13, %dma_start3A_37] : memref<256x128xi32, #tpu.memory_space<hbm>> -> memref<8x128xi32, #tpu.memory_space<hbm>>
      tpu.enqueue_dma source(%dma_start3A_38 : memref<8x128xi32, #tpu.memory_space<hbm>>) target(%arg5 : memref<8x128xi32, #tpu.memory_space<vmem>>) target_semaphore(%run_scoped3A : memref<!tpu.dma_semaphore, #tpu.memory_space<semaphore_mem>>)
      %dma_wait3A = arith.constant 0 : i32
      %dma_wait3A_39 = tpu.memref_slice %arg3[%mul3A_13, %dma_wait3A] : memref<256x128xi32, #tpu.memory_space<hbm>> -> memref<8x128xi32, #tpu.memory_space<hbm>>
      %dma_wait3A_40 = arith.constant 0 : i32
      %dma_wait3A_41 = tpu.memref_slice %arg3[%mul3A_13, %dma_wait3A_40] : memref<256x128xi32, #tpu.memory_space<hbm>> -> memref<8x128xi32, #tpu.memory_space<hbm>>
      tpu.wait_dma2 semaphore(%run_scoped3A : memref<!tpu.dma_semaphore, #tpu.memory_space<semaphore_mem>>) src(%dma_wait3A_41 : memref<8x128xi32, #tpu.memory_space<hbm>>) dst(%arg5 : memref<8x128xi32, #tpu.memory_space<vmem>>)
      tpu.yield
    }) : () -> ()
    %gt3A = arith.constant 0 : i32
    %gt3A_14 = arith.cmpi sgt, %select_n3A, %gt3A : i32
    %convert_element_type3A = arith.extui %gt3A_14 : i1 to i32
    %cond3A = arith.constant 0 : i32
    %cond3A_15 = arith.cmpi ne, %convert_element_type3A, %cond3A : i32
    scf.if %cond3A_15 {
      %dma_start3A = arith.constant 0 : i32
      %dma_start3A_36 = arith.constant 0 : i32
      %dma_start3A_37 = tpu.memref_slice %arg5[%dma_start3A, %dma_start3A_36] : memref<8x128xi32, #tpu.memory_space<vmem>> -> memref<1x128xi32, #tpu.memory_space<vmem>>
      %dma_start3A_38 = tpu.memref_squeeze %dma_start3A_37 : memref<1x128xi32, #tpu.memory_space<vmem>> -> memref<128xi32, #tpu.memory_space<vmem>>
      %dma_start3A_39 = arith.constant 0 : i32
      %dma_start3A_40 = arith.constant 0 : i32
      %dma_start3A_41 = tpu.memref_slice %arg2[%dma_start3A_39, %dma_start3A_40] : memref<10000x256xf32, #tpu.memory_space<hbm>> -> memref<10000x256xf32, #tpu.memory_space<hbm>>
      tpu.enqueue_indirect_dma source(%dma_start3A_41 : memref<10000x256xf32, #tpu.memory_space<hbm>>) target(%arg6 : memref<128x256xf32, #tpu.memory_space<vmem>>) offsets(%dma_start3A_38 : memref<128xi32, #tpu.memory_space<vmem>>) semaphore(%arg7 : memref<!tpu.dma_semaphore, #tpu.memory_space<semaphore_mem>>)
      %dma_wait3A = arith.constant 0 : i32
      %dma_wait3A_42 = arith.constant 0 : i32
      %dma_wait3A_43 = tpu.memref_slice %arg5[%dma_wait3A, %dma_wait3A_42] : memref<8x128xi32, #tpu.memory_space<vmem>> -> memref<1x128xi32, #tpu.memory_space<vmem>>
      %dma_wait3A_44 = tpu.memref_squeeze %dma_wait3A_43 : memref<1x128xi32, #tpu.memory_space<vmem>> -> memref<128xi32, #tpu.memory_space<vmem>>
      %dma_wait3A_45 = arith.constant 0 : i32
      %dma_wait3A_46 = arith.constant 0 : i32
      %dma_wait3A_47 = tpu.memref_slice %arg2[%dma_wait3A_45, %dma_wait3A_46] : memref<10000x256xf32, #tpu.memory_space<hbm>> -> memref<10000x256xf32, #tpu.memory_space<hbm>>
      tpu.wait_indirect_dma semaphore(%arg7 : memref<!tpu.dma_semaphore, #tpu.memory_space<semaphore_mem>>) src(%dma_wait3A_47 : memref<10000x256xf32, #tpu.memory_space<hbm>>) dst(%arg6 : memref<128x256xf32, #tpu.memory_space<vmem>>)
      %add3A_48 = arith.constant 0 : i32
      %add3A_49 = arith.addi %select_n3A_11, %add3A_48 : i32
      %mul3A_50 = arith.constant 128 : i32
      %mul3A_51 = arith.muli %add3A_49, %mul3A_50 : i32
      "tpu.region"() ({
        %run_scoped3A = tpu.sem_alloc : memref<!tpu.dma_semaphore, #tpu.memory_space<semaphore_mem>>
        %dma_start3A_52 = arith.constant 0 : i32
        %dma_start3A_53 = tpu.memref_slice %arg4[%mul3A_51, %dma_start3A_52] : memref<12288x256xf32, #tpu.memory_space<hbm>> -> memref<128x256xf32, #tpu.memory_space<hbm>>
        %dma_start3A_54 = arith.constant 0 : i32
        %dma_start3A_55 = tpu.memref_slice %arg4[%mul3A_51, %dma_start3A_54] : memref<12288x256xf32, #tpu.memory_space<hbm>> -> memref<128x256xf32, #tpu.memory_space<hbm>>
        tpu.enqueue_dma source(%arg6 : memref<128x256xf32, #tpu.memory_space<vmem>>) target(%dma_start3A_55 : memref<128x256xf32, #tpu.memory_space<hbm>>) target_semaphore(%run_scoped3A : memref<!tpu.dma_semaphore, #tpu.memory_space<semaphore_mem>>)
        %dma_wait3A_56 = arith.constant 0 : i32
        %dma_wait3A_57 = tpu.memref_slice %arg4[%mul3A_51, %dma_wait3A_56] : memref<12288x256xf32, #tpu.memory_space<hbm>> -> memref<128x256xf32, #tpu.memory_space<hbm>>
        %dma_wait3A_58 = arith.constant 0 : i32
        %dma_wait3A_59 = tpu.memref_slice %arg4[%mul3A_51, %dma_wait3A_58] : memref<12288x256xf32, #tpu.memory_space<hbm>> -> memref<128x256xf32, #tpu.memory_space<hbm>>
        tpu.wait_dma2 semaphore(%run_scoped3A : memref<!tpu.dma_semaphore, #tpu.memory_space<semaphore_mem>>) src(%arg6 : memref<128x256xf32, #tpu.memory_space<vmem>>) dst(%dma_wait3A_59 : memref<128x256xf32, #tpu.memory_space<hbm>>)
        tpu.yield
      }) : () -> ()
    } else {
    }
    %gt3A_16 = arith.constant 1 : i32
    %gt3A_17 = arith.cmpi sgt, %select_n3A, %gt3A_16 : i32
    %convert_element_type3A_18 = arith.extui %gt3A_17 : i1 to i32
    %cond3A_19 = arith.constant 0 : i32
    %cond3A_20 = arith.cmpi ne, %convert_element_type3A_18, %cond3A_19 : i32
    scf.if %cond3A_20 {
      %dma_start3A = arith.constant 1 : i32
      %dma_start3A_36 = arith.constant 0 : i32
      %dma_start3A_37 = tpu.memref_slice %arg5[%dma_start3A, %dma_start3A_36] : memref<8x128xi32, #tpu.memory_space<vmem>> -> memref<1x128xi32, #tpu.memory_space<vmem>>
      %dma_start3A_38 = tpu.memref_squeeze %dma_start3A_37 : memref<1x128xi32, #tpu.memory_space<vmem>> -> memref<128xi32, #tpu.memory_space<vmem>>
      %dma_start3A_39 = arith.constant 0 : i32
      %dma_start3A_40 = arith.constant 0 : i32
      %dma_start3A_41 = tpu.memref_slice %arg2[%dma_start3A_39, %dma_start3A_40] : memref<10000x256xf32, #tpu.memory_space<hbm>> -> memref<10000x256xf32, #tpu.memory_space<hbm>>
      tpu.enqueue_indirect_dma source(%dma_start3A_41 : memref<10000x256xf32, #tpu.memory_space<hbm>>) target(%arg6 : memref<128x256xf32, #tpu.memory_space<vmem>>) offsets(%dma_start3A_38 : memref<128xi32, #tpu.memory_space<vmem>>) semaphore(%arg7 : memref<!tpu.dma_semaphore, #tpu.memory_space<semaphore_mem>>)
      %dma_wait3A = arith.constant 1 : i32
      %dma_wait3A_42 = arith.constant 0 : i32
      %dma_wait3A_43 = tpu.memref_slice %arg5[%dma_wait3A, %dma_wait3A_42] : memref<8x128xi32, #tpu.memory_space<vmem>> -> memref<1x128xi32, #tpu.memory_space<vmem>>
      %dma_wait3A_44 = tpu.memref_squeeze %dma_wait3A_43 : memref<1x128xi32, #tpu.memory_space<vmem>> -> memref<128xi32, #tpu.memory_space<vmem>>
      %dma_wait3A_45 = arith.constant 0 : i32
      %dma_wait3A_46 = arith.constant 0 : i32
      %dma_wait3A_47 = tpu.memref_slice %arg2[%dma_wait3A_45, %dma_wait3A_46] : memref<10000x256xf32, #tpu.memory_space<hbm>> -> memref<10000x256xf32, #tpu.memory_space<hbm>>
      tpu.wait_indirect_dma semaphore(%arg7 : memref<!tpu.dma_semaphore, #tpu.memory_space<semaphore_mem>>) src(%dma_wait3A_47 : memref<10000x256xf32, #tpu.memory_space<hbm>>) dst(%arg6 : memref<128x256xf32, #tpu.memory_space<vmem>>)
      %add3A_48 = arith.constant 1 : i32
      %add3A_49 = arith.addi %select_n3A_11, %add3A_48 : i32
      %mul3A_50 = arith.constant 128 : i32
      %mul3A_51 = arith.muli %add3A_49, %mul3A_50 : i32
      "tpu.region"() ({
        %run_scoped3A = tpu.sem_alloc : memref<!tpu.dma_semaphore, #tpu.memory_space<semaphore_mem>>
        %dma_start3A_52 = arith.constant 0 : i32
        %dma_start3A_53 = tpu.memref_slice %arg4[%mul3A_51, %dma_start3A_52] : memref<12288x256xf32, #tpu.memory_space<hbm>> -> memref<128x256xf32, #tpu.memory_space<hbm>>
        %dma_start3A_54 = arith.constant 0 : i32
        %dma_start3A_55 = tpu.memref_slice %arg4[%mul3A_51, %dma_start3A_54] : memref<12288x256xf32, #tpu.memory_space<hbm>> -> memref<128x256xf32, #tpu.memory_space<hbm>>
        tpu.enqueue_dma source(%arg6 : memref<128x256xf32, #tpu.memory_space<vmem>>) target(%dma_start3A_55 : memref<128x256xf32, #tpu.memory_space<hbm>>) target_semaphore(%run_scoped3A : memref<!tpu.dma_semaphore, #tpu.memory_space<semaphore_mem>>)
        %dma_wait3A_56 = arith.constant 0 : i32
        %dma_wait3A_57 = tpu.memref_slice %arg4[%mul3A_51, %dma_wait3A_56] : memref<12288x256xf32, #tpu.memory_space<hbm>> -> memref<128x256xf32, #tpu.memory_space<hbm>>
        %dma_wait3A_58 = arith.constant 0 : i32
        %dma_wait3A_59 = tpu.memref_slice %arg4[%mul3A_51, %dma_wait3A_58] : memref<12288x256xf32, #tpu.memory_space<hbm>> -> memref<128x256xf32, #tpu.memory_space<hbm>>
        tpu.wait_dma2 semaphore(%run_scoped3A : memref<!tpu.dma_semaphore, #tpu.memory_space<semaphore_mem>>) src(%arg6 : memref<128x256xf32, #tpu.memory_space<vmem>>) dst(%dma_wait3A_59 : memref<128x256xf32, #tpu.memory_space<hbm>>)
        tpu.yield
      }) : () -> ()
    } else {
    }
    %gt3A_21 = arith.constant 2 : i32
    %gt3A_22 = arith.cmpi sgt, %select_n3A, %gt3A_21 : i32
    %convert_element_type3A_23 = arith.extui %gt3A_22 : i1 to i32
    %cond3A_24 = arith.constant 0 : i32
    %cond3A_25 = arith.cmpi ne, %convert_element_type3A_23, %cond3A_24 : i32
    scf.if %cond3A_25 {
      %dma_start3A = arith.constant 2 : i32
      %dma_start3A_36 = arith.constant 0 : i32
      %dma_start3A_37 = tpu.memref_slice %arg5[%dma_start3A, %dma_start3A_36] : memref<8x128xi32, #tpu.memory_space<vmem>> -> memref<1x128xi32, #tpu.memory_space<vmem>>
      %dma_start3A_38 = tpu.memref_squeeze %dma_start3A_37 : memref<1x128xi32, #tpu.memory_space<vmem>> -> memref<128xi32, #tpu.memory_space<vmem>>
      %dma_start3A_39 = arith.constant 0 : i32
      %dma_start3A_40 = arith.constant 0 : i32
      %dma_start3A_41 = tpu.memref_slice %arg2[%dma_start3A_39, %dma_start3A_40] : memref<10000x256xf32, #tpu.memory_space<hbm>> -> memref<10000x256xf32, #tpu.memory_space<hbm>>
      tpu.enqueue_indirect_dma source(%dma_start3A_41 : memref<10000x256xf32, #tpu.memory_space<hbm>>) target(%arg6 : memref<128x256xf32, #tpu.memory_space<vmem>>) offsets(%dma_start3A_38 : memref<128xi32, #tpu.memory_space<vmem>>) semaphore(%arg7 : memref<!tpu.dma_semaphore, #tpu.memory_space<semaphore_mem>>)
      %dma_wait3A = arith.constant 2 : i32
      %dma_wait3A_42 = arith.constant 0 : i32
      %dma_wait3A_43 = tpu.memref_slice %arg5[%dma_wait3A, %dma_wait3A_42] : memref<8x128xi32, #tpu.memory_space<vmem>> -> memref<1x128xi32, #tpu.memory_space<vmem>>
      %dma_wait3A_44 = tpu.memref_squeeze %dma_wait3A_43 : memref<1x128xi32, #tpu.memory_space<vmem>> -> memref<128xi32, #tpu.memory_space<vmem>>
      %dma_wait3A_45 = arith.constant 0 : i32
      %dma_wait3A_46 = arith.constant 0 : i32
      %dma_wait3A_47 = tpu.memref_slice %arg2[%dma_wait3A_45, %dma_wait3A_46] : memref<10000x256xf32, #tpu.memory_space<hbm>> -> memref<10000x256xf32, #tpu.memory_space<hbm>>
      tpu.wait_indirect_dma semaphore(%arg7 : memref<!tpu.dma_semaphore, #tpu.memory_space<semaphore_mem>>) src(%dma_wait3A_47 : memref<10000x256xf32, #tpu.memory_space<hbm>>) dst(%arg6 : memref<128x256xf32, #tpu.memory_space<vmem>>)
      %add3A_48 = arith.constant 2 : i32
      %add3A_49 = arith.addi %select_n3A_11, %add3A_48 : i32
      %mul3A_50 = arith.constant 128 : i32
      %mul3A_51 = arith.muli %add3A_49, %mul3A_50 : i32
      "tpu.region"() ({
        %run_scoped3A = tpu.sem_alloc : memref<!tpu.dma_semaphore, #tpu.memory_space<semaphore_mem>>
        %dma_start3A_52 = arith.constant 0 : i32
        %dma_start3A_53 = tpu.memref_slice %arg4[%mul3A_51, %dma_start3A_52] : memref<12288x256xf32, #tpu.memory_space<hbm>> -> memref<128x256xf32, #tpu.memory_space<hbm>>
        %dma_start3A_54 = arith.constant 0 : i32
        %dma_start3A_55 = tpu.memref_slice %arg4[%mul3A_51, %dma_start3A_54] : memref<12288x256xf32, #tpu.memory_space<hbm>> -> memref<128x256xf32, #tpu.memory_space<hbm>>
        tpu.enqueue_dma source(%arg6 : memref<128x256xf32, #tpu.memory_space<vmem>>) target(%dma_start3A_55 : memref<128x256xf32, #tpu.memory_space<hbm>>) target_semaphore(%run_scoped3A : memref<!tpu.dma_semaphore, #tpu.memory_space<semaphore_mem>>)
        %dma_wait3A_56 = arith.constant 0 : i32
        %dma_wait3A_57 = tpu.memref_slice %arg4[%mul3A_51, %dma_wait3A_56] : memref<12288x256xf32, #tpu.memory_space<hbm>> -> memref<128x256xf32, #tpu.memory_space<hbm>>
        %dma_wait3A_58 = arith.constant 0 : i32
        %dma_wait3A_59 = tpu.memref_slice %arg4[%mul3A_51, %dma_wait3A_58] : memref<12288x256xf32, #tpu.memory_space<hbm>> -> memref<128x256xf32, #tpu.memory_space<hbm>>
        tpu.wait_dma2 semaphore(%run_scoped3A : memref<!tpu.dma_semaphore, #tpu.memory_space<semaphore_mem>>) src(%arg6 : memref<128x256xf32, #tpu.memory_space<vmem>>) dst(%dma_wait3A_59 : memref<128x256xf32, #tpu.memory_space<hbm>>)
        tpu.yield
      }) : () -> ()
    } else {
    }
    %gt3A_26 = arith.constant 3 : i32
    %gt3A_27 = arith.cmpi sgt, %select_n3A, %gt3A_26 : i32
    %convert_element_type3A_28 = arith.extui %gt3A_27 : i1 to i32
    %cond3A_29 = arith.constant 0 : i32
    %cond3A_30 = arith.cmpi ne, %convert_element_type3A_28, %cond3A_29 : i32
    scf.if %cond3A_30 {
      %dma_start3A = arith.constant 3 : i32
      %dma_start3A_36 = arith.constant 0 : i32
      %dma_start3A_37 = tpu.memref_slice %arg5[%dma_start3A, %dma_start3A_36] : memref<8x128xi32, #tpu.memory_space<vmem>> -> memref<1x128xi32, #tpu.memory_space<vmem>>
      %dma_start3A_38 = tpu.memref_squeeze %dma_start3A_37 : memref<1x128xi32, #tpu.memory_space<vmem>> -> memref<128xi32, #tpu.memory_space<vmem>>
      %dma_start3A_39 = arith.constant 0 : i32
      %dma_start3A_40 = arith.constant 0 : i32
      %dma_start3A_41 = tpu.memref_slice %arg2[%dma_start3A_39, %dma_start3A_40] : memref<10000x256xf32, #tpu.memory_space<hbm>> -> memref<10000x256xf32, #tpu.memory_space<hbm>>
      tpu.enqueue_indirect_dma source(%dma_start3A_41 : memref<10000x256xf32, #tpu.memory_space<hbm>>) target(%arg6 : memref<128x256xf32, #tpu.memory_space<vmem>>) offsets(%dma_start3A_38 : memref<128xi32, #tpu.memory_space<vmem>>) semaphore(%arg7 : memref<!tpu.dma_semaphore, #tpu.memory_space<semaphore_mem>>)
      %dma_wait3A = arith.constant 3 : i32
      %dma_wait3A_42 = arith.constant 0 : i32
      %dma_wait3A_43 = tpu.memref_slice %arg5[%dma_wait3A, %dma_wait3A_42] : memref<8x128xi32, #tpu.memory_space<vmem>> -> memref<1x128xi32, #tpu.memory_space<vmem>>
      %dma_wait3A_44 = tpu.memref_squeeze %dma_wait3A_43 : memref<1x128xi32, #tpu.memory_space<vmem>> -> memref<128xi32, #tpu.memory_space<vmem>>
      %dma_wait3A_45 = arith.constant 0 : i32
      %dma_wait3A_46 = arith.constant 0 : i32
      %dma_wait3A_47 = tpu.memref_slice %arg2[%dma_wait3A_45, %dma_wait3A_46] : memref<10000x256xf32, #tpu.memory_space<hbm>> -> memref<10000x256xf32, #tpu.memory_space<hbm>>
      tpu.wait_indirect_dma semaphore(%arg7 : memref<!tpu.dma_semaphore, #tpu.memory_space<semaphore_mem>>) src(%dma_wait3A_47 : memref<10000x256xf32, #tpu.memory_space<hbm>>) dst(%arg6 : memref<128x256xf32, #tpu.memory_space<vmem>>)
      %add3A_48 = arith.constant 3 : i32
      %add3A_49 = arith.addi %select_n3A_11, %add3A_48 : i32
      %mul3A_50 = arith.constant 128 : i32
      %mul3A_51 = arith.muli %add3A_49, %mul3A_50 : i32
      "tpu.region"() ({
        %run_scoped3A = tpu.sem_alloc : memref<!tpu.dma_semaphore, #tpu.memory_space<semaphore_mem>>
        %dma_start3A_52 = arith.constant 0 : i32
        %dma_start3A_53 = tpu.memref_slice %arg4[%mul3A_51, %dma_start3A_52] : memref<12288x256xf32, #tpu.memory_space<hbm>> -> memref<128x256xf32, #tpu.memory_space<hbm>>
        %dma_start3A_54 = arith.constant 0 : i32
        %dma_start3A_55 = tpu.memref_slice %arg4[%mul3A_51, %dma_start3A_54] : memref<12288x256xf32, #tpu.memory_space<hbm>> -> memref<128x256xf32, #tpu.memory_space<hbm>>
        tpu.enqueue_dma source(%arg6 : memref<128x256xf32, #tpu.memory_space<vmem>>) target(%dma_start3A_55 : memref<128x256xf32, #tpu.memory_space<hbm>>) target_semaphore(%run_scoped3A : memref<!tpu.dma_semaphore, #tpu.memory_space<semaphore_mem>>)
        %dma_wait3A_56 = arith.constant 0 : i32
        %dma_wait3A_57 = tpu.memref_slice %arg4[%mul3A_51, %dma_wait3A_56] : memref<12288x256xf32, #tpu.memory_space<hbm>> -> memref<128x256xf32, #tpu.memory_space<hbm>>
        %dma_wait3A_58 = arith.constant 0 : i32
        %dma_wait3A_59 = tpu.memref_slice %arg4[%mul3A_51, %dma_wait3A_58] : memref<12288x256xf32, #tpu.memory_space<hbm>> -> memref<128x256xf32, #tpu.memory_space<hbm>>
        tpu.wait_dma2 semaphore(%run_scoped3A : memref<!tpu.dma_semaphore, #tpu.memory_space<semaphore_mem>>) src(%arg6 : memref<128x256xf32, #tpu.memory_space<vmem>>) dst(%dma_wait3A_59 : memref<128x256xf32, #tpu.memory_space<hbm>>)
        tpu.yield
      }) : () -> ()
    } else {
    }
    %gt3A_31 = arith.constant 4 : i32
    %gt3A_32 = arith.cmpi sgt, %select_n3A, %gt3A_31 : i32
    %convert_element_type3A_33 = arith.extui %gt3A_32 : i1 to i32
    %cond3A_34 = arith.constant 0 : i32
    %cond3A_35 = arith.cmpi ne, %convert_element_type3A_33, %cond3A_34 : i32
    scf.if %cond3A_35 {
      %dma_start3A = arith.constant 4 : i32
      %dma_start3A_36 = arith.constant 0 : i32
      %dma_start3A_37 = tpu.memref_slice %arg5[%dma_start3A, %dma_start3A_36] : memref<8x128xi32, #tpu.memory_space<vmem>> -> memref<1x128xi32, #tpu.memory_space<vmem>>
      %dma_start3A_38 = tpu.memref_squeeze %dma_start3A_37 : memref<1x128xi32, #tpu.memory_space<vmem>> -> memref<128xi32, #tpu.memory_space<vmem>>
      %dma_start3A_39 = arith.constant 0 : i32
      %dma_start3A_40 = arith.constant 0 : i32
      %dma_start3A_41 = tpu.memref_slice %arg2[%dma_start3A_39, %dma_start3A_40] : memref<10000x256xf32, #tpu.memory_space<hbm>> -> memref<10000x256xf32, #tpu.memory_space<hbm>>
      tpu.enqueue_indirect_dma source(%dma_start3A_41 : memref<10000x256xf32, #tpu.memory_space<hbm>>) target(%arg6 : memref<128x256xf32, #tpu.memory_space<vmem>>) offsets(%dma_start3A_38 : memref<128xi32, #tpu.memory_space<vmem>>) semaphore(%arg7 : memref<!tpu.dma_semaphore, #tpu.memory_space<semaphore_mem>>)
      %dma_wait3A = arith.constant 4 : i32
      %dma_wait3A_42 = arith.constant 0 : i32
      %dma_wait3A_43 = tpu.memref_slice %arg5[%dma_wait3A, %dma_wait3A_42] : memref<8x128xi32, #tpu.memory_space<vmem>> -> memref<1x128xi32, #tpu.memory_space<vmem>>
      %dma_wait3A_44 = tpu.memref_squeeze %dma_wait3A_43 : memref<1x128xi32, #tpu.memory_space<vmem>> -> memref<128xi32, #tpu.memory_space<vmem>>
      %dma_wait3A_45 = arith.constant 0 : i32
      %dma_wait3A_46 = arith.constant 0 : i32
      %dma_wait3A_47 = tpu.memref_slice %arg2[%dma_wait3A_45, %dma_wait3A_46] : memref<10000x256xf32, #tpu.memory_space<hbm>> -> memref<10000x256xf32, #tpu.memory_space<hbm>>
      tpu.wait_indirect_dma semaphore(%arg7 : memref<!tpu.dma_semaphore, #tpu.memory_space<semaphore_mem>>) src(%dma_wait3A_47 : memref<10000x256xf32, #tpu.memory_space<hbm>>) dst(%arg6 : memref<128x256xf32, #tpu.memory_space<vmem>>)
      %add3A_48 = arith.constant 4 : i32
      %add3A_49 = arith.addi %select_n3A_11, %add3A_48 : i32
      %mul3A_50 = arith.constant 128 : i32
      %mul3A_51 = arith.muli %add3A_49, %mul3A_50 : i32
      "tpu.region"() ({
        %run_scoped3A = tpu.sem_alloc : memref<!tpu.dma_semaphore, #tpu.memory_space<semaphore_mem>>
        %dma_start3A_52 = arith.constant 0 : i32
        %dma_start3A_53 = tpu.memref_slice %arg4[%mul3A_51, %dma_start3A_52] : memref<12288x256xf32, #tpu.memory_space<hbm>> -> memref<128x256xf32, #tpu.memory_space<hbm>>
        %dma_start3A_54 = arith.constant 0 : i32
        %dma_start3A_55 = tpu.memref_slice %arg4[%mul3A_51, %dma_start3A_54] : memref<12288x256xf32, #tpu.memory_space<hbm>> -> memref<128x256xf32, #tpu.memory_space<hbm>>
        tpu.enqueue_dma source(%arg6 : memref<128x256xf32, #tpu.memory_space<vmem>>) target(%dma_start3A_55 : memref<128x256xf32, #tpu.memory_space<hbm>>) target_semaphore(%run_scoped3A : memref<!tpu.dma_semaphore, #tpu.memory_space<semaphore_mem>>)
        %dma_wait3A_56 = arith.constant 0 : i32
        %dma_wait3A_57 = tpu.memref_slice %arg4[%mul3A_51, %dma_wait3A_56] : memref<12288x256xf32, #tpu.memory_space<hbm>> -> memref<128x256xf32, #tpu.memory_space<hbm>>
        %dma_wait3A_58 = arith.constant 0 : i32
        %dma_wait3A_59 = tpu.memref_slice %arg4[%mul3A_51, %dma_wait3A_58] : memref<12288x256xf32, #tpu.memory_space<hbm>> -> memref<128x256xf32, #tpu.memory_space<hbm>>
        tpu.wait_dma2 semaphore(%run_scoped3A : memref<!tpu.dma_semaphore, #tpu.memory_space<semaphore_mem>>) src(%arg6 : memref<128x256xf32, #tpu.memory_space<vmem>>) dst(%dma_wait3A_59 : memref<128x256xf32, #tpu.memory_space<hbm>>)
        tpu.yield
      }) : () -> ()
    } else {
    }
    return
  }
}

#map = affine_map<(d0, d1) -> (0, 0)>
#map1 = affine_map<(d0, d1) -> (0, 0, 0)>
module attributes {stable_mosaic.version = 14 : i64} {
  func.func @deg_k(%arg0: i32, %arg1: i32, %arg2: memref<1280x128xi32, #tpu.memory_space<hbm>>, %arg3: memref<128x128xf32, #tpu.memory_space<hbm>>, %arg4: memref<10240x128xf32, #tpu.memory_space<hbm>>, %arg5: memref<2x10240x128xf32, #tpu.memory_space<hbm>>, %arg6: memref<40x128xi32, #tpu.memory_space<vmem>>, %arg7: memref<128x128xf32, #tpu.memory_space<vmem>>, %arg8: memref<10240x128xf32, #tpu.memory_space<vmem_shared>>, %arg9: memref<!tpu.dma_semaphore, #tpu.memory_space<semaphore_mem>>) attributes {dimension_semantics = [#tpu.dimension_semantics<core_parallel>, #tpu.dimension_semantics<subcore_parallel>], iteration_bounds = array<i64: 2, 16>, scalar_prefetch = 0 : i64, scratch_operands = 4 : i64, tpu.core_type = #tpu.core_type<sc_vector_subcore>, window_params = [{transform_indices = #map}, {transform_indices = #map}, {transform_indices = #map}, {transform_indices = #map1}]} {
    %mul3A = arith.constant 16 : i32
    %mul3A_0 = arith.muli %arg0, %mul3A : i32
    %add3A = arith.addi %mul3A_0, %arg1 : i32
    %mul3A_1 = arith.constant 640 : i32
    %mul3A_2 = arith.muli %arg1, %mul3A_1 : i32
    %mul3A_3 = arith.constant 640 : i32
    %mul3A_4 = arith.muli %arg1, %mul3A_3 : i32
    "tpu.region"() ({
      %run_scoped3A = tpu.sem_alloc : memref<!tpu.dma_semaphore, #tpu.memory_space<semaphore_mem>>
      %dma_start3A = arith.constant 0 : i32
      %dma_start3A_17 = tpu.memref_slice %arg8[%mul3A_4, %dma_start3A] : memref<10240x128xf32, #tpu.memory_space<vmem_shared>> -> memref<640x128xf32, #tpu.memory_space<vmem_shared>>
      %dma_start3A_18 = arith.constant 0 : i32
      %dma_start3A_19 = tpu.memref_slice %arg4[%mul3A_2, %dma_start3A_18] : memref<10240x128xf32, #tpu.memory_space<hbm>> -> memref<640x128xf32, #tpu.memory_space<hbm>>
      tpu.enqueue_dma source(%dma_start3A_19 : memref<640x128xf32, #tpu.memory_space<hbm>>) target(%dma_start3A_17 : memref<640x128xf32, #tpu.memory_space<vmem_shared>>) target_semaphore(%run_scoped3A : memref<!tpu.dma_semaphore, #tpu.memory_space<semaphore_mem>>)
      %dma_wait3A = arith.constant 0 : i32
      %dma_wait3A_20 = tpu.memref_slice %arg8[%mul3A_4, %dma_wait3A] : memref<10240x128xf32, #tpu.memory_space<vmem_shared>> -> memref<640x128xf32, #tpu.memory_space<vmem_shared>>
      %dma_wait3A_21 = arith.constant 0 : i32
      %dma_wait3A_22 = tpu.memref_slice %arg4[%mul3A_2, %dma_wait3A_21] : memref<10240x128xf32, #tpu.memory_space<hbm>> -> memref<640x128xf32, #tpu.memory_space<hbm>>
      tpu.wait_dma2 semaphore(%run_scoped3A : memref<!tpu.dma_semaphore, #tpu.memory_space<semaphore_mem>>) src(%dma_wait3A_22 : memref<640x128xf32, #tpu.memory_space<hbm>>) dst(%dma_wait3A_20 : memref<640x128xf32, #tpu.memory_space<vmem_shared>>)
      tpu.yield
    }) : () -> ()
    "tpu.region"() ({
      %run_scoped3A = tpu.sem_alloc : memref<!tpu.dma_semaphore, #tpu.memory_space<semaphore_mem>>
      tpu.enqueue_dma source(%arg3 : memref<128x128xf32, #tpu.memory_space<hbm>>) target(%arg7 : memref<128x128xf32, #tpu.memory_space<vmem>>) target_semaphore(%run_scoped3A : memref<!tpu.dma_semaphore, #tpu.memory_space<semaphore_mem>>)
      tpu.wait_dma2 semaphore(%run_scoped3A : memref<!tpu.dma_semaphore, #tpu.memory_space<semaphore_mem>>) src(%arg3 : memref<128x128xf32, #tpu.memory_space<hbm>>) dst(%arg7 : memref<128x128xf32, #tpu.memory_space<vmem>>)
      tpu.yield
    }) : () -> ()
    %mul3A_5 = arith.constant 40 : i32
    %mul3A_6 = arith.muli %add3A, %mul3A_5 : i32
    "tpu.region"() ({
      %run_scoped3A = tpu.sem_alloc : memref<!tpu.dma_semaphore, #tpu.memory_space<semaphore_mem>>
      %dma_start3A = arith.constant 0 : i32
      %dma_start3A_17 = tpu.memref_slice %arg2[%mul3A_6, %dma_start3A] : memref<1280x128xi32, #tpu.memory_space<hbm>> -> memref<40x128xi32, #tpu.memory_space<hbm>>
      %dma_start3A_18 = arith.constant 0 : i32
      %dma_start3A_19 = tpu.memref_slice %arg2[%mul3A_6, %dma_start3A_18] : memref<1280x128xi32, #tpu.memory_space<hbm>> -> memref<40x128xi32, #tpu.memory_space<hbm>>
      tpu.enqueue_dma source(%dma_start3A_19 : memref<40x128xi32, #tpu.memory_space<hbm>>) target(%arg6 : memref<40x128xi32, #tpu.memory_space<vmem>>) target_semaphore(%run_scoped3A : memref<!tpu.dma_semaphore, #tpu.memory_space<semaphore_mem>>)
      %dma_wait3A = arith.constant 0 : i32
      %dma_wait3A_20 = tpu.memref_slice %arg2[%mul3A_6, %dma_wait3A] : memref<1280x128xi32, #tpu.memory_space<hbm>> -> memref<40x128xi32, #tpu.memory_space<hbm>>
      %dma_wait3A_21 = arith.constant 0 : i32
      %dma_wait3A_22 = tpu.memref_slice %arg2[%mul3A_6, %dma_wait3A_21] : memref<1280x128xi32, #tpu.memory_space<hbm>> -> memref<40x128xi32, #tpu.memory_space<hbm>>
      tpu.wait_dma2 semaphore(%run_scoped3A : memref<!tpu.dma_semaphore, #tpu.memory_space<semaphore_mem>>) src(%dma_wait3A_22 : memref<40x128xi32, #tpu.memory_space<hbm>>) dst(%arg6 : memref<40x128xi32, #tpu.memory_space<vmem>>)
      tpu.yield
    }) : () -> ()
    %barrier3A = arith.constant 0 : index
    tpu.barrier barrier_id(%barrier3A)
    %scan3A = arith.constant 0 : i32
    %scan3A_7 = arith.constant 0 : i32
    %scan3A_8 = arith.constant 40 : i32
    %scan3A_9 = arith.addi %scan3A_7, %scan3A_8 : i32
    %scan3A_10 = arith.constant 1 : i32
    scf.for %scan3A_17 = %scan3A_7 to %scan3A_9 step %scan3A_10  : i32 {
      "tpu.region"() ({
        %run_scoped3A = tpu.sem_alloc : memref<!tpu.dma_semaphore, #tpu.memory_space<semaphore_mem>>
        %dma_start3A = arith.constant 0 : i32
        %dma_start3A_18 = tpu.memref_slice %arg6[%scan3A_17, %dma_start3A] : memref<40x128xi32, #tpu.memory_space<vmem>> -> memref<1x128xi32, #tpu.memory_space<vmem>>
        %dma_start3A_19 = tpu.memref_squeeze %dma_start3A_18 : memref<1x128xi32, #tpu.memory_space<vmem>> -> memref<128xi32, #tpu.memory_space<vmem>>
        %dma_start3A_20 = arith.constant 0 : i32
        %dma_start3A_21 = arith.constant 0 : i32
        %dma_start3A_22 = tpu.memref_slice %arg8[%dma_start3A_20, %dma_start3A_21] : memref<10240x128xf32, #tpu.memory_space<vmem_shared>> -> memref<10240x128xf32, #tpu.memory_space<vmem_shared>>
        tpu.enqueue_indirect_dma source(%arg7 : memref<128x128xf32, #tpu.memory_space<vmem>>) target(%dma_start3A_22 : memref<10240x128xf32, #tpu.memory_space<vmem_shared>>) offsets(%dma_start3A_19 : memref<128xi32, #tpu.memory_space<vmem>>) semaphore(%run_scoped3A : memref<!tpu.dma_semaphore, #tpu.memory_space<semaphore_mem>>) {add = true}
        %dma_wait3A = arith.constant 0 : i32
        %dma_wait3A_23 = tpu.memref_slice %arg6[%scan3A_17, %dma_wait3A] : memref<40x128xi32, #tpu.memory_space<vmem>> -> memref<1x128xi32, #tpu.memory_space<vmem>>
        %dma_wait3A_24 = tpu.memref_squeeze %dma_wait3A_23 : memref<1x128xi32, #tpu.memory_space<vmem>> -> memref<128xi32, #tpu.memory_space<vmem>>
        %dma_wait3A_25 = arith.constant 0 : i32
        %dma_wait3A_26 = arith.constant 0 : i32
        %dma_wait3A_27 = tpu.memref_slice %arg8[%dma_wait3A_25, %dma_wait3A_26] : memref<10240x128xf32, #tpu.memory_space<vmem_shared>> -> memref<10240x128xf32, #tpu.memory_space<vmem_shared>>
        tpu.wait_indirect_dma semaphore(%run_scoped3A : memref<!tpu.dma_semaphore, #tpu.memory_space<semaphore_mem>>) src(%arg7 : memref<128x128xf32, #tpu.memory_space<vmem>>) dst(%dma_wait3A_27 : memref<10240x128xf32, #tpu.memory_space<vmem_shared>>)
        tpu.yield
      }) : () -> ()
    }
    %scan3A_11 = arith.constant 40 : i32
    %barrier3A_12 = arith.constant 0 : index
    tpu.barrier barrier_id(%barrier3A_12)
    %mul3A_13 = arith.constant 640 : i32
    %mul3A_14 = arith.muli %arg1, %mul3A_13 : i32
    %mul3A_15 = arith.constant 640 : i32
    %mul3A_16 = arith.muli %arg1, %mul3A_15 : i32
    "tpu.region"() ({
      %run_scoped3A = tpu.sem_alloc : memref<!tpu.dma_semaphore, #tpu.memory_space<semaphore_mem>>
      %dma_start3A = arith.constant 0 : i32
      %dma_start3A_17 = tpu.memref_slice %arg5[%arg0, %mul3A_16, %dma_start3A] : memref<2x10240x128xf32, #tpu.memory_space<hbm>> -> memref<1x640x128xf32, #tpu.memory_space<hbm>>
      %dma_start3A_18 = tpu.memref_squeeze %dma_start3A_17 : memref<1x640x128xf32, #tpu.memory_space<hbm>> -> memref<640x128xf32, #tpu.memory_space<hbm>>
      %dma_start3A_19 = arith.constant 0 : i32
      %dma_start3A_20 = tpu.memref_slice %arg8[%mul3A_14, %dma_start3A_19] : memref<10240x128xf32, #tpu.memory_space<vmem_shared>> -> memref<640x128xf32, #tpu.memory_space<vmem_shared>>
      tpu.enqueue_dma source(%dma_start3A_20 : memref<640x128xf32, #tpu.memory_space<vmem_shared>>) target(%dma_start3A_18 : memref<640x128xf32, #tpu.memory_space<hbm>>) target_semaphore(%run_scoped3A : memref<!tpu.dma_semaphore, #tpu.memory_space<semaphore_mem>>)
      %dma_wait3A = arith.constant 0 : i32
      %dma_wait3A_21 = tpu.memref_slice %arg5[%arg0, %mul3A_16, %dma_wait3A] : memref<2x10240x128xf32, #tpu.memory_space<hbm>> -> memref<1x640x128xf32, #tpu.memory_space<hbm>>
      %dma_wait3A_22 = tpu.memref_squeeze %dma_wait3A_21 : memref<1x640x128xf32, #tpu.memory_space<hbm>> -> memref<640x128xf32, #tpu.memory_space<hbm>>
      %dma_wait3A_23 = arith.constant 0 : i32
      %dma_wait3A_24 = tpu.memref_slice %arg8[%mul3A_14, %dma_wait3A_23] : memref<10240x128xf32, #tpu.memory_space<vmem_shared>> -> memref<640x128xf32, #tpu.memory_space<vmem_shared>>
      tpu.wait_dma2 semaphore(%run_scoped3A : memref<!tpu.dma_semaphore, #tpu.memory_space<semaphore_mem>>) src(%dma_wait3A_24 : memref<640x128xf32, #tpu.memory_space<vmem_shared>>) dst(%dma_wait3A_22 : memref<640x128xf32, #tpu.memory_space<hbm>>)
      tpu.yield
    }) : () -> ()
    return
  }
}

module attributes {stable_mosaic.version = 14 : i64} {
  func.func @_prep_body(%arg0: i32, %arg1: memref<1000x256xf32, #tpu.memory_space<vmem>>, %arg2: memref<1000x256xf32, #tpu.memory_space<vmem>>, %arg3: memref<256x256xf32, #tpu.memory_space<vmem>>, %arg4: memref<2x1000x128xf32, #tpu.memory_space<vmem>>, %arg5: memref<1000x128xf32, #tpu.memory_space<vmem>>, %arg6: memref<1000x128xf32, #tpu.memory_space<vmem>>, %arg7: memref<1000x128xf32, #tpu.memory_space<vmem>>, %arg8: memref<1000x128xf32, #tpu.memory_space<vmem>>, %arg9: memref<1000x256xf32, #tpu.memory_space<vmem>>, %arg10: memref<1000x128xf32, #tpu.memory_space<vmem>>) attributes {dimension_semantics = [#tpu.dimension_semantics<arbitrary>], iteration_bounds = array<i64: 10>, scalar_prefetch = 0 : i64, scratch_operands = 0 : i64, tpu.core_type = #tpu.core_type<tc>, window_params = [{transform_indices = @transform_0, window_bounds = array<i64: 1000, 256>}, {transform_indices = @transform_1, window_bounds = array<i64: 1000, 256>}, {pipeline_mode = #tpu.pipeline_mode<synchronous>, transform_indices = @transform_2, window_bounds = array<i64: 256, 256>}, {transform_indices = @transform_3, window_bounds = array<i64: 2, 1000, 128>}, {transform_indices = @transform_4, window_bounds = array<i64: 1000, 128>}, {transform_indices = @transform_5, window_bounds = array<i64: 1000, 128>}, {transform_indices = @transform_6, window_bounds = array<i64: 1000, 128>}, {transform_indices = @transform_7, window_bounds = array<i64: 1000, 128>}, {transform_indices = @transform_8, window_bounds = array<i64: 1000, 256>}, {transform_indices = @transform_9, window_bounds = array<i64: 1000, 128>}]} {
    %get3A = arith.constant 0 : index
    %get3A_0 = arith.constant 0 : index
    %get3A_1 = vector.load %arg1[%get3A, %get3A_0] : memref<1000x256xf32, #tpu.memory_space<vmem>>, vector<1000x256xf32>
    %get3A_2 = arith.constant 0 : index
    %get3A_3 = arith.constant 0 : index
    %get3A_4 = vector.load %arg2[%get3A_2, %get3A_3] : memref<1000x256xf32, #tpu.memory_space<vmem>>, vector<1000x256xf32>
    %mul3A = arith.mulf %get3A_4, %get3A_4 : vector<1000x256xf32>
    %reduce_sum3A = arith.constant dense<0.000000e+00> : vector<1000xf32>
    %reduce_sum3A_5 = vector.multi_reduction <add>, %mul3A, %reduce_sum3A [1] : vector<1000x256xf32> to vector<1000xf32>
    %broadcast_in_dim3A = vector.shape_cast %reduce_sum3A_5 : vector<1000xf32> to vector<1000x1xf32>
    %sqrt3A = math.sqrt %broadcast_in_dim3A : vector<1000x1xf32>
    %max3A = arith.constant 9.99999996E-13 : f32
    %max3A_6 = vector.broadcast %max3A : f32 to vector<1000x1xf32>
    %max3A_7 = arith.maximumf %sqrt3A, %max3A_6 : vector<1000x1xf32>
    %div3A = vector.broadcast %max3A_7 : vector<1000x1xf32> to vector<1000x256xf32>
    %div3A_8 = arith.divf %get3A_4, %div3A : vector<1000x256xf32>
    %mul3A_9 = arith.constant 1.000000e-01 : f32
    %mul3A_10 = vector.broadcast %mul3A_9 : f32 to vector<1000x256xf32>
    %mul3A_11 = arith.mulf %div3A_8, %mul3A_10 : vector<1000x256xf32>
    %add3A = arith.addf %get3A_1, %mul3A_11 : vector<1000x256xf32>
    %get3A_12 = arith.constant 0 : index
    %get3A_13 = arith.constant 0 : index
    %get3A_14 = arith.constant 0 : index
    %get3A_15 = vector.load %arg4[%get3A_12, %get3A_13, %get3A_14] : memref<2x1000x128xf32, #tpu.memory_space<vmem>>, vector<1x1000x128xf32>
    %get3A_16 = vector.shape_cast %get3A_15 : vector<1x1000x128xf32> to vector<1000x128xf32>
    %get3A_17 = arith.constant 1 : index
    %get3A_18 = arith.constant 0 : index
    %get3A_19 = arith.constant 0 : index
    %get3A_20 = vector.load %arg4[%get3A_17, %get3A_18, %get3A_19] : memref<2x1000x128xf32, #tpu.memory_space<vmem>>, vector<1x1000x128xf32>
    %get3A_21 = vector.shape_cast %get3A_20 : vector<1x1000x128xf32> to vector<1000x128xf32>
    %add3A_22 = arith.addf %get3A_16, %get3A_21 : vector<1000x128xf32>
    %slice3A = vector.extract_strided_slice %add3A_22 {offsets = [0, 0], sizes = [1000, 1], strides = [1, 1]} : vector<1000x128xf32> to vector<1000x1xf32>
    %add3A_23 = arith.constant 1.000000e+00 : f32
    %add3A_24 = vector.broadcast %add3A_23 : f32 to vector<1000x1xf32>
    %add3A_25 = arith.addf %slice3A, %add3A_24 : vector<1000x1xf32>
    %rsqrt3A = math.rsqrt %add3A_25 : vector<1000x1xf32>
    %get3A_26 = arith.constant 0 : index
    %get3A_27 = arith.constant 0 : index
    %get3A_28 = vector.load %arg3[%get3A_26, %get3A_27] : memref<256x256xf32, #tpu.memory_space<vmem>>, vector<256x256xf32>
    %dot_general3A = arith.constant dense<0.000000e+00> : vector<1000x256xf32>
    %dot_general3A_29 = tpu.matmul %get3A_1, %get3A_28, %dot_general3A {dimension_numbers = #tpu.dot_dimension_numbers<[1], [0], [0], [1], [0, 0, 1, 1], [], []>, transpose_lhs_hint = false} : vector<1000x256xf32>, vector<256x256xf32>, vector<1000x256xf32> -> vector<1000x256xf32>
    %mul3A_30 = vector.broadcast %rsqrt3A : vector<1000x1xf32> to vector<1000x256xf32>
    %mul3A_31 = arith.mulf %dot_general3A_29, %mul3A_30 : vector<1000x256xf32>
    %dot_general3A_32 = arith.constant dense<0.000000e+00> : vector<1000x256xf32>
    %dot_general3A_33 = tpu.matmul %add3A, %get3A_28, %dot_general3A_32 {dimension_numbers = #tpu.dot_dimension_numbers<[1], [0], [0], [1], [0, 0, 1, 1], [], []>, transpose_lhs_hint = false} : vector<1000x256xf32>, vector<256x256xf32>, vector<1000x256xf32> -> vector<1000x256xf32>
    %mul3A_34 = vector.broadcast %rsqrt3A : vector<1000x1xf32> to vector<1000x256xf32>
    %mul3A_35 = arith.mulf %dot_general3A_33, %mul3A_34 : vector<1000x256xf32>
    %slice3A_36 = vector.extract_strided_slice %mul3A_31 {offsets = [0, 0], sizes = [1000, 128], strides = [1, 1]} : vector<1000x256xf32> to vector<1000x128xf32>
    %swap3A = arith.constant 0 : index
    %swap3A_37 = arith.constant 0 : index
    %swap3A_38 = vector.load %arg5[%swap3A, %swap3A_37] : memref<1000x128xf32, #tpu.memory_space<vmem>>, vector<1000x128xf32>
    tpu.vector_store %arg5[%swap3A, %swap3A_37], %slice3A_36 {strides = array<i32>} : memref<1000x128xf32, #tpu.memory_space<vmem>>, vector<1000x128xf32>,
    %slice3A_39 = vector.extract_strided_slice %mul3A_31 {offsets = [0, 128], sizes = [1000, 128], strides = [1, 1]} : vector<1000x256xf32> to vector<1000x128xf32>
    %swap3A_40 = arith.constant 0 : index
    %swap3A_41 = arith.constant 0 : index
    %swap3A_42 = vector.load %arg6[%swap3A_40, %swap3A_41] : memref<1000x128xf32, #tpu.memory_space<vmem>>, vector<1000x128xf32>
    tpu.vector_store %arg6[%swap3A_40, %swap3A_41], %slice3A_39 {strides = array<i32>} : memref<1000x128xf32, #tpu.memory_space<vmem>>, vector<1000x128xf32>,
    %slice3A_43 = vector.extract_strided_slice %mul3A_35 {offsets = [0, 0], sizes = [1000, 128], strides = [1, 1]} : vector<1000x256xf32> to vector<1000x128xf32>
    %swap3A_44 = arith.constant 0 : index
    %swap3A_45 = arith.constant 0 : index
    %swap3A_46 = vector.load %arg7[%swap3A_44, %swap3A_45] : memref<1000x128xf32, #tpu.memory_space<vmem>>, vector<1000x128xf32>
    tpu.vector_store %arg7[%swap3A_44, %swap3A_45], %slice3A_43 {strides = array<i32>} : memref<1000x128xf32, #tpu.memory_space<vmem>>, vector<1000x128xf32>,
    %slice3A_47 = vector.extract_strided_slice %mul3A_35 {offsets = [0, 128], sizes = [1000, 128], strides = [1, 1]} : vector<1000x256xf32> to vector<1000x128xf32>
    %swap3A_48 = arith.constant 0 : index
    %swap3A_49 = arith.constant 0 : index
    %swap3A_50 = vector.load %arg8[%swap3A_48, %swap3A_49] : memref<1000x128xf32, #tpu.memory_space<vmem>>, vector<1000x128xf32>
    tpu.vector_store %arg8[%swap3A_48, %swap3A_49], %slice3A_47 {strides = array<i32>} : memref<1000x128xf32, #tpu.memory_space<vmem>>, vector<1000x128xf32>,
    %swap3A_51 = arith.constant 0 : index
    %swap3A_52 = arith.constant 0 : index
    %swap3A_53 = vector.load %arg9[%swap3A_51, %swap3A_52] : memref<1000x256xf32, #tpu.memory_space<vmem>>, vector<1000x256xf32>
    tpu.vector_store %arg9[%swap3A_51, %swap3A_52], %add3A {strides = array<i32>} : memref<1000x256xf32, #tpu.memory_space<vmem>>, vector<1000x256xf32>,
    %broadcast_in_dim3A_54 = vector.shape_cast %rsqrt3A : vector<1000x1xf32> to vector<1000x1xf32>
    %broadcast_in_dim3A_55 = vector.broadcast %broadcast_in_dim3A_54 : vector<1000x1xf32> to vector<1000x128xf32>
    %swap3A_56 = arith.constant 0 : index
    %swap3A_57 = arith.constant 0 : index
    %swap3A_58 = vector.load %arg10[%swap3A_56, %swap3A_57] : memref<1000x128xf32, #tpu.memory_space<vmem>>, vector<1000x128xf32>
    tpu.vector_store %arg10[%swap3A_56, %swap3A_57], %broadcast_in_dim3A_55 {strides = array<i32>} : memref<1000x128xf32, #tpu.memory_space<vmem>>, vector<1000x128xf32>,
    return
  }
  func.func @transform_0(%arg0: i32) -> (i32, i32) {
    %c0_i32 = arith.constant 0 : i32
    %c0_i32_0 = arith.constant 0 : i32
    return %arg0, %c0_i32 : i32, i32
  }
  func.func @transform_1(%arg0: i32) -> (i32, i32) {
    %c0_i32 = arith.constant 0 : i32
    %c0_i32_0 = arith.constant 0 : i32
    return %arg0, %c0_i32 : i32, i32
  }
  func.func @transform_2(%arg0: i32) -> (i32, i32) {
    %c0_i32 = arith.constant 0 : i32
    %c0_i32_0 = arith.constant 0 : i32
    %c0_i32_1 = arith.constant 0 : i32
    return %c0_i32, %c0_i32_0 : i32, i32
  }
  func.func @transform_3(%arg0: i32) -> (i32, i32, i32) {
    %c0_i32 = arith.constant 0 : i32
    %c0_i32_0 = arith.constant 0 : i32
    %c0_i32_1 = arith.constant 0 : i32
    return %c0_i32, %arg0, %c0_i32_0 : i32, i32, i32
  }
  func.func @transform_4(%arg0: i32) -> (i32, i32) {
    %c0_i32 = arith.constant 0 : i32
    %c0_i32_0 = arith.constant 0 : i32
    return %arg0, %c0_i32 : i32, i32
  }
  func.func @transform_5(%arg0: i32) -> (i32, i32) {
    %c0_i32 = arith.constant 0 : i32
    %c0_i32_0 = arith.constant 0 : i32
    return %arg0, %c0_i32 : i32, i32
  }
  func.func @transform_6(%arg0: i32) -> (i32, i32) {
    %c0_i32 = arith.constant 0 : i32
    %c0_i32_0 = arith.constant 0 : i32
    return %arg0, %c0_i32 : i32, i32
  }
  func.func @transform_7(%arg0: i32) -> (i32, i32) {
    %c0_i32 = arith.constant 0 : i32
    %c0_i32_0 = arith.constant 0 : i32
    return %arg0, %c0_i32 : i32, i32
  }
  func.func @transform_8(%arg0: i32) -> (i32, i32) {
    %c0_i32 = arith.constant 0 : i32
    %c0_i32_0 = arith.constant 0 : i32
    return %arg0, %c0_i32 : i32, i32
  }
  func.func @transform_9(%arg0: i32) -> (i32, i32) {
    %c0_i32 = arith.constant 0 : i32
    %c0_i32_0 = arith.constant 0 : i32
    return %arg0, %c0_i32 : i32, i32
  }
}

module attributes {stable_mosaic.version = 14 : i64} {
  func.func @_combine_body(%arg0: i32, %arg1: memref<2x1000x512xf32, #tpu.memory_space<vmem>>, %arg2: memref<1000x128xf32, #tpu.memory_space<vmem>>, %arg3: memref<1000x128xf32, #tpu.memory_space<vmem>>, %arg4: memref<1000x128xf32, #tpu.memory_space<vmem>>, %arg5: memref<1000x128xf32, #tpu.memory_space<vmem>>, %arg6: memref<1000x256xf32, #tpu.memory_space<vmem>>, %arg7: memref<1000x256xf32, #tpu.memory_space<vmem>>, %arg8: memref<1000x128xf32, #tpu.memory_space<vmem>>, %arg9: memref<1x256xf32, #tpu.memory_space<vmem>>, %arg10: memref<1000x256xf32, #tpu.memory_space<vmem>>, %arg11: memref<1000x256xf32, #tpu.memory_space<vmem>>, %arg12: memref<1000x256xf32, #tpu.memory_space<vmem>>, %arg13: memref<1000x128xf32, #tpu.memory_space<vmem>>) attributes {dimension_semantics = [#tpu.dimension_semantics<arbitrary>], iteration_bounds = array<i64: 10>, scalar_prefetch = 0 : i64, scratch_operands = 0 : i64, tpu.core_type = #tpu.core_type<tc>, window_params = [{transform_indices = @transform_0, window_bounds = array<i64: 2, 1000, 512>}, {transform_indices = @transform_1, window_bounds = array<i64: 1000, 128>}, {transform_indices = @transform_2, window_bounds = array<i64: 1000, 128>}, {transform_indices = @transform_3, window_bounds = array<i64: 1000, 128>}, {transform_indices = @transform_4, window_bounds = array<i64: 1000, 128>}, {transform_indices = @transform_5, window_bounds = array<i64: 1000, 256>}, {transform_indices = @transform_6, window_bounds = array<i64: 1000, 256>}, {transform_indices = @transform_7, window_bounds = array<i64: 1000, 128>}, {pipeline_mode = #tpu.pipeline_mode<synchronous>, transform_indices = @transform_8, window_bounds = array<i64: 1, 256>}, {transform_indices = @transform_9, window_bounds = array<i64: 1000, 256>}, {transform_indices = @transform_10, window_bounds = array<i64: 1000, 256>}, {transform_indices = @transform_11, window_bounds = array<i64: 1000, 256>}, {transform_indices = @transform_12, window_bounds = array<i64: 1000, 128>}]} {
    %get3A = arith.constant 0 : index
    %get3A_0 = arith.constant 0 : index
    %get3A_1 = arith.constant 0 : index
    %get3A_2 = vector.load %arg1[%get3A, %get3A_0, %get3A_1] : memref<2x1000x512xf32, #tpu.memory_space<vmem>>, vector<1x1000x512xf32>
    %get3A_3 = vector.shape_cast %get3A_2 : vector<1x1000x512xf32> to vector<1000x512xf32>
    %get3A_4 = arith.constant 1 : index
    %get3A_5 = arith.constant 0 : index
    %get3A_6 = arith.constant 0 : index
    %get3A_7 = vector.load %arg1[%get3A_4, %get3A_5, %get3A_6] : memref<2x1000x512xf32, #tpu.memory_space<vmem>>, vector<1x1000x512xf32>
    %get3A_8 = vector.shape_cast %get3A_7 : vector<1x1000x512xf32> to vector<1000x512xf32>
    %add3A = arith.addf %get3A_3, %get3A_8 : vector<1000x512xf32>
    %get3A_9 = arith.constant 0 : index
    %get3A_10 = arith.constant 0 : index
    %get3A_11 = vector.load %arg8[%get3A_9, %get3A_10] : memref<1000x128xf32, #tpu.memory_space<vmem>>, vector<1000x1xf32>
    %get3A_12 = arith.constant 0 : index
    %get3A_13 = arith.constant 0 : index
    %get3A_14 = vector.load %arg9[%get3A_12, %get3A_13] : memref<1x256xf32, #tpu.memory_space<vmem>>, vector<1x256xf32>
    %get3A_15 = arith.constant 0 : index
    %get3A_16 = arith.constant 0 : index
    %get3A_17 = vector.load %arg2[%get3A_15, %get3A_16] : memref<1000x128xf32, #tpu.memory_space<vmem>>, vector<1000x128xf32>
    %get3A_18 = arith.constant 0 : index
    %get3A_19 = arith.constant 0 : index
    %get3A_20 = vector.load %arg3[%get3A_18, %get3A_19] : memref<1000x128xf32, #tpu.memory_space<vmem>>, vector<1000x128xf32>
    %concatenate3A = tpu.concatenate %get3A_17, %get3A_20 in 1 : vector<1000x128xf32>, vector<1000x128xf32> -> vector<1000x256xf32>
    %get3A_21 = arith.constant 0 : index
    %get3A_22 = arith.constant 0 : index
    %get3A_23 = vector.load %arg4[%get3A_21, %get3A_22] : memref<1000x128xf32, #tpu.memory_space<vmem>>, vector<1000x128xf32>
    %get3A_24 = arith.constant 0 : index
    %get3A_25 = arith.constant 0 : index
    %get3A_26 = vector.load %arg5[%get3A_24, %get3A_25] : memref<1000x128xf32, #tpu.memory_space<vmem>>, vector<1000x128xf32>
    %concatenate3A_27 = tpu.concatenate %get3A_23, %get3A_26 in 1 : vector<1000x128xf32>, vector<1000x128xf32> -> vector<1000x256xf32>
    %slice3A = vector.extract_strided_slice %add3A {offsets = [0, 0], sizes = [1000, 256], strides = [1, 1]} : vector<1000x512xf32> to vector<1000x256xf32>
    %add3A_28 = arith.addf %slice3A, %concatenate3A : vector<1000x256xf32>
    %mul3A = vector.broadcast %get3A_11 : vector<1000x1xf32> to vector<1000x256xf32>
    %mul3A_29 = arith.mulf %add3A_28, %mul3A : vector<1000x256xf32>
    %add3A_30 = vector.broadcast %get3A_14 : vector<1x256xf32> to vector<1000x256xf32>
    %add3A_31 = arith.addf %mul3A_29, %add3A_30 : vector<1000x256xf32>
    %slice3A_32 = vector.extract_strided_slice %add3A {offsets = [0, 256], sizes = [1000, 256], strides = [1, 1]} : vector<1000x512xf32> to vector<1000x256xf32>
    %add3A_33 = arith.addf %slice3A_32, %concatenate3A_27 : vector<1000x256xf32>
    %mul3A_34 = vector.broadcast %get3A_11 : vector<1000x1xf32> to vector<1000x256xf32>
    %mul3A_35 = arith.mulf %add3A_33, %mul3A_34 : vector<1000x256xf32>
    %add3A_36 = vector.broadcast %get3A_14 : vector<1x256xf32> to vector<1000x256xf32>
    %add3A_37 = arith.addf %mul3A_35, %add3A_36 : vector<1000x256xf32>
    %ge3A = arith.constant 0.000000e+00 : f32
    %ge3A_38 = vector.broadcast %ge3A : f32 to vector<1000x256xf32>
    %ge3A_39 = arith.cmpf oge, %add3A_31, %ge3A_38 : vector<1000x256xf32>
    %mul3A_40 = arith.constant 2.000000e-01 : f32
    %mul3A_41 = vector.broadcast %mul3A_40 : f32 to vector<1000x256xf32>
    %mul3A_42 = arith.mulf %mul3A_41, %add3A_31 : vector<1000x256xf32>
    %select_n3A = arith.select %ge3A_39, %add3A_31, %mul3A_42 : vector<1000x256xi1>, vector<1000x256xf32>
    %get3A_43 = arith.constant 0 : index
    %get3A_44 = arith.constant 0 : index
    %get3A_45 = vector.load %arg6[%get3A_43, %get3A_44] : memref<1000x256xf32, #tpu.memory_space<vmem>>, vector<1000x256xf32>
    %add3A_46 = arith.addf %select_n3A, %get3A_45 : vector<1000x256xf32>
    %ge3A_47 = arith.constant 0.000000e+00 : f32
    %ge3A_48 = vector.broadcast %ge3A_47 : f32 to vector<1000x256xf32>
    %ge3A_49 = arith.cmpf oge, %add3A_37, %ge3A_48 : vector<1000x256xf32>
    %mul3A_50 = arith.constant 2.000000e-01 : f32
    %mul3A_51 = vector.broadcast %mul3A_50 : f32 to vector<1000x256xf32>
    %mul3A_52 = arith.mulf %mul3A_51, %add3A_37 : vector<1000x256xf32>
    %select_n3A_53 = arith.select %ge3A_49, %add3A_37, %mul3A_52 : vector<1000x256xi1>, vector<1000x256xf32>
    %get3A_54 = arith.constant 0 : index
    %get3A_55 = arith.constant 0 : index
    %get3A_56 = vector.load %arg7[%get3A_54, %get3A_55] : memref<1000x256xf32, #tpu.memory_space<vmem>>, vector<1000x256xf32>
    %add3A_57 = arith.addf %select_n3A_53, %get3A_56 : vector<1000x256xf32>
    %mul3A_58 = arith.mulf %add3A_46, %add3A_46 : vector<1000x256xf32>
    %reduce_sum3A = arith.constant dense<0.000000e+00> : vector<1000xf32>
    %reduce_sum3A_59 = vector.multi_reduction <add>, %mul3A_58, %reduce_sum3A [1] : vector<1000x256xf32> to vector<1000xf32>
    %broadcast_in_dim3A = vector.shape_cast %reduce_sum3A_59 : vector<1000xf32> to vector<1000x1xf32>
    %sqrt3A = math.sqrt %broadcast_in_dim3A : vector<1000x1xf32>
    %max3A = arith.constant 9.99999996E-13 : f32
    %max3A_60 = vector.broadcast %max3A : f32 to vector<1000x1xf32>
    %max3A_61 = arith.maximumf %sqrt3A, %max3A_60 : vector<1000x1xf32>
    %div3A = vector.broadcast %max3A_61 : vector<1000x1xf32> to vector<1000x256xf32>
    %div3A_62 = arith.divf %add3A_46, %div3A : vector<1000x256xf32>
    %mul3A_63 = arith.mulf %add3A_57, %add3A_57 : vector<1000x256xf32>
    %reduce_sum3A_64 = arith.constant dense<0.000000e+00> : vector<1000xf32>
    %reduce_sum3A_65 = vector.multi_reduction <add>, %mul3A_63, %reduce_sum3A_64 [1] : vector<1000x256xf32> to vector<1000xf32>
    %broadcast_in_dim3A_66 = vector.shape_cast %reduce_sum3A_65 : vector<1000xf32> to vector<1000x1xf32>
    %sqrt3A_67 = math.sqrt %broadcast_in_dim3A_66 : vector<1000x1xf32>
    %max3A_68 = arith.constant 9.99999996E-13 : f32
    %max3A_69 = vector.broadcast %max3A_68 : f32 to vector<1000x1xf32>
    %max3A_70 = arith.maximumf %sqrt3A_67, %max3A_69 : vector<1000x1xf32>
    %div3A_71 = vector.broadcast %max3A_70 : vector<1000x1xf32> to vector<1000x256xf32>
    %div3A_72 = arith.divf %add3A_57, %div3A_71 : vector<1000x256xf32>
    %swap3A = arith.constant 0 : index
    %swap3A_73 = arith.constant 0 : index
    %swap3A_74 = vector.load %arg10[%swap3A, %swap3A_73] : memref<1000x256xf32, #tpu.memory_space<vmem>>, vector<1000x256xf32>
    tpu.vector_store %arg10[%swap3A, %swap3A_73], %add3A_46 {strides = array<i32>} : memref<1000x256xf32, #tpu.memory_space<vmem>>, vector<1000x256xf32>,
    %swap3A_75 = arith.constant 0 : index
    %swap3A_76 = arith.constant 0 : index
    %swap3A_77 = vector.load %arg11[%swap3A_75, %swap3A_76] : memref<1000x256xf32, #tpu.memory_space<vmem>>, vector<1000x256xf32>
    tpu.vector_store %arg11[%swap3A_75, %swap3A_76], %div3A_62 {strides = array<i32>} : memref<1000x256xf32, #tpu.memory_space<vmem>>, vector<1000x256xf32>,
    %swap3A_78 = arith.constant 0 : index
    %swap3A_79 = arith.constant 0 : index
    %swap3A_80 = vector.load %arg12[%swap3A_78, %swap3A_79] : memref<1000x256xf32, #tpu.memory_space<vmem>>, vector<1000x256xf32>
    tpu.vector_store %arg12[%swap3A_78, %swap3A_79], %div3A_72 {strides = array<i32>} : memref<1000x256xf32, #tpu.memory_space<vmem>>, vector<1000x256xf32>,
    %mul3A_81 = arith.mulf %div3A_62, %div3A_72 : vector<1000x256xf32>
    %reduce_sum3A_82 = arith.constant dense<0.000000e+00> : vector<1000xf32>
    %reduce_sum3A_83 = vector.multi_reduction <add>, %mul3A_81, %reduce_sum3A_82 [1] : vector<1000x256xf32> to vector<1000xf32>
    %broadcast_in_dim3A_84 = vector.shape_cast %reduce_sum3A_83 : vector<1000xf32> to vector<1000x1xf32>
    %broadcast_in_dim3A_85 = vector.shape_cast %broadcast_in_dim3A_84 : vector<1000x1xf32> to vector<1000x1xf32>
    %broadcast_in_dim3A_86 = vector.broadcast %broadcast_in_dim3A_85 : vector<1000x1xf32> to vector<1000x128xf32>
    %swap3A_87 = arith.constant 0 : index
    %swap3A_88 = arith.constant 0 : index
    %swap3A_89 = vector.load %arg13[%swap3A_87, %swap3A_88] : memref<1000x128xf32, #tpu.memory_space<vmem>>, vector<1000x128xf32>
    tpu.vector_store %arg13[%swap3A_87, %swap3A_88], %broadcast_in_dim3A_86 {strides = array<i32>} : memref<1000x128xf32, #tpu.memory_space<vmem>>, vector<1000x128xf32>,
    return
  }
  func.func @transform_0(%arg0: i32) -> (i32, i32, i32) {
    %c0_i32 = arith.constant 0 : i32
    %c0_i32_0 = arith.constant 0 : i32
    %c0_i32_1 = arith.constant 0 : i32
    return %c0_i32, %arg0, %c0_i32_0 : i32, i32, i32
  }
  func.func @transform_1(%arg0: i32) -> (i32, i32) {
    %c0_i32 = arith.constant 0 : i32
    %c0_i32_0 = arith.constant 0 : i32
    return %arg0, %c0_i32 : i32, i32
  }
  func.func @transform_2(%arg0: i32) -> (i32, i32) {
    %c0_i32 = arith.constant 0 : i32
    %c0_i32_0 = arith.constant 0 : i32
    return %arg0, %c0_i32 : i32, i32
  }
  func.func @transform_3(%arg0: i32) -> (i32, i32) {
    %c0_i32 = arith.constant 0 : i32
    %c0_i32_0 = arith.constant 0 : i32
    return %arg0, %c0_i32 : i32, i32
  }
  func.func @transform_4(%arg0: i32) -> (i32, i32) {
    %c0_i32 = arith.constant 0 : i32
    %c0_i32_0 = arith.constant 0 : i32
    return %arg0, %c0_i32 : i32, i32
  }
  func.func @transform_5(%arg0: i32) -> (i32, i32) {
    %c0_i32 = arith.constant 0 : i32
    %c0_i32_0 = arith.constant 0 : i32
    return %arg0, %c0_i32 : i32, i32
  }
  func.func @transform_6(%arg0: i32) -> (i32, i32) {
    %c0_i32 = arith.constant 0 : i32
    %c0_i32_0 = arith.constant 0 : i32
    return %arg0, %c0_i32 : i32, i32
  }
  func.func @transform_7(%arg0: i32) -> (i32, i32) {
    %c0_i32 = arith.constant 0 : i32
    %c0_i32_0 = arith.constant 0 : i32
    return %arg0, %c0_i32 : i32, i32
  }
  func.func @transform_8(%arg0: i32) -> (i32, i32) {
    %c0_i32 = arith.constant 0 : i32
    %c0_i32_0 = arith.constant 0 : i32
    %c0_i32_1 = arith.constant 0 : i32
    return %c0_i32, %c0_i32_0 : i32, i32
  }
  func.func @transform_9(%arg0: i32) -> (i32, i32) {
    %c0_i32 = arith.constant 0 : i32
    %c0_i32_0 = arith.constant 0 : i32
    return %arg0, %c0_i32 : i32, i32
  }
  func.func @transform_10(%arg0: i32) -> (i32, i32) {
    %c0_i32 = arith.constant 0 : i32
    %c0_i32_0 = arith.constant 0 : i32
    return %arg0, %c0_i32 : i32, i32
  }
  func.func @transform_11(%arg0: i32) -> (i32, i32) {
    %c0_i32 = arith.constant 0 : i32
    %c0_i32_0 = arith.constant 0 : i32
    return %arg0, %c0_i32 : i32, i32
  }
  func.func @transform_12(%arg0: i32) -> (i32, i32) {
    %c0_i32 = arith.constant 0 : i32
    %c0_i32_0 = arith.constant 0 : i32
    return %arg0, %c0_i32 : i32, i32
  }
}

module attributes {stable_mosaic.version = 14 : i64} {
  func.func @_nce_body(%arg0: i32, %arg1: i32, %arg2: memref<1000x256xf32, #tpu.memory_space<vmem>>, %arg3: memref<1000x256xf32, #tpu.memory_space<vmem>>, %arg4: memref<1000x128xf32, #tpu.memory_space<vmem>>, %arg5: memref<1x1xf32, #tpu.memory_space<vmem>>, %arg6: memref<1000x128xf32, #tpu.memory_space<vmem>>, %arg7: memref<1x1xf32, #tpu.memory_space<smem>>) attributes {dimension_semantics = [#tpu.dimension_semantics<arbitrary>, #tpu.dimension_semantics<arbitrary>], iteration_bounds = array<i64: 10, 10>, scalar_prefetch = 0 : i64, scratch_operands = 2 : i64, tpu.core_type = #tpu.core_type<tc>, window_params = [{transform_indices = @transform_0, window_bounds = array<i64: 1000, 256>}, {transform_indices = @transform_1, window_bounds = array<i64: 1000, 256>}, {transform_indices = @transform_2, window_bounds = array<i64: 1000, 128>}, {pipeline_mode = #tpu.pipeline_mode<synchronous>, transform_indices = @transform_3, window_bounds = array<i64: 1, 1>}]} {
    %get3A = arith.constant 0 : index
    %get3A_0 = arith.constant 0 : index
    %get3A_1 = vector.load %arg2[%get3A, %get3A_0] : memref<1000x256xf32, #tpu.memory_space<vmem>>, vector<1000x256xf32>
    %get3A_2 = arith.constant 0 : index
    %get3A_3 = arith.constant 0 : index
    %get3A_4 = vector.load %arg3[%get3A_2, %get3A_3] : memref<1000x256xf32, #tpu.memory_space<vmem>>, vector<1000x256xf32>
    %dot_general3A = arith.constant dense<0.000000e+00> : vector<1000x1000xf32>
    %dot_general3A_5 = tpu.matmul %get3A_1, %get3A_4, %dot_general3A {dimension_numbers = #tpu.dot_dimension_numbers<[1], [1], [0], [0], [0, 0, 1, 0], [], []>, transpose_lhs_hint = false} : vector<1000x256xf32>, vector<1000x256xf32>, vector<1000x1000xf32> -> vector<1000x1000xf32>
    %mul3A = arith.constant 5.000000e+00 : f32
    %mul3A_6 = vector.broadcast %mul3A : f32 to vector<1000x1000xf32>
    %mul3A_7 = arith.mulf %dot_general3A_5, %mul3A_6 : vector<1000x1000xf32>
    %exp3A = math.exp %mul3A_7 : vector<1000x1000xf32>
    %reduce_sum3A = arith.constant dense<0.000000e+00> : vector<1000xf32>
    %reduce_sum3A_8 = vector.multi_reduction <add>, %exp3A, %reduce_sum3A [1] : vector<1000x1000xf32> to vector<1000xf32>
    %broadcast_in_dim3A = vector.shape_cast %reduce_sum3A_8 : vector<1000xf32> to vector<1000x1xf32>
    %eq3A = arith.constant 0 : i32
    %eq3A_9 = arith.cmpi eq, %arg1, %eq3A : i32
    %convert_element_type3A = arith.extui %eq3A_9 : i1 to i32
    %cond3A = arith.constant 0 : i32
    %cond3A_10 = arith.cmpi ne, %convert_element_type3A, %cond3A : i32
    scf.if %cond3A_10 {
      %broadcast_in_dim3A_20 = vector.shape_cast %broadcast_in_dim3A : vector<1000x1xf32> to vector<1000x1xf32>
      %broadcast_in_dim3A_21 = vector.broadcast %broadcast_in_dim3A_20 : vector<1000x1xf32> to vector<1000x128xf32>
      %swap3A = arith.constant 0 : index
      %swap3A_22 = arith.constant 0 : index
      %swap3A_23 = vector.load %arg6[%swap3A, %swap3A_22] : memref<1000x128xf32, #tpu.memory_space<vmem>>, vector<1000x128xf32>
      tpu.vector_store %arg6[%swap3A, %swap3A_22], %broadcast_in_dim3A_21 {strides = array<i32>} : memref<1000x128xf32, #tpu.memory_space<vmem>>, vector<1000x128xf32>,
    } else {
    }
    %gt3A = arith.constant 0 : i32
    %gt3A_11 = arith.cmpi sgt, %arg1, %gt3A : i32
    %convert_element_type3A_12 = arith.extui %gt3A_11 : i1 to i32
    %cond3A_13 = arith.constant 0 : i32
    %cond3A_14 = arith.cmpi ne, %convert_element_type3A_12, %cond3A_13 : i32
    scf.if %cond3A_14 {
      %get3A_20 = arith.constant 0 : index
      %get3A_21 = arith.constant 0 : index
      %get3A_22 = vector.load %arg6[%get3A_20, %get3A_21] : memref<1000x128xf32, #tpu.memory_space<vmem>>, vector<1000x128xf32>
      %broadcast_in_dim3A_23 = vector.shape_cast %broadcast_in_dim3A : vector<1000x1xf32> to vector<1000x1xf32>
      %broadcast_in_dim3A_24 = vector.broadcast %broadcast_in_dim3A_23 : vector<1000x1xf32> to vector<1000x128xf32>
      %add3A = arith.addf %get3A_22, %broadcast_in_dim3A_24 : vector<1000x128xf32>
      %swap3A = arith.constant 0 : index
      %swap3A_25 = arith.constant 0 : index
      %swap3A_26 = vector.load %arg6[%swap3A, %swap3A_25] : memref<1000x128xf32, #tpu.memory_space<vmem>>, vector<1000x128xf32>
      tpu.vector_store %arg6[%swap3A, %swap3A_25], %add3A {strides = array<i32>} : memref<1000x128xf32, #tpu.memory_space<vmem>>, vector<1000x128xf32>,
    } else {
    }
    %eq3A_15 = arith.constant 9 : i32
    %eq3A_16 = arith.cmpi eq, %arg1, %eq3A_15 : i32
    %convert_element_type3A_17 = arith.extui %eq3A_16 : i1 to i32
    %cond3A_18 = arith.constant 0 : i32
    %cond3A_19 = arith.cmpi ne, %convert_element_type3A_17, %cond3A_18 : i32
    scf.if %cond3A_19 {
      %get3A_20 = arith.constant 0 : index
      %get3A_21 = arith.constant 0 : index
      %get3A_22 = vector.load %arg6[%get3A_20, %get3A_21] : memref<1000x128xf32, #tpu.memory_space<vmem>>, vector<1000x1xf32>
      %log3A = math.log %get3A_22 : vector<1000x1xf32>
      %get3A_23 = arith.constant 0 : index
      %get3A_24 = arith.constant 0 : index
      %get3A_25 = vector.load %arg4[%get3A_23, %get3A_24] : memref<1000x128xf32, #tpu.memory_space<vmem>>, vector<1000x1xf32>
      %mul3A_26 = arith.constant 5.000000e+00 : f32
      %mul3A_27 = vector.broadcast %mul3A_26 : f32 to vector<1000x1xf32>
      %mul3A_28 = arith.mulf %get3A_25, %mul3A_27 : vector<1000x1xf32>
      %sub3A = arith.subf %log3A, %mul3A_28 : vector<1000x1xf32>
      %reduce_sum3A_29 = vector.shape_cast %sub3A : vector<1000x1xf32> to vector<1x1000x1xf32>
      %reduce_sum3A_30 = arith.constant dense<0.000000e+00> : vector<1xf32>
      %reduce_sum3A_31 = vector.multi_reduction <add>, %reduce_sum3A_29, %reduce_sum3A_30 [1, 2] : vector<1x1000x1xf32> to vector<1xf32>
      %reduce_sum3A_32 = vector.shape_cast %reduce_sum3A_31 : vector<1xf32> to vector<1x1x1xf32>
      %reduce_sum3A_33 = vector.extract %reduce_sum3A_32[0, 0, 0] : f32 from vector<1x1x1xf32>
      %eq3A_34 = arith.constant 0 : i32
      %eq3A_35 = arith.cmpi eq, %arg0, %eq3A_34 : i32
      %convert_element_type3A_36 = arith.extui %eq3A_35 : i1 to i32
      %cond3A_37 = arith.constant 0 : i32
      %cond3A_38 = arith.cmpi ne, %convert_element_type3A_36, %cond3A_37 : i32
      scf.if %cond3A_38 {
        %swap3A = arith.constant 0 : index
        %swap3A_49 = arith.constant 0 : index
        %swap3A_50 = memref.load %arg7[%swap3A, %swap3A_49] : memref<1x1xf32, #tpu.memory_space<smem>>
        memref.store %reduce_sum3A_33, %arg7[%swap3A, %swap3A_49] : memref<1x1xf32, #tpu.memory_space<smem>>
      } else {
      }
      %gt3A_39 = arith.constant 0 : i32
      %gt3A_40 = arith.cmpi sgt, %arg0, %gt3A_39 : i32
      %convert_element_type3A_41 = arith.extui %gt3A_40 : i1 to i32
      %cond3A_42 = arith.constant 0 : i32
      %cond3A_43 = arith.cmpi ne, %convert_element_type3A_41, %cond3A_42 : i32
      scf.if %cond3A_43 {
        %get3A_49 = arith.constant 0 : index
        %get3A_50 = arith.constant 0 : index
        %get3A_51 = memref.load %arg7[%get3A_49, %get3A_50] : memref<1x1xf32, #tpu.memory_space<smem>>
        %add3A = arith.addf %get3A_51, %reduce_sum3A_33 : f32
        %swap3A = arith.constant 0 : index
        %swap3A_52 = arith.constant 0 : index
        %swap3A_53 = memref.load %arg7[%swap3A, %swap3A_52] : memref<1x1xf32, #tpu.memory_space<smem>>
        memref.store %add3A, %arg7[%swap3A, %swap3A_52] : memref<1x1xf32, #tpu.memory_space<smem>>
      } else {
      }
      %eq3A_44 = arith.constant 9 : i32
      %eq3A_45 = arith.cmpi eq, %arg0, %eq3A_44 : i32
      %convert_element_type3A_46 = arith.extui %eq3A_45 : i1 to i32
      %cond3A_47 = arith.constant 0 : i32
      %cond3A_48 = arith.cmpi ne, %convert_element_type3A_46, %cond3A_47 : i32
      scf.if %cond3A_48 {
        %get3A_49 = arith.constant 0 : index
        %get3A_50 = arith.constant 0 : index
        %get3A_51 = memref.load %arg7[%get3A_49, %get3A_50] : memref<1x1xf32, #tpu.memory_space<smem>>
        %mul3A_52 = arith.constant 9.99999974E-5 : f32
        %mul3A_53 = arith.mulf %get3A_51, %mul3A_52 : f32
        %broadcast_in_dim3A_54 = vector.broadcast %mul3A_53 : f32 to vector<1x1xf32>
        %swap3A = arith.constant 0 : index
        %swap3A_55 = arith.constant 0 : index
        %swap3A_56 = vector.load %arg5[%swap3A, %swap3A_55] : memref<1x1xf32, #tpu.memory_space<vmem>>, vector<1x1xf32>
        tpu.vector_store %arg5[%swap3A, %swap3A_55], %broadcast_in_dim3A_54 {strides = array<i32>} : memref<1x1xf32, #tpu.memory_space<vmem>>, vector<1x1xf32>,
      } else {
      }
    } else {
    }
    return
  }
  func.func @transform_0(%arg0: i32, %arg1: i32) -> (i32, i32) {
    %c0_i32 = arith.constant 0 : i32
    %c0_i32_0 = arith.constant 0 : i32
    return %arg0, %c0_i32 : i32, i32
  }
  func.func @transform_1(%arg0: i32, %arg1: i32) -> (i32, i32) {
    %c0_i32 = arith.constant 0 : i32
    %c0_i32_0 = arith.constant 0 : i32
    return %arg1, %c0_i32 : i32, i32
  }
  func.func @transform_2(%arg0: i32, %arg1: i32) -> (i32, i32) {
    %c0_i32 = arith.constant 0 : i32
    %c0_i32_0 = arith.constant 0 : i32
    return %arg0, %c0_i32 : i32, i32
  }
  func.func @transform_3(%arg0: i32, %arg1: i32) -> (i32, i32) {
    %c0_i32 = arith.constant 0 : i32
    %c0_i32_0 = arith.constant 0 : i32
    %c0_i32_1 = arith.constant 0 : i32
    return %c0_i32, %c0_i32_0 : i32, i32
  }
}

module attributes {stable_mosaic.version = 14 : i64} {
  func.func @_sess_body(%arg0: i32, %arg1: memref<400x256xf32, #tpu.memory_space<vmem>>, %arg2: memref<400x128xf32, #tpu.memory_space<vmem>>, %arg3: memref<256x256xf32, #tpu.memory_space<vmem>>, %arg4: memref<1x256xf32, #tpu.memory_space<vmem>>, %arg5: memref<400x256xf32, #tpu.memory_space<vmem>>) attributes {dimension_semantics = [#tpu.dimension_semantics<arbitrary>], iteration_bounds = array<i64: 25>, scalar_prefetch = 0 : i64, scratch_operands = 0 : i64, tpu.core_type = #tpu.core_type<tc>, window_params = [{transform_indices = @transform_0, window_bounds = array<i64: 400, 256>}, {transform_indices = @transform_1, window_bounds = array<i64: 400, 128>}, {pipeline_mode = #tpu.pipeline_mode<synchronous>, transform_indices = @transform_2, window_bounds = array<i64: 256, 256>}, {pipeline_mode = #tpu.pipeline_mode<synchronous>, transform_indices = @transform_3, window_bounds = array<i64: 1, 256>}, {transform_indices = @transform_4, window_bounds = array<i64: 400, 256>}]} {
    %get3A = arith.constant 0 : index
    %get3A_0 = arith.constant 0 : index
    %get3A_1 = vector.load %arg1[%get3A, %get3A_0] : memref<400x256xf32, #tpu.memory_space<vmem>>, vector<400x256xf32>
    %get3A_2 = arith.constant 0 : index
    %get3A_3 = arith.constant 0 : index
    %get3A_4 = vector.load %arg2[%get3A_2, %get3A_3] : memref<400x128xf32, #tpu.memory_space<vmem>>, vector<400x1xf32>
    %mul3A = vector.broadcast %get3A_4 : vector<400x1xf32> to vector<400x256xf32>
    %mul3A_5 = arith.mulf %get3A_1, %mul3A : vector<400x256xf32>
    %reshape3A = vector.shape_cast %mul3A_5 : vector<400x256xf32> to vector<20x20x256xf32>
    %reduce_sum3A = arith.constant dense<0.000000e+00> : vector<20x256xf32>
    %reduce_sum3A_6 = vector.multi_reduction <add>, %reshape3A, %reduce_sum3A [1] : vector<20x20x256xf32> to vector<20x256xf32>
    %mul3A_7 = arith.constant 5.000000e-02 : f32
    %mul3A_8 = vector.broadcast %mul3A_7 : f32 to vector<20x256xf32>
    %mul3A_9 = arith.mulf %reduce_sum3A_6, %mul3A_8 : vector<20x256xf32>
    %get3A_10 = arith.constant 0 : index
    %get3A_11 = arith.constant 0 : index
    %get3A_12 = vector.load %arg3[%get3A_10, %get3A_11] : memref<256x256xf32, #tpu.memory_space<vmem>>, vector<256x256xf32>
    %dot_general3A = arith.constant dense<0.000000e+00> : vector<20x256xf32>
    %dot_general3A_13 = tpu.matmul %mul3A_9, %get3A_12, %dot_general3A {dimension_numbers = #tpu.dot_dimension_numbers<[1], [1], [0], [0], [0, 0, 1, 0], [], []>, transpose_lhs_hint = false} : vector<20x256xf32>, vector<256x256xf32>, vector<20x256xf32> -> vector<20x256xf32>
    %get3A_14 = arith.constant 0 : index
    %get3A_15 = arith.constant 0 : index
    %get3A_16 = vector.load %arg4[%get3A_14, %get3A_15] : memref<1x256xf32, #tpu.memory_space<vmem>>, vector<1x256xf32>
    %add3A = vector.broadcast %get3A_16 : vector<1x256xf32> to vector<20x256xf32>
    %add3A_17 = arith.addf %dot_general3A_13, %add3A : vector<20x256xf32>
    %max3A = arith.constant 0.000000e+00 : f32
    %max3A_18 = vector.broadcast %max3A : f32 to vector<20x256xf32>
    %max3A_19 = arith.maximumf %add3A_17, %max3A_18 : vector<20x256xf32>
    %broadcast_in_dim3A = vector.shape_cast %max3A_19 : vector<20x256xf32> to vector<20x1x256xf32>
    %broadcast_in_dim3A_20 = vector.shape_cast %broadcast_in_dim3A : vector<20x1x256xf32> to vector<20x1x256xf32>
    %broadcast_in_dim3A_21 = vector.broadcast %broadcast_in_dim3A_20 : vector<20x1x256xf32> to vector<20x20x256xf32>
    %reshape3A_22 = vector.shape_cast %broadcast_in_dim3A_21 : vector<20x20x256xf32> to vector<400x256xf32>
    %add3A_23 = arith.addf %mul3A_5, %reshape3A_22 : vector<400x256xf32>
    %swap3A = arith.constant 0 : index
    %swap3A_24 = arith.constant 0 : index
    %swap3A_25 = vector.load %arg5[%swap3A, %swap3A_24] : memref<400x256xf32, #tpu.memory_space<vmem>>, vector<400x256xf32>
    tpu.vector_store %arg5[%swap3A, %swap3A_24], %add3A_23 {strides = array<i32>} : memref<400x256xf32, #tpu.memory_space<vmem>>, vector<400x256xf32>,
    return
  }
  func.func @transform_0(%arg0: i32) -> (i32, i32) {
    %c0_i32 = arith.constant 0 : i32
    %c0_i32_0 = arith.constant 0 : i32
    return %arg0, %c0_i32 : i32, i32
  }
  func.func @transform_1(%arg0: i32) -> (i32, i32) {
    %c0_i32 = arith.constant 0 : i32
    %c0_i32_0 = arith.constant 0 : i32
    return %arg0, %c0_i32 : i32, i32
  }
  func.func @transform_2(%arg0: i32) -> (i32, i32) {
    %c0_i32 = arith.constant 0 : i32
    %c0_i32_0 = arith.constant 0 : i32
    %c0_i32_1 = arith.constant 0 : i32
    return %c0_i32, %c0_i32_0 : i32, i32
  }
  func.func @transform_3(%arg0: i32) -> (i32, i32) {
    %c0_i32 = arith.constant 0 : i32
    %c0_i32_0 = arith.constant 0 : i32
    %c0_i32_1 = arith.constant 0 : i32
    return %c0_i32, %c0_i32_0 : i32, i32
  }
  func.func @transform_4(%arg0: i32) -> (i32, i32) {
    %c0_i32 = arith.constant 0 : i32
    %c0_i32_0 = arith.constant 0 : i32
    return %arg0, %c0_i32 : i32, i32
  }
}

</mosaic_0001>

<sc_bundles>
// kernel: kernel.11.cloned.1.call-start
scs
__scs_entry_jumppad:
0x0: {  	(pc) =	sbr.rel $0x88, $3  }
0x1: {  	(tag) =	ssettag $0x0;
	lr =	simm.s32 $0x1  }
0x2: {  	[smem:$0x3F97] =	sst lr;
	_ =	strace $0xD0000000  }
0x3: {  	_ = 	snop  }
0x4: {  	_ = 	snop  }
0x5: {  	_ = 	snop  }
0x6: {  	_ = 	snop  }
0x7: {  	_ = 	snop  }
__scs_overlays_trampoline_lowered:
0x8: {  	[smem:$0x3FA6] =	sst s0  }
0x9: {  	[smem:$0x3FA7] =	sst s1  }
0xa: {  	[smem:$0x3FA8] =	sst s2  }
0xb: {  	[smem:$0x3FA9] =	sst s3  }
0xc: {  	[smem:$0x3FAA] =	sst s4  }
0xd: {  	[smem:$0x3FAB] =	sst s5  }
0xe: {  	[smem:$0x3FAC] =	sst s6  }
0xf: {  	[smem:$0x3FAD] =	sst s7  }
0x10: {  	[smem:$0x3FAE] =	sst s8  }
0x11: {  	[smem:$0x3FAF] =	sst s9;
	s0 =	simm.s32 @!p0 $0x0  }
0x12: {  	s1 =	sld [smem:$0x3F95];
	s0 =	simm.s32 @p0 $0x1  }
0x13: {  	[smem:$0x3FB0] =	sst s0;
	s0 =	simm.s32 @!p1 $0x0  }
0x14: {  	s2 =	sld [smem:$0x3F94];
	s0 =	simm.s32 @p1 $0x1  }
0x15: {  	[smem:$0x3FB1] =	sst s0;
	s0 =	simm.s32 @!p2 $0x0  }
0x16: {  	s3 =	sld [smem:$0x3FDB];
	s0 =	simm.s32 @p2 $0x1  }
0x17: {  	s4 =	simm.s32 $0x1BF5;
	[smem:$0x3FB3] =	sst s0  }
0x18: {  	s0 =	sld [smem:$0x3F96];
	_ =	swait.ge [sflag:s4], $0x0  }
0x19: {  	s7 =	sld [smem:$0x3F97]  }
0x1a: {  	s8 =	sadd.s32 $0xFFFFE003, lr  }
0x1b: {  	s9 =	sadd.s32 $0xFFFFFEF7, lr;
	s5 =	simm.s32 $0xFFFFFFFF;
	p2 =	slt.u32 s8, $0xFFFFF086  }
0x1c: {  	p1 =	slt.u32 s9, $0xF7A;
	s5 =	simm.s32 @!p2 $0x0  }
0x1d: {  	s5 =	simm.s32 @p1 $0x1;
	p0 =	seq.s32 s7, s2  }
0x1e: {  	s7 =	smul.u32 @!p0 $0xF7A, s2;
	p2 =	seq.s32 @!p0 s5, $0x0  }
0x1f: {  	s9 =	smul.u32 $0xF7A, s1;
	s8 =	simm.s32 @!p0 $0x1BF5;
	p2 =	por !p2, p0  }
0x20: {  	[sflag:s8] =	ssyncset.s32 @!p0 $0xFFFFF086;
	s6 =	sadd.s32 @!p0 s3, s7;
	s7 =	simm.s32 @!p0 $0x108  }
0x21: {  	s3 =	sadd.s32 s3, s9;
	s6 =	sadd.s32 @!p0 $0x88, s6;
	s7 =	simm.s32 @p2 $0x1082  }
0x22: {  	[simem:s7], [sflag:s8] =	dma.local @!p0 [hbm:s6], $0xF7A  }
0x23: {  	s9 =	sor.u32 $0xD0000000, s2;
	s6 =	simm.s32 $0x108;
	_ =	swait.ge @!p0 [sflag:s8], $0x0  }
0x24: {  	s3 =	sadd.s32 $0x88, s3;
	s6 =	simm.s32 @!p1 $0x1082;
	[sflag:s4] =	ssyncset.s32 $0xFFFFF086  }
0x25: {  	[simem:s6], [sflag:s4] =	dma.local [hbm:s3], $0xF7A  }
0x26: {  	[smem:$0x3F97] =	sst s1;
	(tag) =	ssettag s2;
	_ =	strace s9  }
0x27: {  	s1 =	sld [smem:$0x3FA7]  }
0x28: {  	s2 =	sld [smem:$0x3FA8]  }
0x29: {  	s4 =	sld [smem:$0x3FAA]  }
0x2a: {  	p0 =	seq.s32 s5, $0x0;
	s5 =	sld [smem:$0x3FAB]  }
0x2b: {  	s6 =	sld [smem:$0x3FAC]  }
0x2c: {  	s7 =	sld [smem:$0x3FAD]  }
0x2d: {  	s3 =	simm.s32 $0x108;
	s8 =	sld [smem:$0x3FAE]  }
0x2e: {  	s3 =	simm.s32 @!p0 $0x1082;
	s9 =	sld [smem:$0x3FAF]  }
0x2f: {  	lr =	sadd.s32 s0, s3;
	s0 =	sld [smem:$0x3FA6]  }
0x30: {  	s3 =	sld [smem:$0x3FA9]  }
0x31: {  	[smem:$0x3FB2] =	sst s10  }
0x32: {  	s10 =	sld [smem:$0x3FB0];
	_ =	sdelay $0x3  }
0x33: {  	p0 =	seq.s32 s10, $0x1;
	s10 =	sld [smem:$0x3FB2];
	_ =	sdelay $0x3  }
0x34: {  	[smem:$0x3FB2] =	sst s10  }
0x35: {  	s10 =	sld [smem:$0x3FB1];
	_ =	sdelay $0x3  }
0x36: {  	p1 =	seq.s32 s10, $0x1;
	s10 =	sld [smem:$0x3FB2];
	_ =	sdelay $0x3  }
0x37: {  	[smem:$0x3FB2] =	sst s10  }
0x38: {  	s10 =	sld [smem:$0x3FB3]  }
0x39: {  	_ = 	snop;
	(pc) =	sbr.ind lr, $3  }
0x3a: {  	_ = 	snop  }
0x3b: {  	_ = 	snop  }
0x3c: {  	p2 =	seq.s32 s10, $0x1;
	s10 =	sld [smem:$0x3FB2]  }
0x3d: {  	_ =	shalt  }
0x3e: {  	_ =	shalt  }
0x3f: {  	_ =	shalt  }
0x40: {  	_ =	shalt  }
0x41: {  	_ =	shalt  }
0x42: {  	_ =	shalt  }
0x43: {  	_ =	shalt  }
0x44: {  	_ =	shalt  }
0x45: {  	_ =	shalt  }
0x46: {  	_ =	shalt  }
0x47: {  	_ =	shalt  }
0x48: {  	_ =	shalt  }
0x49: {  	_ =	shalt  }
0x4a: {  	_ =	shalt  }
0x4b: {  	_ =	shalt  }
0x4c: {  	_ =	shalt  }
0x4d: {  	_ =	shalt  }
0x4e: {  	_ =	shalt  }
0x4f: {  	_ =	shalt  }
0x50: {  	_ =	shalt  }
0x51: {  	_ =	shalt  }
0x52: {  	_ =	shalt  }
0x53: {  	_ =	shalt  }
0x54: {  	_ =	shalt  }
0x55: {  	_ =	shalt  }
0x56: {  	_ =	shalt  }
0x57: {  	_ =	shalt  }
0x58: {  	_ =	shalt  }
0x59: {  	_ =	shalt  }
0x5a: {  	_ =	shalt  }
0x5b: {  	_ =	shalt  }
0x5c: {  	_ =	shalt  }
0x5d: {  	_ =	shalt  }
0x5e: {  	_ =	shalt  }
0x5f: {  	_ =	shalt  }
0x60: {  	_ =	shalt  }
0x61: {  	_ =	shalt  }
0x62: {  	_ =	shalt  }
0x63: {  	_ =	shalt  }
0x64: {  	_ =	shalt  }
0x65: {  	_ =	shalt  }
0x66: {  	_ =	shalt  }
0x67: {  	_ =	shalt  }
0x68: {  	_ =	shalt  }
0x69: {  	_ =	shalt  }
0x6a: {  	_ =	shalt  }
0x6b: {  	_ =	shalt  }
0x6c: {  	_ =	shalt  }
0x6d: {  	_ =	shalt  }
0x6e: {  	_ =	shalt  }
0x6f: {  	_ =	shalt  }
0x70: {  	_ =	shalt  }
0x71: {  	_ =	shalt  }
0x72: {  	_ =	shalt  }
0x73: {  	_ =	shalt  }
0x74: {  	_ =	shalt  }
0x75: {  	_ =	shalt  }
0x76: {  	_ =	shalt  }
0x77: {  	_ =	shalt  }
0x78: {  	_ =	shalt  }
0x79: {  	_ =	shalt  }
0x7a: {  	_ =	shalt  }
0x7b: {  	_ =	shalt  }
0x7c: {  	_ =	shalt  }
0x7d: {  	_ =	shalt  }
0x7e: {  	_ =	shalt  }
0x7f: {  	_ =	shalt  }
0x80: {  	_ =	shalt  }
0x81: {  	_ =	shalt  }
0x82: {  	_ =	shalt  }
0x83: {  	_ =	shalt  }
0x84: {  	_ =	shalt  }
0x85: {  	_ =	shalt  }
0x86: {  	_ =	shalt  }
0x87: {  	_ =	shalt  }
.Lfunc_end0:
.L_simem_size_0:
called_computation.1_lowered:
.L_overlay_start_0:
0x88: {  	s2 =	sld [smem:$0x3FD9]  }
0x89: {  	s3 =	sld [smem:$0x3FFE];
	_ =	sdelay $0x1  }
0x8a: {  	s1 =	srdreg.scid  }
0x8b: {  	s0 =	sand.u32 $0x1, s1  }
0x8c: {  	s16 =	sshll.u32 s0, $0xA;
	s2 =	sadd.s32 s3, s2  }
0x8d: {  	s2 =	sadd.s32 s2, s16  }
0x8e: {  	[smem:$0x3FBE] =	sst s2  }
0x8f: {  	_ = 	snop  }
0x90: {  	(tm) =	ssettm $0x1  }
0x91: {  	s17 =	sld [smem:$0x3FFB];
	_ =	sdelay $0x3  }
0x92: {  	_ =	strace s17  }
0x93: {  	s2 =	sld [smem:$0x3FFC];
	_ =	sdelay $0x3  }
0x94: {  	_ =	strace s2  }
0x95: {  	s2 =	sld [smem:$0x3FFD];
	_ =	sdelay $0x3  }
0x96: {  	_ =	strace s2  }
0x97: {  	_ =	strace $0x8FFFFFFF  }
0x98: {  	s18 =	sld [smem:$0x3FDB];
	_ =	sdelay $0x1  }
0x99: {  	s19 =	simm.s32 $_scs_section_size  }
0x9a: {  	s4 =	simm.s32 $_size__tile_overlayer_lowered;
	s5 =	simm.s32 $_tile_overlayer_lowered  }
0x9b: {  	s22 =	simm.s32 $0x1BFF;
	s21 =	sshll.u32 s5, $0x1;
	s2 =	sadd.s32 s19, s18  }
0x9c: {  	s6 =	simm.s32 $0x0;
	s20 =	sshll.u32 s4, $0x1;
	s4 =	sadd.s32 s21, s2  }
0x9d: {  	[timem:s6], [sflag:s22] =	dma.local [hbm:s4], s20  }
0x9e: {  	_ =	swait.ge [sflag:s22], s20  }
0x9f: {  	s3 =	ssub.s32 $0x0, s20;
	[sflag:s22] =	ssyncset.done $0x0  }
0xa0: {  	[sflag:s22] =	ssyncadd.s32 s3;
	_ =	sdelay $0x1  }
0xa1: {  	s23 =	simm.s32 $0x1B8B  }
0xa2: {  	_ =	swait.ge [sflag:s23], $0x1  }
0xa3: {  	[sflag:s23] =	ssyncset.done $0x0  }
0xa4: {  	s25 =	simm.s32 $0x1B8E;
	s24 =	sld [smem:$0x3FFE];
	[sflag:s23] =	ssyncadd.s32 $0xFFFFFFFF  }
0xa5: {  	s26 =	simm.s32 $execute0_lowered;
	[smem:$0x3FD2] =	sst s25  }
0xa6: {  	s4 =	sshll.u32 s26, $0x1;
	_ =	strace $0x80000049;
	[dreg:$0x1] =	wrdreg $0xFFFFFFFF  }
0xa7: {  	s28 =	simm.s32 $_size_execute0_lowered;
	s2 =	sadd.s32 s2, s4;
	[dreg:$0x0] =	wrdreg $0x0  }
0xa8: {  	s4 =	sshll.u32 s28, $0x1;
	[dreg:$0x2] =	wrdreg s2  }
0xa9: {  	[dreg:$0x3] =	wrdreg s4  }
0xaa: {  	[dreg:$0x4] =	wrdreg $0xC0  }
0xab: {  	_ =	task [dreg:s6], $0x5FFFF  }
0xac: {  	[dreg:$0x1] =	wrdreg $0xFFFFFFFF  }
0xad: {  	[dreg:$0x0] =	wrdreg $0x60  }
0xae: {  	[dreg:$0x2] =	wrdreg s24  }
0xaf: {  	[dreg:$0x3] =	wrdreg $0xC0000  }
0xb0: {  	[dreg:$0x4] =	wrdreg $0x9  }
0xb1: {  	_ =	task.clear_ibuf [dreg:s6], $0x5FFFF;
	_ =	strace $0x90000049  }
0xb2: {  	s29 =	simm.s32 $0x9;
	_ =	strace $0x8000004B  }
0xb3: {  	_ =	swait.ge [sflag:s29], $0x1  }
0xb4: {  	[sflag:s29] =	ssyncadd.s32 $0xFFFFFFFF  }
0xb5: {  	_ =	strace $0x9000004B  }
0xb6: {  	_ =	sfence  }
0xb7: {  	s30 =	sld [smem:$0x0];
	_ =	sdelay $0x2  }
0xb8: {  	s31 =	sshll.u32 s1, $0xD;
	s1 =	sshrl.u32 s1, $0x2  }
0xb9: {  	s3 =	sand.u32 $0x4000, s31;
	s1 =	sadd.s32 s1, s30  }
0xba: {  	s0 =	sor.u32 s3, s0;
	s1 =	sshll.u32 s1, $0x11  }
0xbb: {  	s0 =	sor.u32 s1, s0  }
0xbc: {  	s0 =	sadd.s32 $0x8F2B, s0  }
0xbd: {  	[sflag:s0] =	ssyncadd.remote.s32 $0x1  }
0xbe: {  	_ =	sfence.sel $0xFFFF  }
0xbf: {  	[dreg:$0x0] =	wrdreg $0xFFFFFFFF;
	(pc) =	sbr.abs _section_cstart, $3  }
0xc0: {  	[dreg:$0x1] =	wrdreg $0xFFFFFFFF  }
0xc1: {  	_ =	task.clear_ibuf [dreg:s6], $0x2FFFF;
	_ =	strace $0x9FFFFFFF  }
0xc2: {  	(tm) =	ssettm $0x7FFFFFFF  }
0xc3: {  	_ =	shalt  }
tec
execute0_lowered:
.L_overlay_start_1:
0x0: {  	(tag) =	ssettag $0x1  }
0x1: {  	s0 =	rddreg [dreg:$0x0]  }
0x2: {  	s2 =	rddreg [dreg:$0x1];
	s1 =	srdreg.scid;
	s3 =	simm.s32 $0x0  }
0x3: {  	s17 =	stileid.u32;
	s13 =	simm.s32 $0x10;
	s18 =	simm.s32 $0x3  }
0x4: {  	s21 =	simm.s32 $0x4000;
	s22 =	simm.s32 $0x80;
	s23 =	simm.s32 $0x8000  }
0x5: {  	s24 =	simm.s32 $0x1;
	s28 =	simm.s32 $0x200;
	s29 =	simm.s32 $0x0  }
0x6: {  	s1 =	sand.u32 $0x1, s1;
	[smem:$0x7FF] =	sst s3;
	s8 =	smul.u32 $0x2800, s17  }
0x7: {  	s4 =	sshll.u32 s17, $0xA;
	s5 =	sshll.u32 s17, $0x8;
	s9 =	smul.u32 $0x50000, s17  }
0x8: {  	s6 =	sadd.s32 $0xAD600, s0;
	s7 =	sadd.s32 $0xD4800, s0;
	s31 =	sshll.u32 s17, $0x6  }
0x9: {  	p0 =	seq.s32 s1, $0x0;
	s4 =	sadd.s32 $0x1000, s4;
	_ =	strace $0x8000004A  }
0xa: {  	s11 =	smul.u32 $0x500000, s1;
	s1 =	ssub.s32 $0x2, s1;
	s19 =	sor.u32 $0x1C03, s31  }
0xb: {  	s4 =	smov.u32 @p0 s5;
	s5 =	sadd.s32 $0x5D600, s0;
	s8 =	sadd.s32 s8, s0  }
0xc: {  	s12 =	sshrl.u32 s1, $0x1;
	s13 =	simm.s32 @!p0 $0x40;
	s10 =	sadd.s32 s4, s0  }
0xd: {  	s4 =	sadd.s32 $0x36400, s0;
	s11 =	sadd.s32 s9, s11;
	s1 =	ssub.s32 s1, s12  }
0xe: {  	s9 =	sshrl.u32 s9, $0x2;
	s14 =	sadd.s32 $0xFFFFFFFF, s13;
	s12 =	sshrl.u32 s13, $0x1  }
0xf: {  	s11 =	sshrl.u32 s11, $0x3;
	s25 =	sadd.s32 $0x9400, s10;
	s10 =	sadd.s32 $0x4400, s10  }
0x10: {  	s9 =	sadd.s32 s9, s2;
	s17 =	smax.u32 s1, $0x1;
	[dreg:$0x3] =	wrdreg s25  }
0x11: {  	s0 =	sadd.s32 s11, s0;
	[dreg:$0x4] =	wrdreg s10;
	s11 =	sadd.s32 $0xE400, s8  }
0x12: {  	s20 =	sshrl.u32 s9, $0x3;
	s25 =	simm.s32 $0x2;
	s26 =	sadd.s32 $0xFBA00, s0  }
0x13: {  	s30 =	sadd.s32 $0xFBA80, s0;
	s15 =	sadd.s32 $0xFBB00, s0;
	[dreg:$0x5] =	wrdreg s26  }
0x14: {  	s16 =	sadd.s32 $0xFBB80, s0;
	[dreg:$0x6] =	wrdreg s30;
	s26 =	simm.s32 $0x8  }
.LBB2_1:
0x15: {  	s0 =	rddreg [dreg:$0x3]  }
0x16: {  	[tilespmem:s3], [sflag:$0x3] =	stream.linear.gather [hbm4b:s0+s3], $0x2000, $0x38;
	v63 =	vld [tilespmem:$0x0]  }
0x17: {  	_ =	swait.ge [sflag:s18], $0x2000  }
0x18: {  	[sflag:s18] =	ssyncset.done $0x0  }
0x19: {  	s30 =	simm.s32 $0x2000;
	s13 =	rddreg [dreg:$0x4];
	[sflag:s18] =	ssyncadd.s32 $0xFFFFE000  }
0x1a: {  	[tilespmem:s30], [sflag:$0x3] =	stream.linear.gather [hbm4b:s13+s3], $0x2000, $0x38;
	v63 =	vld [tilespmem:$0x0]  }
0x1b: {  	_ =	swait.ge [sflag:s18], $0x2000  }
0x1c: {  	[sflag:s18] =	ssyncset.done $0x0  }
0x1d: {  	[sflag:s18] =	ssyncadd.s32 $0xFFFFE000  }
0x1e: {  	[spmem:s20], [sflag:s19] =	dma.local [hbm:s11], $0x2800  }
0x1f: {  	_ =	swait.ge [sflag:s18], $0x2800  }
0x20: {  	[sflag:s18] =	ssyncset.done $0x0  }
0x21: {  	[sflag:s18] =	ssyncadd.s32 $0xFFFFD800  }
0x22: {  	[bflag:$0x0] =	sbarrier.arrive $0xFFFF  }
0x23: {  	[tilespmem:s21], [sflag:$0x1] =	stream.indirect.gather [hbm4b:s4+s22], $0x80, s3, s22, $0xb8;
	v63 =	vld [tilespmem:$0x0]  }
0x24: {  	_ = 	snop  }
0x25: {  	[tilespmem:s23], [sflag:$0x2] =	stream.indirect.gather [hbm4b:s4+s22], $0x80, s22, s22, $0xb8;
	v63 =	vld [tilespmem:$0x0]  }
0x26: {  	_ =	swait.ge [sflag:s24], $0x4000  }
0x27: {  	[sflag:s24] =	ssyncset.done $0x0  }
0x28: {  	p0 =	sgt.s32 s14, $0x2;
	s0 =	smov.u32 s14;
	[sflag:s24] =	ssyncadd.s32 $0xFFFFC000  }
0x29: {  	[spmem:s2] =	stream.indirect.scatter.add.f32 [tilespmem:s21], [sflag:$0x3], $0x80, s30, s22, $0xb8;
	v63 =	vld [tilespmem:$0x0]  }
0x2a: {  	s0 =	smov.u32 @p0 s25;
	_ =	swait.ge [sflag:s18], $0x4000  }
0x2b: {  	s0 =	sshll.u32 s0, $0x9;
	[sflag:s18] =	ssyncset.done $0x0  }
0x2c: {  	s0 =	sshra.s32 s0, $0x2;
	[sflag:s18] =	ssyncadd.s32 $0xFFFFC000  }
0x2d: {  	[tilespmem:s21], [sflag:$0x1] =	stream.indirect.gather [hbm4b:s4+s22], $0x80, s0, s22, $0xb8;
	v63 =	vld [tilespmem:$0x0]  }
0x2e: {  	p0 =	sne.s32 s12, $0x1;
	_ =	swait.ge [sflag:s25], $0x4000  }
.Ltmp0:
0x2f: {  	[sflag:s25] =	ssyncset.done $0x0;
	(pc) =	sbr.rel @!p0 .LBB2_3-.Ltmp0, $4  }
0x30: {  	s1 =	simm.s32 $0x2080;
	[sflag:s25] =	ssyncadd.s32 $0xFFFFC000  }
0x31: {  	[spmem:s2] =	stream.indirect.scatter.add.f32 [tilespmem:s23], [sflag:$0x3], $0x80, s1, s22, $0xb8;
	v63 =	vld [tilespmem:$0x0]  }
0x32: {  	s8 =	simm.s32 $0x180;
	s31 =	simm.s32 $0x2;
	_ =	swait.ge [sflag:s18], $0x4000  }
0x33: {  	s9 =	simm.s32 $0x2000;
	s0 =	sadd.s32 $0xFFFFFFFF, s12;
	[sflag:s18] =	ssyncset.done $0x0  }
.LBB2_2:
0x34: {  	[sflag:s18] =	ssyncadd.s32 $0xFFFFC000;
	s31 =	sadd.s32 $0x2, s31;
	s9 =	sadd.s32 $0x100, s9  }
0x35: {  	[tilespmem:s23], [sflag:$0x2] =	stream.indirect.gather [hbm4b:s4+s22], $0x80, s8, s22, $0xb8;
	v63 =	vld [tilespmem:$0x0]  }
0x36: {  	p1 =	sne.s32 s0, $0x1;
	s0 =	sadd.s32 $0xFFFFFFFF, s0;
	_ =	swait.ge [sflag:s24], $0x4000  }
0x37: {  	[sflag:s24] =	ssyncset.done $0x0  }
0x38: {  	s13 =	smov.u32 s14;
	p2 =	slt.s32 s31, s14;
	[sflag:s24] =	ssyncadd.s32 $0xFFFFC000  }
0x39: {  	[spmem:s2] =	stream.indirect.scatter.add.f32 [tilespmem:s21], [sflag:$0x3], $0x80, s9, s22, $0xb8;
	v63 =	vld [tilespmem:$0x0]  }
0x3a: {  	s13 =	smov.u32 @p2 s31;
	_ =	swait.ge [sflag:s18], $0x4000  }
0x3b: {  	s13 =	sshll.u32 s13, $0x9;
	[sflag:s18] =	ssyncset.done $0x0  }
0x3c: {  	s13 =	sshra.s32 s13, $0x2;
	[sflag:s18] =	ssyncadd.s32 $0xFFFFC000  }
0x3d: {  	[tilespmem:s21], [sflag:$0x1] =	stream.indirect.gather [hbm4b:s4+s22], $0x80, s13, s22, $0xb8;
	v63 =	vld [tilespmem:$0x0]  }
0x3e: {  	_ =	swait.ge [sflag:s25], $0x4000  }
.Ltmp1:
0x3f: {  	[sflag:s25] =	ssyncset.done $0x0;
	(pc) =	sbr.rel @p1 .LBB2_2-.Ltmp1, $4  }
0x40: {  	s13 =	sadd.s32 $0x80, s9;
	[sflag:s25] =	ssyncadd.s32 $0xFFFFC000  }
0x41: {  	[spmem:s2] =	stream.indirect.scatter.add.f32 [tilespmem:s23], [sflag:$0x3], $0x80, s13, s22, $0xb8;
	v63 =	vld [tilespmem:$0x0]  }
0x42: {  	_ =	swait.ge [sflag:s18], $0x4000  }
0x43: {  	s8 =	sadd.s32 $0x100, s8;
	[sflag:s18] =	ssyncset.done $0x0  }
.LBB2_3:
0x44: {  	[sflag:s18] =	ssyncadd.s32 $0xFFFFC000  }
0x45: {  	_ =	swait.ge [sflag:s24], $0x4000  }
0x46: {  	[sflag:s24] =	ssyncset.done $0x0  }
0x47: {  	[sflag:s24] =	ssyncadd.s32 $0xFFFFC000  }
0x48: {  	[bflag:$0x0] =	sbarrier.arrive $0xFFFF  }
0x49: {  	s0 =	simm.s32 $0x80;
	s8 =	rddreg [dreg:$0x5]  }
0x4a: {  	[hbm:s8@s28], [sflag:s19] =	dma.strided [spmem:s20@s0], $0x2800, s26, $0x10   }
0x4b: {  	_ =	swait.ge [sflag:s18], $0x2800  }
0x4c: {  	[sflag:s18] =	ssyncset.done $0x0  }
0x4d: {  	[sflag:s18] =	ssyncadd.s32 $0xFFFFD800  }
0x4e: {  	[bflag:$0x0] =	sbarrier.arrive $0xFFFF  }
0x4f: {  	[spmem:s20], [sflag:s19] =	dma.local [hbm:s11], $0x2800  }
0x50: {  	_ =	swait.ge [sflag:s18], $0x2800  }
0x51: {  	[sflag:s18] =	ssyncset.done $0x0  }
0x52: {  	[sflag:s18] =	ssyncadd.s32 $0xFFFFD800  }
0x53: {  	[bflag:$0x0] =	sbarrier.arrive $0xFFFF  }
0x54: {  	[tilespmem:s21], [sflag:$0x1] =	stream.indirect.gather [hbm4b:s5+s0], $0x80, s3, s0, $0xb8;
	v63 =	vld [tilespmem:$0x0]  }
0x55: {  	_ = 	snop  }
0x56: {  	[tilespmem:s23], [sflag:$0x2] =	stream.indirect.gather [hbm4b:s5+s22], $0x80, s0, s22, $0xb8;
	v63 =	vld [tilespmem:$0x0]  }
0x57: {  	_ =	swait.ge [sflag:s24], $0x4000  }
0x58: {  	s31 =	simm.s32 $0x2;
	[sflag:s24] =	ssyncset.done $0x0  }
0x59: {  	p1 =	sgt.s32 s14, $0x2;
	s8 =	smov.u32 s14;
	[sflag:s24] =	ssyncadd.s32 $0xFFFFC000  }
0x5a: {  	[spmem:s2] =	stream.indirect.scatter.add.f32 [tilespmem:s21], [sflag:$0x3], $0x80, s30, s22, $0xb8;
	v63 =	vld [tilespmem:$0x0]  }
0x5b: {  	s8 =	smov.u32 @p1 s31;
	_ =	swait.ge [sflag:s18], $0x4000  }
0x5c: {  	s8 =	sshll.u32 s8, $0x9;
	[sflag:s18] =	ssyncset.done $0x0  }
0x5d: {  	s8 =	sshra.s32 s8, $0x2;
	[sflag:s18] =	ssyncadd.s32 $0xFFFFC000  }
0x5e: {  	[tilespmem:s21], [sflag:$0x1] =	stream.indirect.gather [hbm4b:s5+s22], $0x80, s8, s22, $0xb8;
	v63 =	vld [tilespmem:$0x0]  }
0x5f: {  	_ =	swait.ge [sflag:s25], $0x4000  }
.Ltmp2:
0x60: {  	[sflag:s25] =	ssyncset.done $0x0;
	(pc) =	sbr.rel @!p0 .LBB2_5-.Ltmp2, $4  }
0x61: {  	[sflag:s25] =	ssyncadd.s32 $0xFFFFC000  }
0x62: {  	[spmem:s2] =	stream.indirect.scatter.add.f32 [tilespmem:s23], [sflag:$0x3], $0x80, s1, s22, $0xb8;
	v63 =	vld [tilespmem:$0x0]  }
0x63: {  	s9 =	simm.s32 $0x180;
	_ =	swait.ge [sflag:s18], $0x4000  }
0x64: {  	s13 =	simm.s32 $0x2;
	s1 =	sadd.s32 $0xFFFFFFFF, s12;
	[sflag:s18] =	ssyncset.done $0x0  }
.LBB2_4:
0x65: {  	[sflag:s18] =	ssyncadd.s32 $0xFFFFC000;
	s13 =	sadd.s32 $0x2, s13;
	s30 =	sadd.s32 $0x100, s30  }
0x66: {  	[tilespmem:s23], [sflag:$0x2] =	stream.indirect.gather [hbm4b:s5+s22], $0x80, s9, s22, $0xb8;
	v63 =	vld [tilespmem:$0x0]  }
0x67: {  	p1 =	sne.s32 s1, $0x1;
	s1 =	sadd.s32 $0xFFFFFFFF, s1;
	_ =	swait.ge [sflag:s24], $0x4000  }
0x68: {  	[sflag:s24] =	ssyncset.done $0x0  }
0x69: {  	s10 =	smov.u32 s14;
	p2 =	slt.s32 s13, s14;
	[sflag:s24] =	ssyncadd.s32 $0xFFFFC000  }
0x6a: {  	[spmem:s2] =	stream.indirect.scatter.add.f32 [tilespmem:s21], [sflag:$0x3], $0x80, s30, s22, $0xb8;
	v63 =	vld [tilespmem:$0x0]  }
0x6b: {  	s10 =	smov.u32 @p2 s13;
	_ =	swait.ge [sflag:s18], $0x4000  }
0x6c: {  	s10 =	sshll.u32 s10, $0x9;
	[sflag:s18] =	ssyncset.done $0x0  }
0x6d: {  	s10 =	sshra.s32 s10, $0x2;
	[sflag:s18] =	ssyncadd.s32 $0xFFFFC000  }
0x6e: {  	[tilespmem:s21], [sflag:$0x1] =	stream.indirect.gather [hbm4b:s5+s22], $0x80, s10, s22, $0xb8;
	v63 =	vld [tilespmem:$0x0]  }
0x6f: {  	_ =	swait.ge [sflag:s25], $0x4000  }
.Ltmp3:
0x70: {  	[sflag:s25] =	ssyncset.done $0x0;
	(pc) =	sbr.rel @p1 .LBB2_4-.Ltmp3, $4  }
0x71: {  	s10 =	sadd.s32 $0x80, s30;
	[sflag:s25] =	ssyncadd.s32 $0xFFFFC000  }
0x72: {  	[spmem:s2] =	stream.indirect.scatter.add.f32 [tilespmem:s23], [sflag:$0x3], $0x80, s10, s22, $0xb8;
	v63 =	vld [tilespmem:$0x0]  }
0x73: {  	_ =	swait.ge [sflag:s18], $0x4000  }
0x74: {  	s9 =	sadd.s32 $0x100, s9;
	[sflag:s18] =	ssyncset.done $0x0  }
.LBB2_5:
0x75: {  	[sflag:s18] =	ssyncadd.s32 $0xFFFFC000  }
0x76: {  	_ =	swait.ge [sflag:s24], $0x4000  }
0x77: {  	[sflag:s24] =	ssyncset.done $0x0  }
0x78: {  	[sflag:s24] =	ssyncadd.s32 $0xFFFFC000  }
0x79: {  	[bflag:$0x0] =	sbarrier.arrive $0xFFFF  }
0x7a: {  	s1 =	rddreg [dreg:$0x6]  }
0x7b: {  	[hbm:s1@s28], [sflag:s19] =	dma.strided [spmem:s20@s0], $0x2800, s26, $0x10   }
0x7c: {  	_ =	swait.ge [sflag:s18], $0x2800  }
0x7d: {  	[sflag:s18] =	ssyncset.done $0x0  }
0x7e: {  	[sflag:s18] =	ssyncadd.s32 $0xFFFFD800  }
0x7f: {  	[bflag:$0x0] =	sbarrier.arrive $0xFFFF  }
0x80: {  	[spmem:s20], [sflag:s19] =	dma.local [hbm:s11], $0x2800  }
0x81: {  	_ =	swait.ge [sflag:s18], $0x2800  }
0x82: {  	[sflag:s18] =	ssyncset.done $0x0  }
0x83: {  	[sflag:s18] =	ssyncadd.s32 $0xFFFFD800  }
0x84: {  	[bflag:$0x0] =	sbarrier.arrive $0xFFFF  }
0x85: {  	[tilespmem:s21], [sflag:$0x1] =	stream.indirect.gather [hbm4b:s6+s0], $0x80, s3, s0, $0xb8;
	v63 =	vld [tilespmem:$0x0]  }
0x86: {  	_ = 	snop  }
0x87: {  	[tilespmem:s23], [sflag:$0x2] =	stream.indirect.gather [hbm4b:s6+s22], $0x80, s0, s22, $0xb8;
	v63 =	vld [tilespmem:$0x0]  }
0x88: {  	_ =	swait.ge [sflag:s24], $0x4000  }
0x89: {  	[sflag:s24] =	ssyncset.done $0x0  }
0x8a: {  	s30 =	simm.s32 $0x2000;
	[sflag:s24] =	ssyncadd.s32 $0xFFFFC000  }
0x8b: {  	[spmem:s2] =	stream.indirect.scatter.add.f32 [tilespmem:s21], [sflag:$0x3], $0x80, s30, s22, $0xb8;
	v63 =	vld [tilespmem:$0x0]  }
0x8c: {  	_ =	swait.ge [sflag:s18], $0x4000  }
0x8d: {  	[sflag:s18] =	ssyncset.done $0x0  }
0x8e: {  	[sflag:s18] =	ssyncadd.s32 $0xFFFFC000  }
0x8f: {  	[tilespmem:s21], [sflag:$0x1] =	stream.indirect.gather [hbm4b:s6+s22], $0x80, s8, s22, $0xb8;
	v63 =	vld [tilespmem:$0x0]  }
0x90: {  	_ =	swait.ge [sflag:s25], $0x4000  }
.Ltmp4:
0x91: {  	[sflag:s25] =	ssyncset.done $0x0;
	(pc) =	sbr.rel @!p0 .LBB2_7-.Ltmp4, $4  }
0x92: {  	s0 =	simm.s32 $0x2080;
	[sflag:s25] =	ssyncadd.s32 $0xFFFFC000  }
0x93: {  	[spmem:s2] =	stream.indirect.scatter.add.f32 [tilespmem:s23], [sflag:$0x3], $0x80, s0, s22, $0xb8;
	v63 =	vld [tilespmem:$0x0]  }
0x94: {  	s9 =	simm.s32 $0x2000;
	_ =	swait.ge [sflag:s18], $0x4000  }
0x95: {  	s1 =	sadd.s32 $0xFFFFFFFF, s12;
	s8 =	simm.s32 $0x180;
	[sflag:s18] =	ssyncset.done $0x0  }
.LBB2_6:
0x96: {  	[sflag:s18] =	ssyncadd.s32 $0xFFFFC000;
	s31 =	sadd.s32 $0x2, s31;
	s9 =	sadd.s32 $0x100, s9  }
0x97: {  	[tilespmem:s23], [sflag:$0x2] =	stream.indirect.gather [hbm4b:s6+s22], $0x80, s8, s22, $0xb8;
	v63 =	vld [tilespmem:$0x0]  }
0x98: {  	p1 =	sne.s32 s1, $0x1;
	s1 =	sadd.s32 $0xFFFFFFFF, s1;
	_ =	swait.ge [sflag:s24], $0x4000  }
0x99: {  	[sflag:s24] =	ssyncset.done $0x0  }
0x9a: {  	s10 =	smov.u32 s14;
	p2 =	slt.s32 s31, s14;
	[sflag:s24] =	ssyncadd.s32 $0xFFFFC000  }
0x9b: {  	[spmem:s2] =	stream.indirect.scatter.add.f32 [tilespmem:s21], [sflag:$0x3], $0x80, s9, s22, $0xb8;
	v63 =	vld [tilespmem:$0x0]  }
0x9c: {  	s10 =	smov.u32 @p2 s31;
	_ =	swait.ge [sflag:s18], $0x4000  }
0x9d: {  	s10 =	sshll.u32 s10, $0x9;
	[sflag:s18] =	ssyncset.done $0x0  }
0x9e: {  	s10 =	sshra.s32 s10, $0x2;
	[sflag:s18] =	ssyncadd.s32 $0xFFFFC000  }
0x9f: {  	[tilespmem:s21], [sflag:$0x1] =	stream.indirect.gather [hbm4b:s6+s22], $0x80, s10, s22, $0xb8;
	v63 =	vld [tilespmem:$0x0]  }
0xa0: {  	_ =	swait.ge [sflag:s25], $0x4000  }
.Ltmp5:
0xa1: {  	[sflag:s25] =	ssyncset.done $0x0;
	(pc) =	sbr.rel @p1 .LBB2_6-.Ltmp5, $4  }
0xa2: {  	s10 =	sadd.s32 $0x80, s9;
	[sflag:s25] =	ssyncadd.s32 $0xFFFFC000  }
0xa3: {  	[spmem:s2] =	stream.indirect.scatter.add.f32 [tilespmem:s23], [sflag:$0x3], $0x80, s10, s22, $0xb8;
	v63 =	vld [tilespmem:$0x0]  }
0xa4: {  	_ =	swait.ge [sflag:s18], $0x4000  }
0xa5: {  	s8 =	sadd.s32 $0x100, s8;
	[sflag:s18] =	ssyncset.done $0x0  }
.LBB2_7:
0xa6: {  	[sflag:s18] =	ssyncadd.s32 $0xFFFFC000  }
0xa7: {  	_ =	swait.ge [sflag:s24], $0x4000  }
0xa8: {  	[sflag:s24] =	ssyncset.done $0x0  }
0xa9: {  	[sflag:s24] =	ssyncadd.s32 $0xFFFFC000  }
0xaa: {  	s1 =	simm.s32 $0x80;
	[bflag:$0x0] =	sbarrier.arrive $0xFFFF  }
0xab: {  	[hbm:s15@s28], [sflag:s19] =	dma.strided [spmem:s20@s1], $0x2800, s26, $0x10   }
0xac: {  	_ =	swait.ge [sflag:s18], $0x2800  }
0xad: {  	[sflag:s18] =	ssyncset.done $0x0  }
0xae: {  	[sflag:s18] =	ssyncadd.s32 $0xFFFFD800  }
0xaf: {  	[bflag:$0x0] =	sbarrier.arrive $0xFFFF  }
0xb0: {  	[spmem:s20], [sflag:s19] =	dma.local [hbm:s11], $0x2800  }
0xb1: {  	_ =	swait.ge [sflag:s18], $0x2800  }
0xb2: {  	[sflag:s18] =	ssyncset.done $0x0  }
0xb3: {  	[sflag:s18] =	ssyncadd.s32 $0xFFFFD800  }
0xb4: {  	[bflag:$0x0] =	sbarrier.arrive $0xFFFF  }
0xb5: {  	[tilespmem:s21], [sflag:$0x1] =	stream.indirect.gather [hbm4b:s7+s1], $0x80, s3, s1, $0xb8;
	v63 =	vld [tilespmem:$0x0]  }
0xb6: {  	_ = 	snop  }
0xb7: {  	[tilespmem:s23], [sflag:$0x2] =	stream.indirect.gather [hbm4b:s7+s22], $0x80, s1, s22, $0xb8;
	v63 =	vld [tilespmem:$0x0]  }
0xb8: {  	_ =	swait.ge [sflag:s24], $0x4000  }
0xb9: {  	p1 =	sgt.s32 s14, $0x2;
	[sflag:s24] =	ssyncset.done $0x0  }
0xba: {  	s8 =	smov.u32 s14;
	s1 =	simm.s32 $0x2;
	[sflag:s24] =	ssyncadd.s32 $0xFFFFC000  }
0xbb: {  	[spmem:s2] =	stream.indirect.scatter.add.f32 [tilespmem:s21], [sflag:$0x3], $0x80, s30, s22, $0xb8;
	v63 =	vld [tilespmem:$0x0]  }
0xbc: {  	s8 =	smov.u32 @p1 s1;
	_ =	swait.ge [sflag:s18], $0x4000  }
0xbd: {  	s8 =	sshll.u32 s8, $0x9;
	[sflag:s18] =	ssyncset.done $0x0  }
0xbe: {  	s8 =	sshra.s32 s8, $0x2;
	[sflag:s18] =	ssyncadd.s32 $0xFFFFC000  }
0xbf: {  	[tilespmem:s21], [sflag:$0x1] =	stream.indirect.gather [hbm4b:s7+s22], $0x80, s8, s22, $0xb8;
	v63 =	vld [tilespmem:$0x0]  }
0xc0: {  	_ =	swait.ge [sflag:s25], $0x4000  }
.Ltmp6:
0xc1: {  	[sflag:s25] =	ssyncset.done $0x0;
	(pc) =	sbr.rel @!p0 .LBB2_9-.Ltmp6, $4  }
0xc2: {  	[sflag:s25] =	ssyncadd.s32 $0xFFFFC000  }
0xc3: {  	[spmem:s2] =	stream.indirect.scatter.add.f32 [tilespmem:s23], [sflag:$0x3], $0x80, s0, s22, $0xb8;
	v63 =	vld [tilespmem:$0x0]  }
0xc4: {  	_ =	swait.ge [sflag:s18], $0x4000  }
0xc5: {  	s8 =	simm.s32 $0x180;
	s0 =	sadd.s32 $0xFFFFFFFF, s12;
	[sflag:s18] =	ssyncset.done $0x0  }
.LBB2_8:
0xc6: {  	[sflag:s18] =	ssyncadd.s32 $0xFFFFC000;
	s1 =	sadd.s32 $0x2, s1;
	s30 =	sadd.s32 $0x100, s30  }
0xc7: {  	[tilespmem:s23], [sflag:$0x2] =	stream.indirect.gather [hbm4b:s7+s22], $0x80, s8, s22, $0xb8;
	v63 =	vld [tilespmem:$0x0]  }
0xc8: {  	p0 =	sne.s32 s0, $0x1;
	s0 =	sadd.s32 $0xFFFFFFFF, s0;
	_ =	swait.ge [sflag:s24], $0x4000  }
0xc9: {  	[sflag:s24] =	ssyncset.done $0x0  }
0xca: {  	s9 =	smov.u32 s14;
	p1 =	slt.s32 s1, s14;
	[sflag:s24] =	ssyncadd.s32 $0xFFFFC000  }
0xcb: {  	[spmem:s2] =	stream.indirect.scatter.add.f32 [tilespmem:s21], [sflag:$0x3], $0x80, s30, s22, $0xb8;
	v63 =	vld [tilespmem:$0x0]  }
0xcc: {  	s9 =	smov.u32 @p1 s1;
	_ =	swait.ge [sflag:s18], $0x4000  }
0xcd: {  	s9 =	sshll.u32 s9, $0x9;
	[sflag:s18] =	ssyncset.done $0x0  }
0xce: {  	s9 =	sshra.s32 s9, $0x2;
	[sflag:s18] =	ssyncadd.s32 $0xFFFFC000  }
0xcf: {  	[tilespmem:s21], [sflag:$0x1] =	stream.indirect.gather [hbm4b:s7+s22], $0x80, s9, s22, $0xb8;
	v63 =	vld [tilespmem:$0x0]  }
0xd0: {  	_ =	swait.ge [sflag:s25], $0x4000  }
.Ltmp7:
0xd1: {  	[sflag:s25] =	ssyncset.done $0x0;
	(pc) =	sbr.rel @p0 .LBB2_8-.Ltmp7, $4  }
0xd2: {  	s9 =	sadd.s32 $0x80, s30;
	[sflag:s25] =	ssyncadd.s32 $0xFFFFC000  }
0xd3: {  	[spmem:s2] =	stream.indirect.scatter.add.f32 [tilespmem:s23], [sflag:$0x3], $0x80, s9, s22, $0xb8;
	v63 =	vld [tilespmem:$0x0]  }
0xd4: {  	_ =	swait.ge [sflag:s18], $0x4000  }
0xd5: {  	s8 =	sadd.s32 $0x100, s8;
	[sflag:s18] =	ssyncset.done $0x0  }
.LBB2_9:
0xd6: {  	[sflag:s18] =	ssyncadd.s32 $0xFFFFC000  }
0xd7: {  	_ =	swait.ge [sflag:s24], $0x4000  }
0xd8: {  	[sflag:s24] =	ssyncset.done $0x0  }
0xd9: {  	s29 =	sadd.s32 $0x1, s29;
	[sflag:s24] =	ssyncadd.s32 $0xFFFFC000  }
0xda: {  	p0 =	sne.s32 s29, s17;
	[bflag:$0x0] =	sbarrier.arrive $0xFFFF  }
0xdb: {  	[hbm:s16@s28], [sflag:s19] =	dma.strided [spmem:s20@s22], $0x2800, s26, $0x10   }
.Ltmp8:
0xdc: {  	_ =	swait.ge [sflag:s18], $0x2800;
	(pc) =	sbr.rel @p0 .LBB2_1-.Ltmp8, $3  }
0xdd: {  	[sflag:s18] =	ssyncset.done $0x0  }
0xde: {  	[sflag:s18] =	ssyncadd.s32 $0xFFFFD800  }
0xdf: {  	[bflag:$0x0] =	sbarrier.arrive $0xFFFF;
	_ =	sdelay $0x1  }
0xe0: {  	_ =	sfence.sel $0x180000  }
0xe1: {  	[bflag:$0x0] =	sbarrier.arrive $0xFFFF  }
0xe2: {  	_ =	strace $0x9000004A  }
0xe3: {  	s0 =	stileid.u32;
	[bflag:$0x2] =	sbarrier.arrive $0xFFFF  }
0xe4: {  	p0 =	sne.s32 s0, $0x0;
	s0 =	rddreg [dreg:$0x2]  }
0xe5: {  	s0 =	sadd.s32 @!p0 $0x100000, s0  }
0xe6: {  	[sflag:s0] =	ssyncadd.tile.s32 @!p0 $0x1;
	_ =	shalt  }
.Lfunc_end2:
_tile_overlayer_lowered:
.L_overlay_start_2:
0xe7: {  	(tag) =	ssettag $0x2  }
0xe8: {  	s0 =	rddreg [dreg:$0x0];
	s2 =	stileid.u32  }
0xe9: {  	s1 =	rddreg [dreg:$0x1];
	p0 =	sne.s32 s2, $0x0  }
0xea: {  	s3 =	rddreg [dreg:$0x2];
	[bflag:$0x3] =	sbarrier.arrive $0xFFFF;
	s2 =	simm.s32 @!p0 $0x1C03  }
0xeb: {  	[timem:s3], [sflag:s2] =	dma.local @!p0 [hbm:s0], s1  }
0xec: {  	s0 =	simm.s32 @!p0 $0x3  }
0xed: {  	_ =	swait.ge @!p0 [sflag:s0], s1  }
0xee: {  	s1 =	ssub.s32 @!p0 $0x0, s1;
	[sflag:s0] =	ssyncset.done @!p0 $0x0  }
0xef: {  	[sflag:s0] =	ssyncadd.s32 @!p0 s1  }
0xf0: {  	[bflag:$0x3] =	sbarrier.arrive $0xFFFF  }
0xf1: {  	_ =	shalt  }

// kernel: kernel.8.cloned.1.call-start
scs
__scs_entry_jumppad:
0x0: {  	(pc) =	sbr.rel $0x88, $3  }
0x1: {  	(tag) =	ssettag $0x0;
	lr =	simm.s32 $0x1  }
0x2: {  	[smem:$0x3F97] =	sst lr;
	_ =	strace $0xD0000000  }
0x3: {  	_ = 	snop  }
0x4: {  	_ = 	snop  }
0x5: {  	_ = 	snop  }
0x6: {  	_ = 	snop  }
0x7: {  	_ = 	snop  }
__scs_overlays_trampoline_lowered:
0x8: {  	[smem:$0x3FA6] =	sst s0  }
0x9: {  	[smem:$0x3FA7] =	sst s1  }
0xa: {  	[smem:$0x3FA8] =	sst s2  }
0xb: {  	[smem:$0x3FA9] =	sst s3  }
0xc: {  	[smem:$0x3FAA] =	sst s4  }
0xd: {  	[smem:$0x3FAB] =	sst s5  }
0xe: {  	[smem:$0x3FAC] =	sst s6  }
0xf: {  	[smem:$0x3FAD] =	sst s7  }
0x10: {  	[smem:$0x3FAE] =	sst s8  }
0x11: {  	[smem:$0x3FAF] =	sst s9;
	s0 =	simm.s32 @!p0 $0x0  }
0x12: {  	s1 =	sld [smem:$0x3F95];
	s0 =	simm.s32 @p0 $0x1  }
0x13: {  	[smem:$0x3FB0] =	sst s0;
	s0 =	simm.s32 @!p1 $0x0  }
0x14: {  	s2 =	sld [smem:$0x3F94];
	s0 =	simm.s32 @p1 $0x1  }
0x15: {  	[smem:$0x3FB1] =	sst s0;
	s0 =	simm.s32 @!p2 $0x0  }
0x16: {  	s3 =	sld [smem:$0x3FDB];
	s0 =	simm.s32 @p2 $0x1  }
0x17: {  	s4 =	simm.s32 $0x1BF5;
	[smem:$0x3FB3] =	sst s0  }
0x18: {  	s0 =	sld [smem:$0x3F96];
	_ =	swait.ge [sflag:s4], $0x0  }
0x19: {  	s7 =	sld [smem:$0x3F97]  }
0x1a: {  	s8 =	sadd.s32 $0xFFFFE003, lr  }
0x1b: {  	s9 =	sadd.s32 $0xFFFFFEF7, lr;
	s5 =	simm.s32 $0xFFFFFFFF;
	p2 =	slt.u32 s8, $0xFFFFF086  }
0x1c: {  	p1 =	slt.u32 s9, $0xF7A;
	s5 =	simm.s32 @!p2 $0x0  }
0x1d: {  	s5 =	simm.s32 @p1 $0x1;
	p0 =	seq.s32 s7, s2  }
0x1e: {  	s7 =	smul.u32 @!p0 $0xF7A, s2;
	p2 =	seq.s32 @!p0 s5, $0x0  }
0x1f: {  	s9 =	smul.u32 $0xF7A, s1;
	s8 =	simm.s32 @!p0 $0x1BF5;
	p2 =	por !p2, p0  }
0x20: {  	[sflag:s8] =	ssyncset.s32 @!p0 $0xFFFFF086;
	s6 =	sadd.s32 @!p0 s3, s7;
	s7 =	simm.s32 @!p0 $0x108  }
0x21: {  	s3 =	sadd.s32 s3, s9;
	s6 =	sadd.s32 @!p0 $0x88, s6;
	s7 =	simm.s32 @p2 $0x1082  }
0x22: {  	[simem:s7], [sflag:s8] =	dma.local @!p0 [hbm:s6], $0xF7A  }
0x23: {  	s9 =	sor.u32 $0xD0000000, s2;
	s6 =	simm.s32 $0x108;
	_ =	swait.ge @!p0 [sflag:s8], $0x0  }
0x24: {  	s3 =	sadd.s32 $0x88, s3;
	s6 =	simm.s32 @!p1 $0x1082;
	[sflag:s4] =	ssyncset.s32 $0xFFFFF086  }
0x25: {  	[simem:s6], [sflag:s4] =	dma.local [hbm:s3], $0xF7A  }
0x26: {  	[smem:$0x3F97] =	sst s1;
	(tag) =	ssettag s2;
	_ =	strace s9  }
0x27: {  	s1 =	sld [smem:$0x3FA7]  }
0x28: {  	s2 =	sld [smem:$0x3FA8]  }
0x29: {  	s4 =	sld [smem:$0x3FAA]  }
0x2a: {  	p0 =	seq.s32 s5, $0x0;
	s5 =	sld [smem:$0x3FAB]  }
0x2b: {  	s6 =	sld [smem:$0x3FAC]  }
0x2c: {  	s7 =	sld [smem:$0x3FAD]  }
0x2d: {  	s3 =	simm.s32 $0x108;
	s8 =	sld [smem:$0x3FAE]  }
0x2e: {  	s3 =	simm.s32 @!p0 $0x1082;
	s9 =	sld [smem:$0x3FAF]  }
0x2f: {  	lr =	sadd.s32 s0, s3;
	s0 =	sld [smem:$0x3FA6]  }
0x30: {  	s3 =	sld [smem:$0x3FA9]  }
0x31: {  	[smem:$0x3FB2] =	sst s10  }
0x32: {  	s10 =	sld [smem:$0x3FB0];
	_ =	sdelay $0x3  }
0x33: {  	p0 =	seq.s32 s10, $0x1;
	s10 =	sld [smem:$0x3FB2];
	_ =	sdelay $0x3  }
0x34: {  	[smem:$0x3FB2] =	sst s10  }
0x35: {  	s10 =	sld [smem:$0x3FB1];
	_ =	sdelay $0x3  }
0x36: {  	p1 =	seq.s32 s10, $0x1;
	s10 =	sld [smem:$0x3FB2];
	_ =	sdelay $0x3  }
0x37: {  	[smem:$0x3FB2] =	sst s10  }
0x38: {  	s10 =	sld [smem:$0x3FB3]  }
0x39: {  	_ = 	snop;
	(pc) =	sbr.ind lr, $3  }
0x3a: {  	_ = 	snop  }
0x3b: {  	_ = 	snop  }
0x3c: {  	p2 =	seq.s32 s10, $0x1;
	s10 =	sld [smem:$0x3FB2]  }
0x3d: {  	_ =	shalt  }
0x3e: {  	_ =	shalt  }
0x3f: {  	_ =	shalt  }
0x40: {  	_ =	shalt  }
0x41: {  	_ =	shalt  }
0x42: {  	_ =	shalt  }
0x43: {  	_ =	shalt  }
0x44: {  	_ =	shalt  }
0x45: {  	_ =	shalt  }
0x46: {  	_ =	shalt  }
0x47: {  	_ =	shalt  }
0x48: {  	_ =	shalt  }
0x49: {  	_ =	shalt  }
0x4a: {  	_ =	shalt  }
0x4b: {  	_ =	shalt  }
0x4c: {  	_ =	shalt  }
0x4d: {  	_ =	shalt  }
0x4e: {  	_ =	shalt  }
0x4f: {  	_ =	shalt  }
0x50: {  	_ =	shalt  }
0x51: {  	_ =	shalt  }
0x52: {  	_ =	shalt  }
0x53: {  	_ =	shalt  }
0x54: {  	_ =	shalt  }
0x55: {  	_ =	shalt  }
0x56: {  	_ =	shalt  }
0x57: {  	_ =	shalt  }
0x58: {  	_ =	shalt  }
0x59: {  	_ =	shalt  }
0x5a: {  	_ =	shalt  }
0x5b: {  	_ =	shalt  }
0x5c: {  	_ =	shalt  }
0x5d: {  	_ =	shalt  }
0x5e: {  	_ =	shalt  }
0x5f: {  	_ =	shalt  }
0x60: {  	_ =	shalt  }
0x61: {  	_ =	shalt  }
0x62: {  	_ =	shalt  }
0x63: {  	_ =	shalt  }
0x64: {  	_ =	shalt  }
0x65: {  	_ =	shalt  }
0x66: {  	_ =	shalt  }
0x67: {  	_ =	shalt  }
0x68: {  	_ =	shalt  }
0x69: {  	_ =	shalt  }
0x6a: {  	_ =	shalt  }
0x6b: {  	_ =	shalt  }
0x6c: {  	_ =	shalt  }
0x6d: {  	_ =	shalt  }
0x6e: {  	_ =	shalt  }
0x6f: {  	_ =	shalt  }
0x70: {  	_ =	shalt  }
0x71: {  	_ =	shalt  }
0x72: {  	_ =	shalt  }
0x73: {  	_ =	shalt  }
0x74: {  	_ =	shalt  }
0x75: {  	_ =	shalt  }
0x76: {  	_ =	shalt  }
0x77: {  	_ =	shalt  }
0x78: {  	_ =	shalt  }
0x79: {  	_ =	shalt  }
0x7a: {  	_ =	shalt  }
0x7b: {  	_ =	shalt  }
0x7c: {  	_ =	shalt  }
0x7d: {  	_ =	shalt  }
0x7e: {  	_ =	shalt  }
0x7f: {  	_ =	shalt  }
0x80: {  	_ =	shalt  }
0x81: {  	_ =	shalt  }
0x82: {  	_ =	shalt  }
0x83: {  	_ =	shalt  }
0x84: {  	_ =	shalt  }
0x85: {  	_ =	shalt  }
0x86: {  	_ =	shalt  }
0x87: {  	_ =	shalt  }
.Lfunc_end0:
.L_simem_size_0:
called_computation_lowered:
.L_overlay_start_0:
0x88: {  	s2 =	sld [smem:$0x3FD9]  }
0x89: {  	s3 =	sld [smem:$0x3FFE];
	_ =	sdelay $0x1  }
0x8a: {  	s1 =	srdreg.scid  }
0x8b: {  	s0 =	sand.u32 $0x1, s1  }
0x8c: {  	s14 =	sshll.u32 s0, $0xA;
	s2 =	sadd.s32 s3, s2  }
0x8d: {  	s2 =	sadd.s32 s2, s14  }
0x8e: {  	[smem:$0x3FBE] =	sst s2  }
0x8f: {  	_ = 	snop  }
0x90: {  	s2 =	sld [smem:$0x3FD0];
	_ =	sdelay $0x2  }
0x91: {  	s15 =	simm.s32 $0xA;
	s4 =	simm.s32 $0x10  }
0x92: {  	[smem:s4], [sflag:s15] =	dma.local [hbm:s2], $0x1  }
0x93: {  	_ =	swait.eq [sflag:s15], $0x1  }
0x94: {  	[sflag:s15] =	ssyncset.done $0x0  }
0x95: {  	[sflag:s15] =	ssyncadd.s32 $0xFFFFFFFF  }
0x96: {  	s16 =	sld [smem:$0x10];
	(tm) =	ssettm $0x1  }
0x97: {  	s17 =	sld [smem:$0x3FFB];
	_ =	sdelay $0x3  }
0x98: {  	_ =	strace s17  }
0x99: {  	s3 =	sld [smem:$0x3FFC];
	_ =	sdelay $0x3  }
0x9a: {  	_ =	strace s3  }
0x9b: {  	s3 =	sld [smem:$0x3FFD];
	_ =	sdelay $0x3  }
0x9c: {  	_ =	strace s3  }
0x9d: {  	_ =	strace $0x8FFFFFFF  }
0x9e: {  	s18 =	sld [smem:$0x3FDB];
	_ =	sdelay $0x1  }
0x9f: {  	s19 =	simm.s32 $_scs_section_size  }
0xa0: {  	s5 =	simm.s32 $_size__tile_overlayer_lowered;
	s6 =	simm.s32 $_tile_overlayer_lowered  }
0xa1: {  	s22 =	simm.s32 $0x1BFF;
	s21 =	sshll.u32 s6, $0x1;
	s3 =	sadd.s32 s19, s18  }
0xa2: {  	s7 =	simm.s32 $0x0;
	s20 =	sshll.u32 s5, $0x1;
	s5 =	sadd.s32 s21, s3  }
0xa3: {  	[timem:s7], [sflag:s22] =	dma.local [hbm:s5], s20  }
0xa4: {  	_ =	swait.ge [sflag:s22], s20  }
0xa5: {  	s4 =	ssub.s32 $0x0, s20;
	[sflag:s22] =	ssyncset.done $0x0  }
0xa6: {  	[sflag:s22] =	ssyncadd.s32 s4;
	_ =	sdelay $0x1  }
0xa7: {  	s23 =	simm.s32 $0x1B8B  }
0xa8: {  	_ =	swait.ge [sflag:s23], $0x1  }
0xa9: {  	[sflag:s23] =	ssyncset.done $0x0  }
0xaa: {  	s25 =	simm.s32 $0x1B8E;
	s24 =	sld [smem:$0x3FFE];
	[sflag:s23] =	ssyncadd.s32 $0xFFFFFFFF  }
0xab: {  	s26 =	simm.s32 $execute0_lowered;
	[smem:$0x3FD2] =	sst s25  }
0xac: {  	s5 =	sshll.u32 s26, $0x1;
	_ =	strace $0x80000046;
	[dreg:$0x1] =	wrdreg $0xFFFFFFFF  }
0xad: {  	s28 =	simm.s32 $_size_execute0_lowered;
	s3 =	sadd.s32 s3, s5;
	[dreg:$0x0] =	wrdreg $0x0  }
0xae: {  	s5 =	sshll.u32 s28, $0x1;
	[dreg:$0x2] =	wrdreg s3  }
0xaf: {  	[dreg:$0x3] =	wrdreg s5  }
0xb0: {  	[dreg:$0x4] =	wrdreg $0xC0  }
0xb1: {  	_ =	task [dreg:s7], $0x5FFFF  }
0xb2: {  	[dreg:$0x1] =	wrdreg $0xFFFFFFFF  }
0xb3: {  	[dreg:$0x0] =	wrdreg $0x60  }
0xb4: {  	[dreg:$0x2] =	wrdreg s24  }
0xb5: {  	[dreg:$0x3] =	wrdreg s16  }
0xb6: {  	[dreg:$0x4] =	wrdreg $0x54000  }
0xb7: {  	[dreg:$0x5] =	wrdreg $0x9  }
0xb8: {  	_ =	task.clear_ibuf [dreg:s7], $0x6FFFF;
	_ =	strace $0x90000046  }
0xb9: {  	s29 =	simm.s32 $0x9;
	_ =	strace $0x80000048  }
0xba: {  	_ =	swait.ge [sflag:s29], $0x1  }
0xbb: {  	[sflag:s29] =	ssyncadd.s32 $0xFFFFFFFF  }
0xbc: {  	_ =	strace $0x90000048  }
0xbd: {  	_ =	sfence  }
0xbe: {  	s30 =	sld [smem:$0x0];
	_ =	sdelay $0x2  }
0xbf: {  	s31 =	sshll.u32 s1, $0xD;
	s1 =	sshrl.u32 s1, $0x2  }
0xc0: {  	s3 =	sand.u32 $0x4000, s31;
	s1 =	sadd.s32 s1, s30  }
0xc1: {  	s0 =	sor.u32 s3, s0;
	s1 =	sshll.u32 s1, $0x11  }
0xc2: {  	s0 =	sor.u32 s1, s0  }
0xc3: {  	s0 =	sadd.s32 $0x8F2B, s0  }
0xc4: {  	[sflag:s0] =	ssyncadd.remote.s32 $0x1  }
0xc5: {  	_ =	sfence.sel $0xFFFF  }
0xc6: {  	[dreg:$0x0] =	wrdreg $0xFFFFFFFF;
	(pc) =	sbr.abs _section_cstart, $3  }
0xc7: {  	[dreg:$0x1] =	wrdreg $0xFFFFFFFF  }
0xc8: {  	_ =	task.clear_ibuf [dreg:s7], $0x2FFFF;
	_ =	strace $0x9FFFFFFF  }
0xc9: {  	(tm) =	ssettm $0x7FFFFFFF  }
tec
execute0_lowered:
.L_overlay_start_1:
0x0: {  	(tag) =	ssettag $0x1  }
0x1: {  	s6 =	rddreg [dreg:$0x0]  }
0x2: {  	s2 =	rddreg [dreg:$0x1]  }
0x3: {  	s0 =	srdreg.scid;
	s3 =	rddreg [dreg:$0x2];
	s4 =	simm.s32 $0x0  }
0x4: {  	s13 =	simm.s32 $0x80;
	s5 =	sand.u32 $0x1, s0;
	s0 =	stileid.u32  }
0x5: {  	s14 =	simm.s32 $0x0;
	[smem:$0x7FF] =	sst s4;
	s8 =	smul.u32 $0x14000, s0  }
0x6: {  	s1 =	sshll.u32 s5, $0x4;
	s9 =	smul.u32 $0x140000, s5;
	s5 =	ssub.s32 $0x2, s5  }
0x7: {  	s29 =	smul.u32 $0x50000, s0;
	s31 =	sshll.u32 s0, $0x6;
	s1 =	sor.u32 s0, s1  }
0x8: {  	s11 =	sshrl.u32 s5, $0x1;
	s7 =	smul.u32 $0x280, s1;
	s1 =	rddreg [dreg:$0x3]  }
0x9: {  	_ =	strace $0x80000047;
	s10 =	sshrl.u32 s8, $0x3;
	s8 =	sadd.s32 s8, s9  }
0xa: {  	s11 =	ssub.s32 s5, s11;
	s30 =	sshrl.u32 s29, $0x2;
	s10 =	sadd.s32 s10, s6  }
0xb: {  	s8 =	sshrl.u32 s8, $0x3;
	s12 =	sadd.s32 s30, s3;
	s9 =	smax.u32 s11, $0x1  }
0xc: {  	s11 =	simm.s32 $0x1;
	s7 =	sadd.s32 s7, s6;
	s8 =	sadd.s32 s8, s6  }
0xd: {  	s5 =	sadd.s32 $0xE400, s10;
	s6 =	sor.u32 $0x1C01, s31;
	s10 =	sshrl.u32 s12, $0x3  }
0xe: {  	s12 =	simm.s32 $0x1400;
	s7 =	sadd.s32 $0x4400, s7;
	s8 =	sadd.s32 $0x36400, s8  }
.LBB2_1:
0xf: {  	[spmem:s10], [sflag:s6] =	dma.local [hbm:s5], $0x2800  }
0x10: {  	_ =	swait.ge [sflag:s11], $0x2800  }
0x11: {  	[sflag:s11] =	ssyncset.done $0x0  }
0x12: {  	[sflag:s11] =	ssyncadd.s32 $0xFFFFD800  }
0x13: {  	[tilespmem:s12], [sflag:$0x1] =	stream.linear.gather [hbm4b:s2+s4], $0x4000, $0x38;
	[tilespmem:$0x19400] =	vst v63  }
0x14: {  	_ =	swait.ge [sflag:s11], $0x4000  }
0x15: {  	[sflag:s11] =	ssyncset.done $0x0  }
0x16: {  	[sflag:s11] =	ssyncadd.s32 $0xFFFFC000  }
0x17: {  	[tilespmem:s4], [sflag:$0x1] =	stream.linear.gather [hbm4b:s7+s4], $0x1400, $0x38;
	[tilespmem:$0x19400] =	vst v63  }
0x18: {  	_ =	swait.ge [sflag:s11], $0x1400  }
0x19: {  	[sflag:s11] =	ssyncset.done $0x0  }
0x1a: {  	[sflag:s11] =	ssyncadd.s32 $0xFFFFEC00  }
0x1b: {  	s15 =	simm.s32 $0x0;
	[bflag:$0x0] =	sbarrier.arrive $0xFFFF  }
0x1c: {  	[spmem:s3] =	stream.indirect.scatter.add.f32 [tilespmem:s12], [sflag:$0x1], $0x80, s15, s13, $0xb8;
	[tilespmem:$0x19400] =	vst v63  }
0x1d: {  	_ =	swait.ge [sflag:s11], $0x4000  }
0x1e: {  	s15 =	simm.s32 $0x200;
	[sflag:s11] =	ssyncset.done $0x0  }
.LBB2_2:
0x1f: {  	s16 =	sshra.s32 s15, $0x2;
	[sflag:s11] =	ssyncadd.s32 $0xFFFFC000;
	p0 =	sne.s32 s15, $0x4E00  }
0x20: {  	[spmem:s3] =	stream.indirect.scatter.add.f32 [tilespmem:s12], [sflag:$0x1], $0x80, s16, s13, $0xb8;
	[tilespmem:$0x19400] =	vst v63  }
.Ltmp0:
0x21: {  	_ = 	snop;
	(pc) =	sbr.rel @p0 .LBB2_2-.Ltmp0, $4  }
0x22: {  	_ = 	snop  }
0x23: {  	s15 =	sadd.s32 $0x200, s15  }
0x24: {  	_ =	swait.ge [sflag:s11], $0x4000  }
0x25: {  	[sflag:s11] =	ssyncset.done $0x0  }
0x26: {  	s14 =	sadd.s32 $0x1, s14  }
0x27: {  	[sflag:s11] =	ssyncadd.s32 $0xFFFFC000;
	p0 =	sne.s32 s14, s9  }
.Ltmp1:
0x28: {  	[bflag:$0x0] =	sbarrier.arrive $0xFFFF;
	(pc) =	sbr.rel @p0 .LBB2_1-.Ltmp1, $4  }
0x29: {  	[hbm:s8], [sflag:s6] =	dma.local [spmem:s10], $0x2800  }
0x2a: {  	_ =	swait.ge [sflag:s11], $0x2800  }
0x2b: {  	[sflag:s11] =	ssyncset.done $0x0  }
0x2c: {  	[sflag:s11] =	ssyncadd.s32 $0xFFFFD800  }
0x2d: {  	_ =	sfence.sel $0x180000  }
0x2e: {  	[bflag:$0x0] =	sbarrier.arrive $0xFFFF  }
0x2f: {  	p0 =	sne.s32 s0, $0x0;
	_ =	strace $0x90000047  }
0x30: {  	s0 =	sadd.s32 @!p0 $0x100000, s1;
	[bflag:$0x2] =	sbarrier.arrive $0xFFFF  }
0x31: {  	[sflag:s0] =	ssyncadd.tile.s32 @!p0 $0x1;
	_ =	shalt  }
.Lfunc_end2:
_tile_overlayer_lowered:
.L_overlay_start_2:
0x32: {  	(tag) =	ssettag $0x2  }
0x33: {  	s0 =	rddreg [dreg:$0x0];
	s2 =	stileid.u32  }
0x34: {  	s1 =	rddreg [dreg:$0x1];
	p0 =	sne.s32 s2, $0x0  }
0x35: {  	s3 =	rddreg [dreg:$0x2];
	[bflag:$0x3] =	sbarrier.arrive $0xFFFF;
	s2 =	simm.s32 @!p0 $0x1C01  }
0x36: {  	[timem:s3], [sflag:s2] =	dma.local @!p0 [hbm:s0], s1  }
0x37: {  	s0 =	simm.s32 @!p0 $0x1  }
0x38: {  	_ =	swait.ge @!p0 [sflag:s0], s1  }
0x39: {  	s1 =	ssub.s32 @!p0 $0x0, s1;
	[sflag:s0] =	ssyncset.done @!p0 $0x0  }
0x3a: {  	[sflag:s0] =	ssyncadd.s32 @!p0 s1  }
0x3b: {  	[bflag:$0x3] =	sbarrier.arrive $0xFFFF  }
0x3c: {  	_ =	shalt  }

// kernel: session_gather.3.cloned.1.call-start
scs
__scs_entry_jumppad:
0x0: {  	(pc) =	sbr.rel $0x88, $3  }
0x1: {  	(tag) =	ssettag $0x0;
	lr =	simm.s32 $0x1  }
0x2: {  	[smem:$0x3F97] =	sst lr;
	_ =	strace $0xD0000000  }
0x3: {  	_ = 	snop  }
0x4: {  	_ = 	snop  }
0x5: {  	_ = 	snop  }
0x6: {  	_ = 	snop  }
0x7: {  	_ = 	snop  }
__scs_overlays_trampoline_lowered:
0x8: {  	[smem:$0x3FA6] =	sst s0  }
0x9: {  	[smem:$0x3FA7] =	sst s1  }
0xa: {  	[smem:$0x3FA8] =	sst s2  }
0xb: {  	[smem:$0x3FA9] =	sst s3  }
0xc: {  	[smem:$0x3FAA] =	sst s4  }
0xd: {  	[smem:$0x3FAB] =	sst s5  }
0xe: {  	[smem:$0x3FAC] =	sst s6  }
0xf: {  	[smem:$0x3FAD] =	sst s7  }
0x10: {  	[smem:$0x3FAE] =	sst s8  }
0x11: {  	[smem:$0x3FAF] =	sst s9;
	s0 =	simm.s32 @!p0 $0x0  }
0x12: {  	s1 =	sld [smem:$0x3F95];
	s0 =	simm.s32 @p0 $0x1  }
0x13: {  	[smem:$0x3FB0] =	sst s0;
	s0 =	simm.s32 @!p1 $0x0  }
0x14: {  	s2 =	sld [smem:$0x3F94];
	s0 =	simm.s32 @p1 $0x1  }
0x15: {  	[smem:$0x3FB1] =	sst s0;
	s0 =	simm.s32 @!p2 $0x0  }
0x16: {  	s3 =	sld [smem:$0x3FDB];
	s0 =	simm.s32 @p2 $0x1  }
0x17: {  	s4 =	simm.s32 $0x1BF5;
	[smem:$0x3FB3] =	sst s0  }
0x18: {  	s0 =	sld [smem:$0x3F96];
	_ =	swait.ge [sflag:s4], $0x0  }
0x19: {  	s7 =	sld [smem:$0x3F97]  }
0x1a: {  	s8 =	sadd.s32 $0xFFFFE003, lr  }
0x1b: {  	s9 =	sadd.s32 $0xFFFFFEF7, lr;
	s5 =	simm.s32 $0xFFFFFFFF;
	p2 =	slt.u32 s8, $0xFFFFF086  }
0x1c: {  	p1 =	slt.u32 s9, $0xF7A;
	s5 =	simm.s32 @!p2 $0x0  }
0x1d: {  	s5 =	simm.s32 @p1 $0x1;
	p0 =	seq.s32 s7, s2  }
0x1e: {  	s7 =	smul.u32 @!p0 $0xF7A, s2;
	p2 =	seq.s32 @!p0 s5, $0x0  }
0x1f: {  	s9 =	smul.u32 $0xF7A, s1;
	s8 =	simm.s32 @!p0 $0x1BF5;
	p2 =	por !p2, p0  }
0x20: {  	[sflag:s8] =	ssyncset.s32 @!p0 $0xFFFFF086;
	s6 =	sadd.s32 @!p0 s3, s7;
	s7 =	simm.s32 @!p0 $0x108  }
0x21: {  	s3 =	sadd.s32 s3, s9;
	s6 =	sadd.s32 @!p0 $0x88, s6;
	s7 =	simm.s32 @p2 $0x1082  }
0x22: {  	[simem:s7], [sflag:s8] =	dma.local @!p0 [hbm:s6], $0xF7A  }
0x23: {  	s9 =	sor.u32 $0xD0000000, s2;
	s6 =	simm.s32 $0x108;
	_ =	swait.ge @!p0 [sflag:s8], $0x0  }
0x24: {  	s3 =	sadd.s32 $0x88, s3;
	s6 =	simm.s32 @!p1 $0x1082;
	[sflag:s4] =	ssyncset.s32 $0xFFFFF086  }
0x25: {  	[simem:s6], [sflag:s4] =	dma.local [hbm:s3], $0xF7A  }
0x26: {  	[smem:$0x3F97] =	sst s1;
	(tag) =	ssettag s2;
	_ =	strace s9  }
0x27: {  	s1 =	sld [smem:$0x3FA7]  }
0x28: {  	s2 =	sld [smem:$0x3FA8]  }
0x29: {  	s4 =	sld [smem:$0x3FAA]  }
0x2a: {  	p0 =	seq.s32 s5, $0x0;
	s5 =	sld [smem:$0x3FAB]  }
0x2b: {  	s6 =	sld [smem:$0x3FAC]  }
0x2c: {  	s7 =	sld [smem:$0x3FAD]  }
0x2d: {  	s3 =	simm.s32 $0x108;
	s8 =	sld [smem:$0x3FAE]  }
0x2e: {  	s3 =	simm.s32 @!p0 $0x1082;
	s9 =	sld [smem:$0x3FAF]  }
0x2f: {  	lr =	sadd.s32 s0, s3;
	s0 =	sld [smem:$0x3FA6]  }
0x30: {  	s3 =	sld [smem:$0x3FA9]  }
0x31: {  	[smem:$0x3FB2] =	sst s10  }
0x32: {  	s10 =	sld [smem:$0x3FB0];
	_ =	sdelay $0x3  }
0x33: {  	p0 =	seq.s32 s10, $0x1;
	s10 =	sld [smem:$0x3FB2];
	_ =	sdelay $0x3  }
0x34: {  	[smem:$0x3FB2] =	sst s10  }
0x35: {  	s10 =	sld [smem:$0x3FB1];
	_ =	sdelay $0x3  }
0x36: {  	p1 =	seq.s32 s10, $0x1;
	s10 =	sld [smem:$0x3FB2];
	_ =	sdelay $0x3  }
0x37: {  	[smem:$0x3FB2] =	sst s10  }
0x38: {  	s10 =	sld [smem:$0x3FB3]  }
0x39: {  	_ = 	snop;
	(pc) =	sbr.ind lr, $3  }
0x3a: {  	_ = 	snop  }
0x3b: {  	_ = 	snop  }
0x3c: {  	p2 =	seq.s32 s10, $0x1;
	s10 =	sld [smem:$0x3FB2]  }
0x3d: {  	_ =	shalt  }
0x3e: {  	_ =	shalt  }
0x3f: {  	_ =	shalt  }
0x40: {  	_ =	shalt  }
0x41: {  	_ =	shalt  }
0x42: {  	_ =	shalt  }
0x43: {  	_ =	shalt  }
0x44: {  	_ =	shalt  }
0x45: {  	_ =	shalt  }
0x46: {  	_ =	shalt  }
0x47: {  	_ =	shalt  }
0x48: {  	_ =	shalt  }
0x49: {  	_ =	shalt  }
0x4a: {  	_ =	shalt  }
0x4b: {  	_ =	shalt  }
0x4c: {  	_ =	shalt  }
0x4d: {  	_ =	shalt  }
0x4e: {  	_ =	shalt  }
0x4f: {  	_ =	shalt  }
0x50: {  	_ =	shalt  }
0x51: {  	_ =	shalt  }
0x52: {  	_ =	shalt  }
0x53: {  	_ =	shalt  }
0x54: {  	_ =	shalt  }
0x55: {  	_ =	shalt  }
0x56: {  	_ =	shalt  }
0x57: {  	_ =	shalt  }
0x58: {  	_ =	shalt  }
0x59: {  	_ =	shalt  }
0x5a: {  	_ =	shalt  }
0x5b: {  	_ =	shalt  }
0x5c: {  	_ =	shalt  }
0x5d: {  	_ =	shalt  }
0x5e: {  	_ =	shalt  }
0x5f: {  	_ =	shalt  }
0x60: {  	_ =	shalt  }
0x61: {  	_ =	shalt  }
0x62: {  	_ =	shalt  }
0x63: {  	_ =	shalt  }
0x64: {  	_ =	shalt  }
0x65: {  	_ =	shalt  }
0x66: {  	_ =	shalt  }
0x67: {  	_ =	shalt  }
0x68: {  	_ =	shalt  }
0x69: {  	_ =	shalt  }
0x6a: {  	_ =	shalt  }
0x6b: {  	_ =	shalt  }
0x6c: {  	_ =	shalt  }
0x6d: {  	_ =	shalt  }
0x6e: {  	_ =	shalt  }
0x6f: {  	_ =	shalt  }
0x70: {  	_ =	shalt  }
0x71: {  	_ =	shalt  }
0x72: {  	_ =	shalt  }
0x73: {  	_ =	shalt  }
0x74: {  	_ =	shalt  }
0x75: {  	_ =	shalt  }
0x76: {  	_ =	shalt  }
0x77: {  	_ =	shalt  }
0x78: {  	_ =	shalt  }
0x79: {  	_ =	shalt  }
0x7a: {  	_ =	shalt  }
0x7b: {  	_ =	shalt  }
0x7c: {  	_ =	shalt  }
0x7d: {  	_ =	shalt  }
0x7e: {  	_ =	shalt  }
0x7f: {  	_ =	shalt  }
0x80: {  	_ =	shalt  }
0x81: {  	_ =	shalt  }
0x82: {  	_ =	shalt  }
0x83: {  	_ =	shalt  }
0x84: {  	_ =	shalt  }
0x85: {  	_ =	shalt  }
0x86: {  	_ =	shalt  }
0x87: {  	_ =	shalt  }
.Lfunc_end0:
.L_simem_size_0:
called_computation.2_lowered:
.L_overlay_start_0:
0x88: {  	s2 =	sld [smem:$0x3FD9]  }
0x89: {  	s3 =	sld [smem:$0x3FFE];
	_ =	sdelay $0x1  }
0x8a: {  	s1 =	srdreg.scid  }
0x8b: {  	s0 =	sand.u32 $0x1, s1  }
0x8c: {  	s16 =	sshll.u32 s0, $0xA;
	s2 =	sadd.s32 s3, s2  }
0x8d: {  	s2 =	sadd.s32 s2, s16  }
0x8e: {  	[smem:$0x3FBE] =	sst s2  }
0x8f: {  	_ = 	snop  }
0x90: {  	(tm) =	ssettm $0x1  }
0x91: {  	s17 =	sld [smem:$0x3FFB];
	_ =	sdelay $0x3  }
0x92: {  	_ =	strace s17  }
0x93: {  	s2 =	sld [smem:$0x3FFC];
	_ =	sdelay $0x3  }
0x94: {  	_ =	strace s2  }
0x95: {  	s2 =	sld [smem:$0x3FFD];
	_ =	sdelay $0x3  }
0x96: {  	_ =	strace s2  }
0x97: {  	_ =	strace $0x8FFFFFFF  }
0x98: {  	s18 =	sld [smem:$0x3FDB];
	_ =	sdelay $0x1  }
0x99: {  	s19 =	simm.s32 $_scs_section_size  }
0x9a: {  	s4 =	simm.s32 $_size__tile_overlayer_lowered;
	s5 =	simm.s32 $_tile_overlayer_lowered  }
0x9b: {  	s22 =	simm.s32 $0x1BFF;
	s21 =	sshll.u32 s5, $0x1;
	s2 =	sadd.s32 s19, s18  }
0x9c: {  	s6 =	simm.s32 $0x0;
	s20 =	sshll.u32 s4, $0x1;
	s4 =	sadd.s32 s21, s2  }
0x9d: {  	[timem:s6], [sflag:s22] =	dma.local [hbm:s4], s20  }
0x9e: {  	_ =	swait.ge [sflag:s22], s20  }
0x9f: {  	s3 =	ssub.s32 $0x0, s20;
	[sflag:s22] =	ssyncset.done $0x0  }
0xa0: {  	[sflag:s22] =	ssyncadd.s32 s3;
	_ =	sdelay $0x1  }
0xa1: {  	s23 =	simm.s32 $0x1B8B  }
0xa2: {  	_ =	swait.ge [sflag:s23], $0x1  }
0xa3: {  	[sflag:s23] =	ssyncset.done $0x0  }
0xa4: {  	s25 =	simm.s32 $0x1B8E;
	s24 =	sld [smem:$0x3FFE];
	[sflag:s23] =	ssyncadd.s32 $0xFFFFFFFF  }
0xa5: {  	s26 =	simm.s32 $execute0_lowered;
	[smem:$0x3FD2] =	sst s25  }
0xa6: {  	s4 =	sshll.u32 s26, $0x1;
	_ =	strace $0x8000004C;
	[dreg:$0x1] =	wrdreg $0xFFFFFFFF  }
0xa7: {  	s28 =	simm.s32 $_size_execute0_lowered;
	s2 =	sadd.s32 s2, s4;
	[dreg:$0x0] =	wrdreg $0x0  }
0xa8: {  	s4 =	sshll.u32 s28, $0x1;
	[dreg:$0x2] =	wrdreg s2  }
0xa9: {  	[dreg:$0x3] =	wrdreg s4  }
0xaa: {  	[dreg:$0x4] =	wrdreg $0xC0  }
0xab: {  	_ =	task [dreg:s6], $0x5FFFF  }
0xac: {  	[dreg:$0x1] =	wrdreg $0xFFFFFFFF  }
0xad: {  	[dreg:$0x0] =	wrdreg $0x60  }
0xae: {  	[dreg:$0x2] =	wrdreg s24  }
0xaf: {  	[dreg:$0x3] =	wrdreg $0x9  }
0xb0: {  	_ =	task.clear_ibuf [dreg:s6], $0x4FFFF;
	_ =	strace $0x9000004C  }
0xb1: {  	s29 =	simm.s32 $0x9;
	_ =	strace $0x8000004E  }
0xb2: {  	_ =	swait.ge [sflag:s29], $0x1  }
0xb3: {  	[sflag:s29] =	ssyncadd.s32 $0xFFFFFFFF  }
0xb4: {  	_ =	strace $0x9000004E  }
0xb5: {  	_ =	sfence  }
0xb6: {  	s30 =	sld [smem:$0x0];
	_ =	sdelay $0x2  }
0xb7: {  	s31 =	sshll.u32 s1, $0xD;
	s1 =	sshrl.u32 s1, $0x2  }
0xb8: {  	s3 =	sand.u32 $0x4000, s31;
	s1 =	sadd.s32 s1, s30  }
0xb9: {  	s0 =	sor.u32 s3, s0;
	s1 =	sshll.u32 s1, $0x11  }
0xba: {  	s0 =	sor.u32 s1, s0  }
0xbb: {  	s0 =	sadd.s32 $0x8F2B, s0  }
0xbc: {  	[sflag:s0] =	ssyncadd.remote.s32 $0x1  }
0xbd: {  	_ =	sfence.sel $0xFFFF  }
0xbe: {  	[dreg:$0x0] =	wrdreg $0xFFFFFFFF;
	(pc) =	sbr.abs _section_cstart, $3  }
0xbf: {  	[dreg:$0x1] =	wrdreg $0xFFFFFFFF  }
0xc0: {  	_ =	task.clear_ibuf [dreg:s6], $0x2FFFF;
	_ =	strace $0x9FFFFFFF  }
0xc1: {  	(tm) =	ssettm $0x7FFFFFFF  }
tec
execute0_lowered:
.L_overlay_start_1:
0x0: {  	(tag) =	ssettag $0x1  }
0x1: {  	s4 =	rddreg [dreg:$0x0]  }
0x2: {  	s0 =	rddreg [dreg:$0x1]  }
0x3: {  	s2 =	simm.s32 $0x0;
	s1 =	stileid.u32;
	s3 =	srdreg.scid  }
0x4: {  	s12 =	simm.s32 $0x400;
	s13 =	simm.s32 $0xC00;
	s14 =	simm.s32 $0x1400  }
0x5: {  	s15 =	simm.s32 $0x1C00;
	s16 =	simm.s32 $0x2400;
	s17 =	simm.s32 $0x2C00  }
0x6: {  	s18 =	simm.s32 $0x3400;
	s19 =	simm.s32 $0x3C00;
	s20 =	simm.s32 $0x4400  }
0x7: {  	s21 =	simm.s32 $0x4C00;
	s22 =	simm.s32 $0x5400;
	s23 =	simm.s32 $0x5C00  }
0x8: {  	s24 =	simm.s32 $0x6400;
	s25 =	simm.s32 $0x6C00;
	s28 =	simm.s32 $0x7C00  }
0x9: {  	s29 =	simm.s32 $0x1;
	[smem:$0x7FF] =	sst s2;
	s5 =	sshll.u32 s1, $0x7  }
0xa: {  	s6 =	sand.u32 $0x1, s3;
	s7 =	smul.u32 $0x5, s1;
	s3 =	sadd.s32 $0x289C00, s4  }
0xb: {  	s9 =	sadd.s32 $0x85800, s4;
	_ =	strace $0x8000004D;
	s5 =	sadd.s32 s5, s4  }
0xc: {  	s8 =	ssub.s32 $0x2, s6;
	p0 =	seq.s32 s6, $0x0;
	s6 =	sshll.u32 s6, $0xB  }
0xd: {  	s26 =	sshrl.u32 s8, $0x1;
	s7 =	sadd.s32 $0x10, s7;
	s30 =	sadd.s32 s6, s5  }
.Ltmp0:
0xe: {  	s10 =	sshll.u32 s7, $0xC;
	s7 =	smov.u32 @p0 s1;
	(pc) =	sbr.rel .LBB2_1-.Ltmp0, $4  }
0xf: {  	s11 =	ssub.s32 s8, s26;
	s4 =	sadd.s32 $0x84800, s30;
	s31 =	sshll.u32 s7, $0xC  }
0x10: {  	v2 =	vlaneseq.u32;
	s26 =	simm.s32 $0x7400;
	s10 =	sadd.s32 s9, s10;
	s5 =	sadd.s32 s9, s31  }
0x11: {  	vm0 =	vmmov $0xffff;
	v1 =	vshrl.u32 v2, $0x3;
	s6 =	sadd.s32 $0x1000, s10;
	s7 =	sadd.s32 $0x2000, s10;
	s8 =	sadd.s32 $0x3000, s10  }
0x12: {  	v0 =	vand.u32 $0x7, v2;
	v2 =	vor.u32 $0x8, v2;
	v1 =	vmul.u32 $0x8, v1;
	s9 =	sadd.s32 $0x4000, s10;
	s10 =	smax.u32 s11, $0x1;
	s11 =	simm.s32 $0x2  }
.LBB2_3:
0x13: {  	s10 =	sadd.s32 $0xFFFFFFFF, s10  }
0x14: {  	p1 =	sne.s32 s10, $0x0  }
.Ltmp1:
0x15: {  	_ = 	snop;
	(pc) =	sbr.rel @!p1 .LBB2_4-.Ltmp1, $1  }
0x16: {  	_ =	sdelay $0x3  }
.LBB2_1:
0x17: {  	[tilespmem:s2], [sflag:$0x2] =	stream.linear.gather [hbm4b:s4+s2], $0x400, $0x38;
	[tilespmem:$0x8400] =	vst v63  }
0x18: {  	_ =	swait.ge [sflag:s11], $0x400  }
0x19: {  	[sflag:s11] =	ssyncset.done $0x0  }
0x1a: {  	[sflag:s11] =	ssyncadd.s32 $0xFFFFFC00  }
0x1b: {  	v3 =	vld [tilespmem:$0x0];
	_ =	sdelay $0x4  }
0x1c: {  	v4 =	vshll.u32 v3, $0x1  }
0x1d: {  	v3 =	vand.u32 $0x7, v3;
	v4 =	vand.u32 $0xFFFFFFF0, v4  }
0x1e: {  	v3 =	vor.u32 v3, v4  }
0x1f: {  	v4 =	vperm.xlane v3, v0;
	_ =	sdelay $0x1  }
0x20: {  	v3 =	vperm.xlane v3, v2;
	v4 =	vadd.s32 v1, v4;
	_ =	sdelay $0x1  }
0x21: {  	v3 =	vadd.s32 v1, v3;
	_ =	sdelay $0x2  }
0x22: {  	[tilespmem:s12], [sflag:$0x1] =	stream.indirect_vreg.gather [hbm4b:s3+s2], $0x80, v4, vm0, $0xb8;
	[tilespmem:$0x8400] =	vst v63  }
0x23: {  	_ = 	snop  }
0x24: {  	[tilespmem:s13], [sflag:$0x1] =	stream.indirect_vreg.gather [hbm4b:s3+s2], $0x80, v3, vm0, $0xb8;
	[tilespmem:$0x8400] =	vst v63  }
0x25: {  	v3 =	vld [tilespmem:$0x10];
	_ =	sdelay $0x4  }
0x26: {  	v57 =	vshll.u32 v3, $0x1  }
0x27: {  	v3 =	vand.u32 $0x7, v3;
	v4 =	vand.u32 $0xFFFFFFF0, v57  }
0x28: {  	v3 =	vor.u32 v3, v4  }
0x29: {  	v4 =	vperm.xlane v3, v0;
	_ =	sdelay $0x1  }
0x2a: {  	v3 =	vperm.xlane v3, v2;
	v4 =	vadd.s32 v1, v4;
	_ =	sdelay $0x1  }
0x2b: {  	v3 =	vadd.s32 v1, v3;
	_ =	sdelay $0x2  }
0x2c: {  	[tilespmem:s14], [sflag:$0x1] =	stream.indirect_vreg.gather [hbm4b:s3+s2], $0x80, v4, vm0, $0xb8;
	[tilespmem:$0x8400] =	vst v63  }
0x2d: {  	_ = 	snop  }
0x2e: {  	[tilespmem:s15], [sflag:$0x1] =	stream.indirect_vreg.gather [hbm4b:s3+s2], $0x80, v3, vm0, $0xb8;
	[tilespmem:$0x8400] =	vst v63  }
0x2f: {  	v3 =	vld [tilespmem:$0x20];
	_ =	sdelay $0x4  }
0x30: {  	v58 =	vshll.u32 v3, $0x1  }
0x31: {  	v3 =	vand.u32 $0x7, v3;
	v4 =	vand.u32 $0xFFFFFFF0, v58  }
0x32: {  	v3 =	vor.u32 v3, v4  }
0x33: {  	v4 =	vperm.xlane v3, v0;
	_ =	sdelay $0x1  }
0x34: {  	v3 =	vperm.xlane v3, v2;
	v4 =	vadd.s32 v1, v4;
	_ =	sdelay $0x1  }
0x35: {  	v3 =	vadd.s32 v1, v3;
	_ =	sdelay $0x2  }
0x36: {  	[tilespmem:s16], [sflag:$0x1] =	stream.indirect_vreg.gather [hbm4b:s3+s2], $0x80, v4, vm0, $0xb8;
	[tilespmem:$0x8400] =	vst v63  }
0x37: {  	_ = 	snop  }
0x38: {  	[tilespmem:s17], [sflag:$0x1] =	stream.indirect_vreg.gather [hbm4b:s3+s2], $0x80, v3, vm0, $0xb8;
	[tilespmem:$0x8400] =	vst v63  }
0x39: {  	v3 =	vld [tilespmem:$0x30];
	_ =	sdelay $0x4  }
0x3a: {  	v59 =	vshll.u32 v3, $0x1  }
0x3b: {  	v3 =	vand.u32 $0x7, v3;
	v4 =	vand.u32 $0xFFFFFFF0, v59  }
0x3c: {  	v3 =	vor.u32 v3, v4  }
0x3d: {  	v4 =	vperm.xlane v3, v0;
	_ =	sdelay $0x1  }
0x3e: {  	v3 =	vperm.xlane v3, v2;
	v4 =	vadd.s32 v1, v4;
	_ =	sdelay $0x1  }
0x3f: {  	v3 =	vadd.s32 v1, v3;
	_ =	sdelay $0x2  }
0x40: {  	[tilespmem:s18], [sflag:$0x1] =	stream.indirect_vreg.gather [hbm4b:s3+s2], $0x80, v4, vm0, $0xb8;
	[tilespmem:$0x8400] =	vst v63  }
0x41: {  	_ = 	snop  }
0x42: {  	[tilespmem:s19], [sflag:$0x1] =	stream.indirect_vreg.gather [hbm4b:s3+s2], $0x80, v3, vm0, $0xb8;
	[tilespmem:$0x8400] =	vst v63  }
0x43: {  	v3 =	vld [tilespmem:$0x40];
	_ =	sdelay $0x4  }
0x44: {  	v60 =	vshll.u32 v3, $0x1  }
0x45: {  	v3 =	vand.u32 $0x7, v3;
	v4 =	vand.u32 $0xFFFFFFF0, v60  }
0x46: {  	v3 =	vor.u32 v3, v4  }
0x47: {  	v4 =	vperm.xlane v3, v0;
	_ =	sdelay $0x1  }
0x48: {  	v3 =	vperm.xlane v3, v2;
	v4 =	vadd.s32 v1, v4;
	_ =	sdelay $0x1  }
0x49: {  	v3 =	vadd.s32 v1, v3;
	_ =	sdelay $0x2  }
0x4a: {  	[tilespmem:s20], [sflag:$0x1] =	stream.indirect_vreg.gather [hbm4b:s3+s2], $0x80, v4, vm0, $0xb8;
	[tilespmem:$0x8400] =	vst v63  }
0x4b: {  	_ = 	snop  }
0x4c: {  	[tilespmem:s21], [sflag:$0x1] =	stream.indirect_vreg.gather [hbm4b:s3+s2], $0x80, v3, vm0, $0xb8;
	[tilespmem:$0x8400] =	vst v63  }
0x4d: {  	v3 =	vld [tilespmem:$0x50];
	_ =	sdelay $0x4  }
0x4e: {  	v61 =	vshll.u32 v3, $0x1  }
0x4f: {  	v3 =	vand.u32 $0x7, v3;
	v4 =	vand.u32 $0xFFFFFFF0, v61  }
0x50: {  	v3 =	vor.u32 v3, v4  }
0x51: {  	v4 =	vperm.xlane v3, v0;
	_ =	sdelay $0x1  }
0x52: {  	v3 =	vperm.xlane v3, v2;
	v4 =	vadd.s32 v1, v4;
	_ =	sdelay $0x1  }
0x53: {  	v3 =	vadd.s32 v1, v3;
	_ =	sdelay $0x2  }
0x54: {  	[tilespmem:s22], [sflag:$0x1] =	stream.indirect_vreg.gather [hbm4b:s3+s2], $0x80, v4, vm0, $0xb8;
	[tilespmem:$0x8400] =	vst v63  }
0x55: {  	_ = 	snop  }
0x56: {  	[tilespmem:s23], [sflag:$0x1] =	stream.indirect_vreg.gather [hbm4b:s3+s2], $0x80, v3, vm0, $0xb8;
	[tilespmem:$0x8400] =	vst v63  }
0x57: {  	v3 =	vld [tilespmem:$0x60];
	_ =	sdelay $0x4  }
0x58: {  	v62 =	vshll.u32 v3, $0x1  }
0x59: {  	v3 =	vand.u32 $0x7, v3;
	v4 =	vand.u32 $0xFFFFFFF0, v62  }
0x5a: {  	v3 =	vor.u32 v3, v4  }
0x5b: {  	v4 =	vperm.xlane v3, v0;
	_ =	sdelay $0x1  }
0x5c: {  	v3 =	vperm.xlane v3, v2;
	v4 =	vadd.s32 v1, v4;
	_ =	sdelay $0x1  }
0x5d: {  	v3 =	vadd.s32 v1, v3;
	_ =	sdelay $0x2  }
0x5e: {  	[tilespmem:s24], [sflag:$0x1] =	stream.indirect_vreg.gather [hbm4b:s3+s2], $0x80, v4, vm0, $0xb8;
	[tilespmem:$0x8400] =	vst v63  }
0x5f: {  	_ = 	snop  }
0x60: {  	[tilespmem:s25], [sflag:$0x1] =	stream.indirect_vreg.gather [hbm4b:s3+s2], $0x80, v3, vm0, $0xb8;
	[tilespmem:$0x8400] =	vst v63  }
0x61: {  	v3 =	vld [tilespmem:$0x70];
	_ =	sdelay $0x4  }
0x62: {  	v63 =	vshll.u32 v3, $0x1  }
0x63: {  	v3 =	vand.u32 $0x7, v3;
	v4 =	vand.u32 $0xFFFFFFF0, v63  }
0x64: {  	v3 =	vor.u32 v3, v4  }
0x65: {  	v4 =	vperm.xlane v3, v0;
	_ =	sdelay $0x1  }
0x66: {  	v3 =	vperm.xlane v3, v2;
	v4 =	vadd.s32 v1, v4;
	_ =	sdelay $0x1  }
0x67: {  	v3 =	vadd.s32 v1, v3;
	_ =	sdelay $0x2  }
0x68: {  	[tilespmem:s26], [sflag:$0x1] =	stream.indirect_vreg.gather [hbm4b:s3+s2], $0x80, v4, vm0, $0xb8;
	[tilespmem:$0x8400] =	vst v63  }
0x69: {  	_ = 	snop  }
0x6a: {  	[tilespmem:s28], [sflag:$0x1] =	stream.indirect_vreg.gather [hbm4b:s3+s2], $0x80, v3, vm0, $0xb8;
	[tilespmem:$0x8400] =	vst v63  }
0x6b: {  	_ =	swait.ge [sflag:s29], $0x8000  }
0x6c: {  	[sflag:s29] =	ssyncset.done $0x0  }
.Ltmp2:
0x6d: {  	[sflag:s29] =	ssyncadd.s32 $0xFFFF8000;
	(pc) =	sbr.rel @p0 .LBB2_3-.Ltmp2, $4  }
0x6e: {  	[hbm4b:s5+s2] =	stream.linear.scatter [tilespmem:s12], [sflag:$0x2], $0x8000, $0x38;
	[tilespmem:$0x8400] =	vst v63  }
0x6f: {  	_ =	swait.ge [sflag:s11], $0x8000  }
0x70: {  	[sflag:s11] =	ssyncset.done $0x0  }
0x71: {  	[sflag:s11] =	ssyncadd.s32 $0xFFFF8000  }
0x72: {  	v3 =	vld [tilespmem:$0x80];
	_ =	sdelay $0x4  }
0x73: {  	v4 =	vshll.u32 v3, $0x1  }
0x74: {  	v3 =	vand.u32 $0x7, v3;
	v4 =	vand.u32 $0xFFFFFFF0, v4  }
0x75: {  	v3 =	vor.u32 v3, v4  }
0x76: {  	v4 =	vperm.xlane v3, v0;
	_ =	sdelay $0x1  }
0x77: {  	v3 =	vperm.xlane v3, v2;
	v4 =	vadd.s32 v1, v4;
	_ =	sdelay $0x1  }
0x78: {  	v3 =	vadd.s32 v1, v3;
	_ =	sdelay $0x2  }
0x79: {  	[tilespmem:s12], [sflag:$0x1] =	stream.indirect_vreg.gather [hbm4b:s3+s2], $0x80, v4, vm0, $0xb8;
	[tilespmem:$0x8400] =	vst v63  }
0x7a: {  	_ = 	snop  }
0x7b: {  	[tilespmem:s13], [sflag:$0x1] =	stream.indirect_vreg.gather [hbm4b:s3+s2], $0x80, v3, vm0, $0xb8;
	[tilespmem:$0x8400] =	vst v63  }
0x7c: {  	v3 =	vld [tilespmem:$0x90];
	_ =	sdelay $0x4  }
0x7d: {  	v33 =	vshll.u32 v3, $0x1  }
0x7e: {  	v3 =	vand.u32 $0x7, v3;
	v4 =	vand.u32 $0xFFFFFFF0, v33  }
0x7f: {  	v3 =	vor.u32 v3, v4  }
0x80: {  	v4 =	vperm.xlane v3, v0;
	_ =	sdelay $0x1  }
0x81: {  	v3 =	vperm.xlane v3, v2;
	v4 =	vadd.s32 v1, v4;
	_ =	sdelay $0x1  }
0x82: {  	v3 =	vadd.s32 v1, v3;
	_ =	sdelay $0x2  }
0x83: {  	[tilespmem:s14], [sflag:$0x1] =	stream.indirect_vreg.gather [hbm4b:s3+s2], $0x80, v4, vm0, $0xb8;
	[tilespmem:$0x8400] =	vst v63  }
0x84: {  	_ = 	snop  }
0x85: {  	[tilespmem:s15], [sflag:$0x1] =	stream.indirect_vreg.gather [hbm4b:s3+s2], $0x80, v3, vm0, $0xb8;
	[tilespmem:$0x8400] =	vst v63  }
0x86: {  	v3 =	vld [tilespmem:$0xA0];
	_ =	sdelay $0x4  }
0x87: {  	v34 =	vshll.u32 v3, $0x1  }
0x88: {  	v3 =	vand.u32 $0x7, v3;
	v4 =	vand.u32 $0xFFFFFFF0, v34  }
0x89: {  	v3 =	vor.u32 v3, v4  }
0x8a: {  	v4 =	vperm.xlane v3, v0;
	_ =	sdelay $0x1  }
0x8b: {  	v3 =	vperm.xlane v3, v2;
	v4 =	vadd.s32 v1, v4;
	_ =	sdelay $0x1  }
0x8c: {  	v3 =	vadd.s32 v1, v3;
	_ =	sdelay $0x2  }
0x8d: {  	[tilespmem:s16], [sflag:$0x1] =	stream.indirect_vreg.gather [hbm4b:s3+s2], $0x80, v4, vm0, $0xb8;
	[tilespmem:$0x8400] =	vst v63  }
0x8e: {  	_ = 	snop  }
0x8f: {  	[tilespmem:s17], [sflag:$0x1] =	stream.indirect_vreg.gather [hbm4b:s3+s2], $0x80, v3, vm0, $0xb8;
	[tilespmem:$0x8400] =	vst v63  }
0x90: {  	v3 =	vld [tilespmem:$0xB0];
	_ =	sdelay $0x4  }
0x91: {  	v35 =	vshll.u32 v3, $0x1  }
0x92: {  	v3 =	vand.u32 $0x7, v3;
	v4 =	vand.u32 $0xFFFFFFF0, v35  }
0x93: {  	v3 =	vor.u32 v3, v4  }
0x94: {  	v4 =	vperm.xlane v3, v0;
	_ =	sdelay $0x1  }
0x95: {  	v3 =	vperm.xlane v3, v2;
	v4 =	vadd.s32 v1, v4;
	_ =	sdelay $0x1  }
0x96: {  	v3 =	vadd.s32 v1, v3;
	_ =	sdelay $0x2  }
0x97: {  	[tilespmem:s18], [sflag:$0x1] =	stream.indirect_vreg.gather [hbm4b:s3+s2], $0x80, v4, vm0, $0xb8;
	[tilespmem:$0x8400] =	vst v63  }
0x98: {  	_ = 	snop  }
0x99: {  	[tilespmem:s19], [sflag:$0x1] =	stream.indirect_vreg.gather [hbm4b:s3+s2], $0x80, v3, vm0, $0xb8;
	[tilespmem:$0x8400] =	vst v63  }
0x9a: {  	v3 =	vld [tilespmem:$0xC0];
	_ =	sdelay $0x4  }
0x9b: {  	v36 =	vshll.u32 v3, $0x1  }
0x9c: {  	v3 =	vand.u32 $0x7, v3;
	v4 =	vand.u32 $0xFFFFFFF0, v36  }
0x9d: {  	v3 =	vor.u32 v3, v4  }
0x9e: {  	v4 =	vperm.xlane v3, v0;
	_ =	sdelay $0x1  }
0x9f: {  	v3 =	vperm.xlane v3, v2;
	v4 =	vadd.s32 v1, v4;
	_ =	sdelay $0x1  }
0xa0: {  	v3 =	vadd.s32 v1, v3;
	_ =	sdelay $0x2  }
0xa1: {  	[tilespmem:s20], [sflag:$0x1] =	stream.indirect_vreg.gather [hbm4b:s3+s2], $0x80, v4, vm0, $0xb8;
	[tilespmem:$0x8400] =	vst v63  }
0xa2: {  	_ = 	snop  }
0xa3: {  	[tilespmem:s21], [sflag:$0x1] =	stream.indirect_vreg.gather [hbm4b:s3+s2], $0x80, v3, vm0, $0xb8;
	[tilespmem:$0x8400] =	vst v63  }
0xa4: {  	v3 =	vld [tilespmem:$0xD0];
	_ =	sdelay $0x4  }
0xa5: {  	v37 =	vshll.u32 v3, $0x1  }
0xa6: {  	v3 =	vand.u32 $0x7, v3;
	v4 =	vand.u32 $0xFFFFFFF0, v37  }
0xa7: {  	v3 =	vor.u32 v3, v4  }
0xa8: {  	v4 =	vperm.xlane v3, v0;
	_ =	sdelay $0x1  }
0xa9: {  	v3 =	vperm.xlane v3, v2;
	v4 =	vadd.s32 v1, v4;
	_ =	sdelay $0x1  }
0xaa: {  	v3 =	vadd.s32 v1, v3;
	_ =	sdelay $0x2  }
0xab: {  	[tilespmem:s22], [sflag:$0x1] =	stream.indirect_vreg.gather [hbm4b:s3+s2], $0x80, v4, vm0, $0xb8;
	[tilespmem:$0x8400] =	vst v63  }
0xac: {  	_ = 	snop  }
0xad: {  	[tilespmem:s23], [sflag:$0x1] =	stream.indirect_vreg.gather [hbm4b:s3+s2], $0x80, v3, vm0, $0xb8;
	[tilespmem:$0x8400] =	vst v63  }
0xae: {  	v3 =	vld [tilespmem:$0xE0];
	_ =	sdelay $0x4  }
0xaf: {  	v38 =	vshll.u32 v3, $0x1  }
0xb0: {  	v3 =	vand.u32 $0x7, v3;
	v4 =	vand.u32 $0xFFFFFFF0, v38  }
0xb1: {  	v3 =	vor.u32 v3, v4  }
0xb2: {  	v4 =	vperm.xlane v3, v0;
	_ =	sdelay $0x1  }
0xb3: {  	v3 =	vperm.xlane v3, v2;
	v4 =	vadd.s32 v1, v4;
	_ =	sdelay $0x1  }
0xb4: {  	v3 =	vadd.s32 v1, v3;
	_ =	sdelay $0x2  }
0xb5: {  	[tilespmem:s24], [sflag:$0x1] =	stream.indirect_vreg.gather [hbm4b:s3+s2], $0x80, v4, vm0, $0xb8;
	[tilespmem:$0x8400] =	vst v63  }
0xb6: {  	_ = 	snop  }
0xb7: {  	[tilespmem:s25], [sflag:$0x1] =	stream.indirect_vreg.gather [hbm4b:s3+s2], $0x80, v3, vm0, $0xb8;
	[tilespmem:$0x8400] =	vst v63  }
0xb8: {  	v3 =	vld [tilespmem:$0xF0];
	_ =	sdelay $0x4  }
0xb9: {  	v39 =	vshll.u32 v3, $0x1  }
0xba: {  	v3 =	vand.u32 $0x7, v3;
	v4 =	vand.u32 $0xFFFFFFF0, v39  }
0xbb: {  	v3 =	vor.u32 v3, v4  }
0xbc: {  	v4 =	vperm.xlane v3, v0;
	_ =	sdelay $0x1  }
0xbd: {  	v3 =	vperm.xlane v3, v2;
	v4 =	vadd.s32 v1, v4;
	_ =	sdelay $0x1  }
0xbe: {  	v3 =	vadd.s32 v1, v3;
	_ =	sdelay $0x2  }
0xbf: {  	[tilespmem:s26], [sflag:$0x1] =	stream.indirect_vreg.gather [hbm4b:s3+s2], $0x80, v4, vm0, $0xb8;
	[tilespmem:$0x8400] =	vst v63  }
0xc0: {  	_ = 	snop  }
0xc1: {  	[tilespmem:s28], [sflag:$0x1] =	stream.indirect_vreg.gather [hbm4b:s3+s2], $0x80, v3, vm0, $0xb8;
	[tilespmem:$0x8400] =	vst v63  }
0xc2: {  	_ =	swait.ge [sflag:s29], $0x8000  }
0xc3: {  	[sflag:s29] =	ssyncset.done $0x0  }
0xc4: {  	[sflag:s29] =	ssyncadd.s32 $0xFFFF8000  }
0xc5: {  	[hbm4b:s6+s2] =	stream.linear.scatter [tilespmem:s12], [sflag:$0x2], $0x8000, $0x38;
	[tilespmem:$0x8400] =	vst v63  }
0xc6: {  	_ =	swait.ge [sflag:s11], $0x8000  }
0xc7: {  	[sflag:s11] =	ssyncset.done $0x0  }
0xc8: {  	[sflag:s11] =	ssyncadd.s32 $0xFFFF8000  }
0xc9: {  	v3 =	vld [tilespmem:$0x100];
	_ =	sdelay $0x4  }
0xca: {  	v40 =	vshll.u32 v3, $0x1  }
0xcb: {  	v3 =	vand.u32 $0x7, v3;
	v4 =	vand.u32 $0xFFFFFFF0, v40  }
0xcc: {  	v3 =	vor.u32 v3, v4  }
0xcd: {  	v4 =	vperm.xlane v3, v0;
	_ =	sdelay $0x1  }
0xce: {  	v3 =	vperm.xlane v3, v2;
	v4 =	vadd.s32 v1, v4;
	_ =	sdelay $0x1  }
0xcf: {  	v3 =	vadd.s32 v1, v3;
	_ =	sdelay $0x2  }
0xd0: {  	[tilespmem:s12], [sflag:$0x1] =	stream.indirect_vreg.gather [hbm4b:s3+s2], $0x80, v4, vm0, $0xb8;
	[tilespmem:$0x8400] =	vst v63  }
0xd1: {  	_ = 	snop  }
0xd2: {  	[tilespmem:s13], [sflag:$0x1] =	stream.indirect_vreg.gather [hbm4b:s3+s2], $0x80, v3, vm0, $0xb8;
	[tilespmem:$0x8400] =	vst v63  }
0xd3: {  	v3 =	vld [tilespmem:$0x110];
	_ =	sdelay $0x4  }
0xd4: {  	v41 =	vshll.u32 v3, $0x1  }
0xd5: {  	v3 =	vand.u32 $0x7, v3;
	v4 =	vand.u32 $0xFFFFFFF0, v41  }
0xd6: {  	v3 =	vor.u32 v3, v4  }
0xd7: {  	v4 =	vperm.xlane v3, v0;
	_ =	sdelay $0x1  }
0xd8: {  	v3 =	vperm.xlane v3, v2;
	v4 =	vadd.s32 v1, v4;
	_ =	sdelay $0x1  }
0xd9: {  	v3 =	vadd.s32 v1, v3;
	_ =	sdelay $0x2  }
0xda: {  	[tilespmem:s14], [sflag:$0x1] =	stream.indirect_vreg.gather [hbm4b:s3+s2], $0x80, v4, vm0, $0xb8;
	[tilespmem:$0x8400] =	vst v63  }
0xdb: {  	_ = 	snop  }
0xdc: {  	[tilespmem:s15], [sflag:$0x1] =	stream.indirect_vreg.gather [hbm4b:s3+s2], $0x80, v3, vm0, $0xb8;
	[tilespmem:$0x8400] =	vst v63  }
0xdd: {  	v3 =	vld [tilespmem:$0x120];
	_ =	sdelay $0x4  }
0xde: {  	v42 =	vshll.u32 v3, $0x1  }
0xdf: {  	v3 =	vand.u32 $0x7, v3;
	v4 =	vand.u32 $0xFFFFFFF0, v42  }
0xe0: {  	v3 =	vor.u32 v3, v4  }
0xe1: {  	v4 =	vperm.xlane v3, v0;
	_ =	sdelay $0x1  }
0xe2: {  	v3 =	vperm.xlane v3, v2;
	v4 =	vadd.s32 v1, v4;
	_ =	sdelay $0x1  }
0xe3: {  	v3 =	vadd.s32 v1, v3;
	_ =	sdelay $0x2  }
0xe4: {  	[tilespmem:s16], [sflag:$0x1] =	stream.indirect_vreg.gather [hbm4b:s3+s2], $0x80, v4, vm0, $0xb8;
	[tilespmem:$0x8400] =	vst v63  }
0xe5: {  	_ = 	snop  }
0xe6: {  	[tilespmem:s17], [sflag:$0x1] =	stream.indirect_vreg.gather [hbm4b:s3+s2], $0x80, v3, vm0, $0xb8;
	[tilespmem:$0x8400] =	vst v63  }
0xe7: {  	v3 =	vld [tilespmem:$0x130];
	_ =	sdelay $0x4  }
0xe8: {  	v43 =	vshll.u32 v3, $0x1  }
0xe9: {  	v3 =	vand.u32 $0x7, v3;
	v4 =	vand.u32 $0xFFFFFFF0, v43  }
0xea: {  	v3 =	vor.u32 v3, v4  }
0xeb: {  	v4 =	vperm.xlane v3, v0;
	_ =	sdelay $0x1  }
0xec: {  	v3 =	vperm.xlane v3, v2;
	v4 =	vadd.s32 v1, v4;
	_ =	sdelay $0x1  }
0xed: {  	v3 =	vadd.s32 v1, v3;
	_ =	sdelay $0x2  }
0xee: {  	[tilespmem:s18], [sflag:$0x1] =	stream.indirect_vreg.gather [hbm4b:s3+s2], $0x80, v4, vm0, $0xb8;
	[tilespmem:$0x8400] =	vst v63  }
0xef: {  	_ = 	snop  }
0xf0: {  	[tilespmem:s19], [sflag:$0x1] =	stream.indirect_vreg.gather [hbm4b:s3+s2], $0x80, v3, vm0, $0xb8;
	[tilespmem:$0x8400] =	vst v63  }
0xf1: {  	v3 =	vld [tilespmem:$0x140];
	_ =	sdelay $0x4  }
0xf2: {  	v44 =	vshll.u32 v3, $0x1  }
0xf3: {  	v3 =	vand.u32 $0x7, v3;
	v4 =	vand.u32 $0xFFFFFFF0, v44  }
0xf4: {  	v3 =	vor.u32 v3, v4  }
0xf5: {  	v4 =	vperm.xlane v3, v0;
	_ =	sdelay $0x1  }
0xf6: {  	v3 =	vperm.xlane v3, v2;
	v4 =	vadd.s32 v1, v4;
	_ =	sdelay $0x1  }
0xf7: {  	v3 =	vadd.s32 v1, v3;
	_ =	sdelay $0x2  }
0xf8: {  	[tilespmem:s20], [sflag:$0x1] =	stream.indirect_vreg.gather [hbm4b:s3+s2], $0x80, v4, vm0, $0xb8;
	[tilespmem:$0x8400] =	vst v63  }
0xf9: {  	_ = 	snop  }
0xfa: {  	[tilespmem:s21], [sflag:$0x1] =	stream.indirect_vreg.gather [hbm4b:s3+s2], $0x80, v3, vm0, $0xb8;
	[tilespmem:$0x8400] =	vst v63  }
0xfb: {  	v3 =	vld [tilespmem:$0x150];
	_ =	sdelay $0x4  }
0xfc: {  	v45 =	vshll.u32 v3, $0x1  }
0xfd: {  	v3 =	vand.u32 $0x7, v3;
	v4 =	vand.u32 $0xFFFFFFF0, v45  }
0xfe: {  	v3 =	vor.u32 v3, v4  }
0xff: {  	v4 =	vperm.xlane v3, v0;
	_ =	sdelay $0x1  }
0x100: {  	v3 =	vperm.xlane v3, v2;
	v4 =	vadd.s32 v1, v4;
	_ =	sdelay $0x1  }
0x101: {  	v3 =	vadd.s32 v1, v3;
	_ =	sdelay $0x2  }
0x102: {  	[tilespmem:s22], [sflag:$0x1] =	stream.indirect_vreg.gather [hbm4b:s3+s2], $0x80, v4, vm0, $0xb8;
	[tilespmem:$0x8400] =	vst v63  }
0x103: {  	_ = 	snop  }
0x104: {  	[tilespmem:s23], [sflag:$0x1] =	stream.indirect_vreg.gather [hbm4b:s3+s2], $0x80, v3, vm0, $0xb8;
	[tilespmem:$0x8400] =	vst v63  }
0x105: {  	v3 =	vld [tilespmem:$0x160];
	_ =	sdelay $0x4  }
0x106: {  	v46 =	vshll.u32 v3, $0x1  }
0x107: {  	v3 =	vand.u32 $0x7, v3;
	v4 =	vand.u32 $0xFFFFFFF0, v46  }
0x108: {  	v3 =	vor.u32 v3, v4  }
0x109: {  	v4 =	vperm.xlane v3, v0;
	_ =	sdelay $0x1  }
0x10a: {  	v3 =	vperm.xlane v3, v2;
	v4 =	vadd.s32 v1, v4;
	_ =	sdelay $0x1  }
0x10b: {  	v3 =	vadd.s32 v1, v3;
	_ =	sdelay $0x2  }
0x10c: {  	[tilespmem:s24], [sflag:$0x1] =	stream.indirect_vreg.gather [hbm4b:s3+s2], $0x80, v4, vm0, $0xb8;
	[tilespmem:$0x8400] =	vst v63  }
0x10d: {  	_ = 	snop  }
0x10e: {  	[tilespmem:s25], [sflag:$0x1] =	stream.indirect_vreg.gather [hbm4b:s3+s2], $0x80, v3, vm0, $0xb8;
	[tilespmem:$0x8400] =	vst v63  }
0x10f: {  	v3 =	vld [tilespmem:$0x170];
	_ =	sdelay $0x4  }
0x110: {  	v47 =	vshll.u32 v3, $0x1  }
0x111: {  	v3 =	vand.u32 $0x7, v3;
	v4 =	vand.u32 $0xFFFFFFF0, v47  }
0x112: {  	v3 =	vor.u32 v3, v4  }
0x113: {  	v4 =	vperm.xlane v3, v0;
	_ =	sdelay $0x1  }
0x114: {  	v3 =	vperm.xlane v3, v2;
	v4 =	vadd.s32 v1, v4;
	_ =	sdelay $0x1  }
0x115: {  	v3 =	vadd.s32 v1, v3;
	_ =	sdelay $0x2  }
0x116: {  	[tilespmem:s26], [sflag:$0x1] =	stream.indirect_vreg.gather [hbm4b:s3+s2], $0x80, v4, vm0, $0xb8;
	[tilespmem:$0x8400] =	vst v63  }
0x117: {  	_ = 	snop  }
0x118: {  	[tilespmem:s28], [sflag:$0x1] =	stream.indirect_vreg.gather [hbm4b:s3+s2], $0x80, v3, vm0, $0xb8;
	[tilespmem:$0x8400] =	vst v63  }
0x119: {  	_ =	swait.ge [sflag:s29], $0x8000  }
0x11a: {  	[sflag:s29] =	ssyncset.done $0x0  }
0x11b: {  	[sflag:s29] =	ssyncadd.s32 $0xFFFF8000  }
0x11c: {  	[hbm4b:s7+s2] =	stream.linear.scatter [tilespmem:s12], [sflag:$0x2], $0x8000, $0x38;
	[tilespmem:$0x8400] =	vst v63  }
0x11d: {  	_ =	swait.ge [sflag:s11], $0x8000  }
0x11e: {  	[sflag:s11] =	ssyncset.done $0x0  }
0x11f: {  	[sflag:s11] =	ssyncadd.s32 $0xFFFF8000  }
0x120: {  	v3 =	vld [tilespmem:$0x180];
	_ =	sdelay $0x4  }
0x121: {  	v48 =	vshll.u32 v3, $0x1  }
0x122: {  	v3 =	vand.u32 $0x7, v3;
	v4 =	vand.u32 $0xFFFFFFF0, v48  }
0x123: {  	v3 =	vor.u32 v3, v4  }
0x124: {  	v4 =	vperm.xlane v3, v0;
	_ =	sdelay $0x1  }
0x125: {  	v3 =	vperm.xlane v3, v2;
	v4 =	vadd.s32 v1, v4;
	_ =	sdelay $0x1  }
0x126: {  	v3 =	vadd.s32 v1, v3;
	_ =	sdelay $0x2  }
0x127: {  	[tilespmem:s12], [sflag:$0x1] =	stream.indirect_vreg.gather [hbm4b:s3+s2], $0x80, v4, vm0, $0xb8;
	[tilespmem:$0x8400] =	vst v63  }
0x128: {  	_ = 	snop  }
0x129: {  	[tilespmem:s13], [sflag:$0x1] =	stream.indirect_vreg.gather [hbm4b:s3+s2], $0x80, v3, vm0, $0xb8;
	[tilespmem:$0x8400] =	vst v63  }
0x12a: {  	v3 =	vld [tilespmem:$0x190];
	_ =	sdelay $0x4  }
0x12b: {  	v49 =	vshll.u32 v3, $0x1  }
0x12c: {  	v3 =	vand.u32 $0x7, v3;
	v4 =	vand.u32 $0xFFFFFFF0, v49  }
0x12d: {  	v3 =	vor.u32 v3, v4  }
0x12e: {  	v4 =	vperm.xlane v3, v0;
	_ =	sdelay $0x1  }
0x12f: {  	v3 =	vperm.xlane v3, v2;
	v4 =	vadd.s32 v1, v4;
	_ =	sdelay $0x1  }
0x130: {  	v3 =	vadd.s32 v1, v3;
	_ =	sdelay $0x2  }
0x131: {  	[tilespmem:s14], [sflag:$0x1] =	stream.indirect_vreg.gather [hbm4b:s3+s2], $0x80, v4, vm0, $0xb8;
	[tilespmem:$0x8400] =	vst v63  }
0x132: {  	_ = 	snop  }
0x133: {  	[tilespmem:s15], [sflag:$0x1] =	stream.indirect_vreg.gather [hbm4b:s3+s2], $0x80, v3, vm0, $0xb8;
	[tilespmem:$0x8400] =	vst v63  }
0x134: {  	v3 =	vld [tilespmem:$0x1A0];
	_ =	sdelay $0x4  }
0x135: {  	v50 =	vshll.u32 v3, $0x1  }
0x136: {  	v3 =	vand.u32 $0x7, v3;
	v4 =	vand.u32 $0xFFFFFFF0, v50  }
0x137: {  	v3 =	vor.u32 v3, v4  }
0x138: {  	v4 =	vperm.xlane v3, v0;
	_ =	sdelay $0x1  }
0x139: {  	v3 =	vperm.xlane v3, v2;
	v4 =	vadd.s32 v1, v4;
	_ =	sdelay $0x1  }
0x13a: {  	v3 =	vadd.s32 v1, v3;
	_ =	sdelay $0x2  }
0x13b: {  	[tilespmem:s16], [sflag:$0x1] =	stream.indirect_vreg.gather [hbm4b:s3+s2], $0x80, v4, vm0, $0xb8;
	[tilespmem:$0x8400] =	vst v63  }
0x13c: {  	_ = 	snop  }
0x13d: {  	[tilespmem:s17], [sflag:$0x1] =	stream.indirect_vreg.gather [hbm4b:s3+s2], $0x80, v3, vm0, $0xb8;
	[tilespmem:$0x8400] =	vst v63  }
0x13e: {  	v3 =	vld [tilespmem:$0x1B0];
	_ =	sdelay $0x4  }
0x13f: {  	v51 =	vshll.u32 v3, $0x1  }
0x140: {  	v3 =	vand.u32 $0x7, v3;
	v4 =	vand.u32 $0xFFFFFFF0, v51  }
0x141: {  	v3 =	vor.u32 v3, v4  }
0x142: {  	v4 =	vperm.xlane v3, v0;
	_ =	sdelay $0x1  }
0x143: {  	v3 =	vperm.xlane v3, v2;
	v4 =	vadd.s32 v1, v4;
	_ =	sdelay $0x1  }
0x144: {  	v3 =	vadd.s32 v1, v3;
	_ =	sdelay $0x2  }
0x145: {  	[tilespmem:s18], [sflag:$0x1] =	stream.indirect_vreg.gather [hbm4b:s3+s2], $0x80, v4, vm0, $0xb8;
	[tilespmem:$0x8400] =	vst v63  }
0x146: {  	_ = 	snop  }
0x147: {  	[tilespmem:s19], [sflag:$0x1] =	stream.indirect_vreg.gather [hbm4b:s3+s2], $0x80, v3, vm0, $0xb8;
	[tilespmem:$0x8400] =	vst v63  }
0x148: {  	v3 =	vld [tilespmem:$0x1C0];
	_ =	sdelay $0x4  }
0x149: {  	v52 =	vshll.u32 v3, $0x1  }
0x14a: {  	v3 =	vand.u32 $0x7, v3;
	v4 =	vand.u32 $0xFFFFFFF0, v52  }
0x14b: {  	v3 =	vor.u32 v3, v4  }
0x14c: {  	v4 =	vperm.xlane v3, v0;
	_ =	sdelay $0x1  }
0x14d: {  	v3 =	vperm.xlane v3, v2;
	v4 =	vadd.s32 v1, v4;
	_ =	sdelay $0x1  }
0x14e: {  	v3 =	vadd.s32 v1, v3;
	_ =	sdelay $0x2  }
0x14f: {  	[tilespmem:s20], [sflag:$0x1] =	stream.indirect_vreg.gather [hbm4b:s3+s2], $0x80, v4, vm0, $0xb8;
	[tilespmem:$0x8400] =	vst v63  }
0x150: {  	_ = 	snop  }
0x151: {  	[tilespmem:s21], [sflag:$0x1] =	stream.indirect_vreg.gather [hbm4b:s3+s2], $0x80, v3, vm0, $0xb8;
	[tilespmem:$0x8400] =	vst v63  }
0x152: {  	v3 =	vld [tilespmem:$0x1D0];
	_ =	sdelay $0x4  }
0x153: {  	v53 =	vshll.u32 v3, $0x1  }
0x154: {  	v3 =	vand.u32 $0x7, v3;
	v4 =	vand.u32 $0xFFFFFFF0, v53  }
0x155: {  	v3 =	vor.u32 v3, v4  }
0x156: {  	v4 =	vperm.xlane v3, v0;
	_ =	sdelay $0x1  }
0x157: {  	v3 =	vperm.xlane v3, v2;
	v4 =	vadd.s32 v1, v4;
	_ =	sdelay $0x1  }
0x158: {  	v3 =	vadd.s32 v1, v3;
	_ =	sdelay $0x2  }
0x159: {  	[tilespmem:s22], [sflag:$0x1] =	stream.indirect_vreg.gather [hbm4b:s3+s2], $0x80, v4, vm0, $0xb8;
	[tilespmem:$0x8400] =	vst v63  }
0x15a: {  	_ = 	snop  }
0x15b: {  	[tilespmem:s23], [sflag:$0x1] =	stream.indirect_vreg.gather [hbm4b:s3+s2], $0x80, v3, vm0, $0xb8;
	[tilespmem:$0x8400] =	vst v63  }
0x15c: {  	v3 =	vld [tilespmem:$0x1E0];
	_ =	sdelay $0x4  }
0x15d: {  	v54 =	vshll.u32 v3, $0x1  }
0x15e: {  	v3 =	vand.u32 $0x7, v3;
	v4 =	vand.u32 $0xFFFFFFF0, v54  }
0x15f: {  	v3 =	vor.u32 v3, v4  }
0x160: {  	v4 =	vperm.xlane v3, v0;
	_ =	sdelay $0x1  }
0x161: {  	v3 =	vperm.xlane v3, v2;
	v4 =	vadd.s32 v1, v4;
	_ =	sdelay $0x1  }
0x162: {  	v3 =	vadd.s32 v1, v3;
	_ =	sdelay $0x2  }
0x163: {  	[tilespmem:s24], [sflag:$0x1] =	stream.indirect_vreg.gather [hbm4b:s3+s2], $0x80, v4, vm0, $0xb8;
	[tilespmem:$0x8400] =	vst v63  }
0x164: {  	_ = 	snop  }
0x165: {  	[tilespmem:s25], [sflag:$0x1] =	stream.indirect_vreg.gather [hbm4b:s3+s2], $0x80, v3, vm0, $0xb8;
	[tilespmem:$0x8400] =	vst v63  }
0x166: {  	v3 =	vld [tilespmem:$0x1F0];
	_ =	sdelay $0x4  }
0x167: {  	v55 =	vshll.u32 v3, $0x1  }
0x168: {  	v3 =	vand.u32 $0x7, v3;
	v4 =	vand.u32 $0xFFFFFFF0, v55  }
0x169: {  	v3 =	vor.u32 v3, v4  }
0x16a: {  	v4 =	vperm.xlane v3, v0;
	_ =	sdelay $0x1  }
0x16b: {  	v3 =	vperm.xlane v3, v2;
	v4 =	vadd.s32 v1, v4;
	_ =	sdelay $0x1  }
0x16c: {  	v3 =	vadd.s32 v1, v3;
	_ =	sdelay $0x2  }
0x16d: {  	[tilespmem:s26], [sflag:$0x1] =	stream.indirect_vreg.gather [hbm4b:s3+s2], $0x80, v4, vm0, $0xb8;
	[tilespmem:$0x8400] =	vst v63  }
0x16e: {  	_ = 	snop  }
0x16f: {  	[tilespmem:s28], [sflag:$0x1] =	stream.indirect_vreg.gather [hbm4b:s3+s2], $0x80, v3, vm0, $0xb8;
	[tilespmem:$0x8400] =	vst v63  }
0x170: {  	_ =	swait.ge [sflag:s29], $0x8000  }
0x171: {  	[sflag:s29] =	ssyncset.done $0x0  }
0x172: {  	[sflag:s29] =	ssyncadd.s32 $0xFFFF8000  }
0x173: {  	[hbm4b:s8+s2] =	stream.linear.scatter [tilespmem:s12], [sflag:$0x2], $0x8000, $0x38;
	[tilespmem:$0x8400] =	vst v63  }
0x174: {  	_ =	swait.ge [sflag:s11], $0x8000  }
0x175: {  	[sflag:s11] =	ssyncset.done $0x0  }
0x176: {  	[sflag:s11] =	ssyncadd.s32 $0xFFFF8000  }
0x177: {  	v3 =	vld [tilespmem:$0x200];
	_ =	sdelay $0x4  }
0x178: {  	v56 =	vshll.u32 v3, $0x1  }
0x179: {  	v3 =	vand.u32 $0x7, v3;
	v4 =	vand.u32 $0xFFFFFFF0, v56  }
0x17a: {  	v3 =	vor.u32 v3, v4  }
0x17b: {  	v4 =	vperm.xlane v3, v0;
	_ =	sdelay $0x1  }
0x17c: {  	v3 =	vperm.xlane v3, v2;
	v4 =	vadd.s32 v1, v4;
	_ =	sdelay $0x1  }
0x17d: {  	v3 =	vadd.s32 v1, v3;
	_ =	sdelay $0x2  }
0x17e: {  	[tilespmem:s12], [sflag:$0x1] =	stream.indirect_vreg.gather [hbm4b:s3+s2], $0x80, v4, vm0, $0xb8;
	[tilespmem:$0x8400] =	vst v63  }
0x17f: {  	_ = 	snop  }
0x180: {  	[tilespmem:s13], [sflag:$0x1] =	stream.indirect_vreg.gather [hbm4b:s3+s2], $0x80, v3, vm0, $0xb8;
	[tilespmem:$0x8400] =	vst v63  }
0x181: {  	v3 =	vld [tilespmem:$0x210];
	_ =	sdelay $0x4  }
0x182: {  	v57 =	vshll.u32 v3, $0x1  }
0x183: {  	v3 =	vand.u32 $0x7, v3;
	v4 =	vand.u32 $0xFFFFFFF0, v57  }
0x184: {  	v3 =	vor.u32 v3, v4  }
0x185: {  	v4 =	vperm.xlane v3, v0;
	_ =	sdelay $0x1  }
0x186: {  	v3 =	vperm.xlane v3, v2;
	v4 =	vadd.s32 v1, v4;
	_ =	sdelay $0x1  }
0x187: {  	v3 =	vadd.s32 v1, v3;
	_ =	sdelay $0x2  }
0x188: {  	[tilespmem:s14], [sflag:$0x1] =	stream.indirect_vreg.gather [hbm4b:s3+s2], $0x80, v4, vm0, $0xb8;
	[tilespmem:$0x8400] =	vst v63  }
0x189: {  	_ = 	snop  }
0x18a: {  	[tilespmem:s15], [sflag:$0x1] =	stream.indirect_vreg.gather [hbm4b:s3+s2], $0x80, v3, vm0, $0xb8;
	[tilespmem:$0x8400] =	vst v63  }
0x18b: {  	v3 =	vld [tilespmem:$0x220];
	_ =	sdelay $0x4  }
0x18c: {  	v58 =	vshll.u32 v3, $0x1  }
0x18d: {  	v3 =	vand.u32 $0x7, v3;
	v4 =	vand.u32 $0xFFFFFFF0, v58  }
0x18e: {  	v3 =	vor.u32 v3, v4  }
0x18f: {  	v4 =	vperm.xlane v3, v0;
	_ =	sdelay $0x1  }
0x190: {  	v3 =	vperm.xlane v3, v2;
	v4 =	vadd.s32 v1, v4;
	_ =	sdelay $0x1  }
0x191: {  	v3 =	vadd.s32 v1, v3;
	_ =	sdelay $0x2  }
0x192: {  	[tilespmem:s16], [sflag:$0x1] =	stream.indirect_vreg.gather [hbm4b:s3+s2], $0x80, v4, vm0, $0xb8;
	[tilespmem:$0x8400] =	vst v63  }
0x193: {  	_ = 	snop  }
0x194: {  	[tilespmem:s17], [sflag:$0x1] =	stream.indirect_vreg.gather [hbm4b:s3+s2], $0x80, v3, vm0, $0xb8;
	[tilespmem:$0x8400] =	vst v63  }
0x195: {  	v3 =	vld [tilespmem:$0x230];
	_ =	sdelay $0x4  }
0x196: {  	v59 =	vshll.u32 v3, $0x1  }
0x197: {  	v3 =	vand.u32 $0x7, v3;
	v4 =	vand.u32 $0xFFFFFFF0, v59  }
0x198: {  	v3 =	vor.u32 v3, v4  }
0x199: {  	v4 =	vperm.xlane v3, v0;
	_ =	sdelay $0x1  }
0x19a: {  	v3 =	vperm.xlane v3, v2;
	v4 =	vadd.s32 v1, v4;
	_ =	sdelay $0x1  }
0x19b: {  	v3 =	vadd.s32 v1, v3;
	_ =	sdelay $0x2  }
0x19c: {  	[tilespmem:s18], [sflag:$0x1] =	stream.indirect_vreg.gather [hbm4b:s3+s2], $0x80, v4, vm0, $0xb8;
	[tilespmem:$0x8400] =	vst v63  }
0x19d: {  	_ = 	snop  }
0x19e: {  	[tilespmem:s19], [sflag:$0x1] =	stream.indirect_vreg.gather [hbm4b:s3+s2], $0x80, v3, vm0, $0xb8;
	[tilespmem:$0x8400] =	vst v63  }
0x19f: {  	v3 =	vld [tilespmem:$0x240];
	_ =	sdelay $0x4  }
0x1a0: {  	v60 =	vshll.u32 v3, $0x1  }
0x1a1: {  	v3 =	vand.u32 $0x7, v3;
	v4 =	vand.u32 $0xFFFFFFF0, v60  }
0x1a2: {  	v3 =	vor.u32 v3, v4  }
0x1a3: {  	v4 =	vperm.xlane v3, v0;
	_ =	sdelay $0x1  }
0x1a4: {  	v3 =	vperm.xlane v3, v2;
	v4 =	vadd.s32 v1, v4;
	_ =	sdelay $0x1  }
0x1a5: {  	v3 =	vadd.s32 v1, v3;
	_ =	sdelay $0x2  }
0x1a6: {  	[tilespmem:s20], [sflag:$0x1] =	stream.indirect_vreg.gather [hbm4b:s3+s2], $0x80, v4, vm0, $0xb8;
	[tilespmem:$0x8400] =	vst v63  }
0x1a7: {  	_ = 	snop  }
0x1a8: {  	[tilespmem:s21], [sflag:$0x1] =	stream.indirect_vreg.gather [hbm4b:s3+s2], $0x80, v3, vm0, $0xb8;
	[tilespmem:$0x8400] =	vst v63  }
0x1a9: {  	v3 =	vld [tilespmem:$0x250];
	_ =	sdelay $0x4  }
0x1aa: {  	v61 =	vshll.u32 v3, $0x1  }
0x1ab: {  	v3 =	vand.u32 $0x7, v3;
	v4 =	vand.u32 $0xFFFFFFF0, v61  }
0x1ac: {  	v3 =	vor.u32 v3, v4  }
0x1ad: {  	v4 =	vperm.xlane v3, v0;
	_ =	sdelay $0x1  }
0x1ae: {  	v3 =	vperm.xlane v3, v2;
	v4 =	vadd.s32 v1, v4;
	_ =	sdelay $0x1  }
0x1af: {  	v3 =	vadd.s32 v1, v3;
	_ =	sdelay $0x2  }
0x1b0: {  	[tilespmem:s22], [sflag:$0x1] =	stream.indirect_vreg.gather [hbm4b:s3+s2], $0x80, v4, vm0, $0xb8;
	[tilespmem:$0x8400] =	vst v63  }
0x1b1: {  	_ = 	snop  }
0x1b2: {  	[tilespmem:s23], [sflag:$0x1] =	stream.indirect_vreg.gather [hbm4b:s3+s2], $0x80, v3, vm0, $0xb8;
	[tilespmem:$0x8400] =	vst v63  }
0x1b3: {  	v3 =	vld [tilespmem:$0x260];
	_ =	sdelay $0x4  }
0x1b4: {  	v62 =	vshll.u32 v3, $0x1  }
0x1b5: {  	v3 =	vand.u32 $0x7, v3;
	v4 =	vand.u32 $0xFFFFFFF0, v62  }
0x1b6: {  	v3 =	vor.u32 v3, v4  }
0x1b7: {  	v4 =	vperm.xlane v3, v0;
	_ =	sdelay $0x1  }
0x1b8: {  	v3 =	vperm.xlane v3, v2;
	v4 =	vadd.s32 v1, v4;
	_ =	sdelay $0x1  }
0x1b9: {  	v3 =	vadd.s32 v1, v3;
	_ =	sdelay $0x2  }
0x1ba: {  	[tilespmem:s24], [sflag:$0x1] =	stream.indirect_vreg.gather [hbm4b:s3+s2], $0x80, v4, vm0, $0xb8;
	[tilespmem:$0x8400] =	vst v63  }
0x1bb: {  	_ = 	snop  }
0x1bc: {  	[tilespmem:s25], [sflag:$0x1] =	stream.indirect_vreg.gather [hbm4b:s3+s2], $0x80, v3, vm0, $0xb8;
	[tilespmem:$0x8400] =	vst v63  }
0x1bd: {  	v3 =	vld [tilespmem:$0x270];
	_ =	sdelay $0x4  }
0x1be: {  	v63 =	vshll.u32 v3, $0x1  }
0x1bf: {  	v3 =	vand.u32 $0x7, v3;
	v4 =	vand.u32 $0xFFFFFFF0, v63  }
0x1c0: {  	v3 =	vor.u32 v3, v4  }
0x1c1: {  	v4 =	vperm.xlane v3, v0;
	_ =	sdelay $0x1  }
0x1c2: {  	v3 =	vperm.xlane v3, v2;
	v4 =	vadd.s32 v1, v4;
	_ =	sdelay $0x1  }
0x1c3: {  	v3 =	vadd.s32 v1, v3;
	_ =	sdelay $0x2  }
0x1c4: {  	[tilespmem:s26], [sflag:$0x1] =	stream.indirect_vreg.gather [hbm4b:s3+s2], $0x80, v4, vm0, $0xb8;
	[tilespmem:$0x8400] =	vst v63  }
0x1c5: {  	_ = 	snop  }
0x1c6: {  	[tilespmem:s28], [sflag:$0x1] =	stream.indirect_vreg.gather [hbm4b:s3+s2], $0x80, v3, vm0, $0xb8;
	[tilespmem:$0x8400] =	vst v63  }
0x1c7: {  	_ =	swait.ge [sflag:s29], $0x8000  }
0x1c8: {  	[sflag:s29] =	ssyncset.done $0x0  }
.Ltmp3:
0x1c9: {  	[sflag:s29] =	ssyncadd.s32 $0xFFFF8000;
	(pc) =	sbr.rel .LBB2_3-.Ltmp3, $4  }
0x1ca: {  	[hbm4b:s9+s2] =	stream.linear.scatter [tilespmem:s12], [sflag:$0x2], $0x8000, $0x38;
	[tilespmem:$0x8400] =	vst v63  }
0x1cb: {  	_ =	swait.ge [sflag:s11], $0x8000  }
0x1cc: {  	[sflag:s11] =	ssyncset.done $0x0  }
0x1cd: {  	[sflag:s11] =	ssyncadd.s32 $0xFFFF8000  }
.LBB2_4:
0x1ce: {  	_ =	sfence.sel $0x180000  }
0x1cf: {  	[bflag:$0x0] =	sbarrier.arrive $0xFFFF  }
0x1d0: {  	p0 =	sne.s32 s1, $0x0;
	_ =	strace $0x9000004D  }
0x1d1: {  	s0 =	sadd.s32 @!p0 $0x100000, s0;
	[bflag:$0x2] =	sbarrier.arrive $0xFFFF  }
0x1d2: {  	[sflag:s0] =	ssyncadd.tile.s32 @!p0 $0x1;
	_ =	shalt  }
.Lfunc_end2:
_tile_overlayer_lowered:
.L_overlay_start_2:
0x1d3: {  	(tag) =	ssettag $0x2  }
0x1d4: {  	s0 =	rddreg [dreg:$0x0];
	s2 =	stileid.u32  }
0x1d5: {  	s1 =	rddreg [dreg:$0x1];
	p0 =	sne.s32 s2, $0x0  }
0x1d6: {  	s3 =	rddreg [dreg:$0x2];
	[bflag:$0x3] =	sbarrier.arrive $0xFFFF;
	s2 =	simm.s32 @!p0 $0x1C02  }
0x1d7: {  	[timem:s3], [sflag:s2] =	dma.local @!p0 [hbm:s0], s1  }
0x1d8: {  	s0 =	simm.s32 @!p0 $0x2  }
0x1d9: {  	_ =	swait.ge @!p0 [sflag:s0], s1  }
0x1da: {  	s1 =	ssub.s32 @!p0 $0x0, s1;
	[sflag:s0] =	ssyncset.done @!p0 $0x0  }
0x1db: {  	[sflag:s0] =	ssyncadd.s32 @!p0 s1  }
0x1dc: {  	[bflag:$0x3] =	sbarrier.arrive $0xFFFF  }
0x1dd: {  	_ =	shalt  }

</sc_bundles>
